<compile_context>
chip_gen: v7x
topology: tpu7x:2x2x1
jax: 0.10.2.dev20260603
libtpu: 0.0.44.dev20260713+nightly
codegen_flags: <defaults>
</compile_context>

<pallas_src>
import functools

import jax
import jax.numpy as jnp
from jax import lax
from jax.experimental import pallas as pl
from jax.experimental.pallas import tpu as pltpu
from jax.experimental.pallas import tpu_sc as plsc

N = 10000
E = 160000
D = 128

BN = 2000
BE = 2000

G = 128
NW = 32
NGROUPS = E // G
GPAD = ((NGROUPS + NW - 1) // NW) * NW
EPAD = GPAD * G
GPW = GPAD // NW


def _silu(x):
    return x * jax.nn.sigmoid(x)


def _nodes_pre_body(species, t, ea_W, ea_b, rff_W, tm_W1, tm_b1, tm_W2, tm_b2,
                    f_out, te_out):
    f_out[...] = (jnp.dot(species[...], ea_W[...],
                          preferred_element_type=jnp.float32) + ea_b[...])
    proj = (2.0 * jnp.pi) * (t[...] * rff_W[...])
    feats = jnp.concatenate([jnp.cos(proj), jnp.sin(proj)], axis=-1)
    u = _silu(jnp.dot(feats, tm_W1[...], preferred_element_type=jnp.float32)
              + tm_b1[...])
    te_out[...] = (jnp.dot(u, tm_W2[...], preferred_element_type=jnp.float32)
                   + tm_b2[...])


def _nodes_pre(species, t, ea_W, ea_b, rff_W, tm_W1, tm_b1, tm_W2, tm_b2):
    nb = N // BN
    full = lambda shape: pl.BlockSpec(shape, lambda n: (0,) * len(shape))
    return pl.pallas_call(
        _nodes_pre_body,
        grid=(nb,),
        in_specs=[
            pl.BlockSpec((BN, 100), lambda n: (n, 0)),
            pl.BlockSpec((BN, 1), lambda n: (n, 0)),
            full((100, D)), full((1, D)), full((1, D // 2)),
            full((D, D)), full((1, D)), full((D, D)), full((1, D)),
        ],
        out_specs=[
            pl.BlockSpec((BN, D), lambda n: (n, 0)),
            pl.BlockSpec((BN, D), lambda n: (n, 0)),
        ],
        out_shape=[
            jax.ShapeDtypeStruct((NPAD, D), jnp.float32),
            jax.ShapeDtypeStruct((NPAD, D), jnp.float32),
        ],
    )(species, t, ea_W, ea_b, rff_W, tm_W1, tm_b1, tm_W2, tm_b2)


def _ea_body(edge_attrT, W1, b1, W2, b2, ea_out):
    u = _silu(lax.dot_general(edge_attrT[...], W1[...],
                              (((0,), (0,)), ((), ())),
                              preferred_element_type=jnp.float32) + b1[...])
    ea_out[...] = (jnp.dot(u, W2[...], preferred_element_type=jnp.float32)
                   + b2[...])


def _ea_mlp(edge_attrT, W1, b1, W2, b2):
    be = 2048
    nb = (E + be - 1) // be
    full = lambda shape: pl.BlockSpec(shape, lambda n: (0,) * len(shape))
    return pl.pallas_call(
        _ea_body,
        grid=(nb,),
        in_specs=[
            pl.BlockSpec((120, be), lambda n: (0, n)),
            full((120, D)), full((1, D)), full((D, D)), full((1, D)),
        ],
        out_specs=pl.BlockSpec((be, D), lambda n: (n, 0)),
        out_shape=jax.ShapeDtypeStruct((E, D), jnp.float32),
    )(edge_attrT, W1, b1, W2, b2)


BE3 = 2048


def _edges_body(fi, fj, ea, evT, ps_W1, ps_b1, ps_W2, ps_b2,
                pv_W1, pv_b1, pv_W2, pv_b2, out, *, blk_lo):
    fi_v = fi[...]
    fj_v = fj[...]
    ea_v = ea[...]

    def mlp3(W1, b1, W2, b2):
        u = (jnp.dot(fi_v, W1[0:D], preferred_element_type=jnp.float32)
             + jnp.dot(fj_v, W1[D:2 * D], preferred_element_type=jnp.float32)
             + jnp.dot(ea_v, W1[2 * D:3 * D], preferred_element_type=jnp.float32)
             + b1[...])
        return jnp.dot(_silu(u), W2[...],
                       preferred_element_type=jnp.float32) + b2[...]

    rows = ((pl.program_id(0) + blk_lo) * BE3
            + lax.broadcasted_iota(jnp.int32, (BE3, 1), 0))
    valid = rows < E
    msg = mlp3(ps_W1, ps_b1, ps_W2, ps_b2) * fi_v
    vw = mlp3(pv_W1, pv_b1, pv_W2, pv_b2)
    eye3 = (lax.broadcasted_iota(jnp.int32, (3, 3), 0)
            == lax.broadcasted_iota(jnp.int32, (3, 3), 1)).astype(jnp.float32)
    ev_v = lax.dot_general(evT[...], eye3, (((0,), (0,)), ((), ())),
                           preferred_element_type=jnp.float32)
    out[0] = jnp.where(valid, msg, 0.0)
    out[1] = jnp.where(valid, vw * ev_v[:, 0:1], 0.0)
    out[2] = jnp.where(valid, vw * ev_v[:, 1:2], 0.0)
    out[3] = jnp.where(valid, vw * ev_v[:, 2:3], 0.0)


NBH = (EPAD // BE3) // 2


def _edges_mlp(fi, fj, ea, edge_vec, ps_W1, ps_b1, ps_W2, ps_b2,
               pv_W1, pv_b1, pv_W2, pv_b2, blk_lo):
    full = lambda shape: pl.BlockSpec(shape, lambda n: (0,) * len(shape))
    body = functools.partial(_edges_body, blk_lo=blk_lo)
    return pl.pallas_call(
        body,
        grid=(NBH,),
        in_specs=[
            pl.BlockSpec((BE3, D), lambda n: (n + blk_lo, 0)),
            pl.BlockSpec((BE3, D), lambda n: (n + blk_lo, 0)),
            pl.BlockSpec((BE3, D), lambda n: (jnp.minimum(n + blk_lo, 78), 0)),
            pl.BlockSpec((3, BE3), lambda n: (0, jnp.minimum(n + blk_lo, 78))),
            full((3 * D, D)), full((1, D)), full((D, D)), full((1, D)),
            full((3 * D, D)), full((1, D)), full((D, D)), full((1, D)),
        ],
        out_specs=pl.BlockSpec((4, BE3, D), lambda n: (0, n, 0)),
        out_shape=jax.ShapeDtypeStruct((4, NBH * BE3, D), jnp.float32),
    )(fi, fj, ea, edge_vec, ps_W1, ps_b1, ps_W2, ps_b2,
      pv_W1, pv_b1, pv_W2, pv_b2)


def _h0_body(f, agg, te, W1, b1, W2, b2, h0_out):
    u = (jnp.dot(f[...], W1[0:D], preferred_element_type=jnp.float32)
         + jnp.dot(agg[...], W1[D:2 * D], preferred_element_type=jnp.float32)
         + b1[...])
    h0_out[...] = (jnp.dot(_silu(u), W2[...],
                           preferred_element_type=jnp.float32)
                   + b2[...] + te[...])


def _h0_mlp(f, agg, te, W1, b1, W2, b2):
    nb = N // BN
    full = lambda shape: pl.BlockSpec(shape, lambda n: (0,) * len(shape))
    return pl.pallas_call(
        _h0_body,
        grid=(nb,),
        in_specs=[
            pl.BlockSpec((BN, D), lambda n: (n, 0)),
            pl.BlockSpec((BN, D), lambda n: (n, 0)),
            pl.BlockSpec((BN, D), lambda n: (n, 0)),
            full((2 * D, D)), full((1, D)), full((D, D)), full((1, D)),
        ],
        out_specs=pl.BlockSpec((BN, D), lambda n: (n, 0)),
        out_shape=jax.ShapeDtypeStruct((N, D), jnp.float32),
    )(f, agg, te, W1, b1, W2, b2)


def _sc_gather(f, ig, jg):
    mesh = plsc.VectorSubcoreMesh(core_axis_name="c", subcore_axis_name="s")

    @functools.partial(
        pl.kernel,
        mesh=mesh,
        out_type=[jax.ShapeDtypeStruct((EPAD, D), jnp.float32),
                  jax.ShapeDtypeStruct((EPAD, D), jnp.float32)],
        scratch_types=[
            pltpu.VMEM_SHARED((NPAD, D), jnp.float32),
            pltpu.VMEM((GPW, G), jnp.int32),
            pltpu.VMEM((GPW, G), jnp.int32),
            pltpu.VMEM((G, D), jnp.float32),
            pltpu.VMEM((G, D), jnp.float32),
            pltpu.SemaphoreType.DMA,
            pltpu.SemaphoreType.DMA,
        ],
    )
    def k(f_hbm, ig_hbm, jg_hbm, fi_hbm, fj_hbm,
          fsh, iv, jv, ri, rj, gs, ws):
        c = lax.axis_index("c")
        s = lax.axis_index("s")
        wid = s * 2 + c
        start = wid * GPW
        pltpu.sync_copy(f_hbm.at[pl.ds(s * NROWS, NROWS)],
                        fsh.at[pl.ds(s * NROWS, NROWS)])
        pltpu.sync_copy(ig_hbm.at[pl.ds(start, GPW)], iv)
        pltpu.sync_copy(jg_hbm.at[pl.ds(start, GPW)], jv)
        plsc.subcore_barrier()

        def drain_wb():
            pltpu.make_async_copy(ri, fi_hbm.at[pl.ds(0, G)], ws).wait()
            pltpu.make_async_copy(rj, fj_hbm.at[pl.ds(0, G)], ws).wait()

        def body(t, carry):
            @pl.when(t > 0)
            def _():
                drain_wb()

            ci = pltpu.async_copy(fsh.at[iv.at[t]], ri, gs)
            cj = pltpu.async_copy(fsh.at[jv.at[t]], rj, gs)
            ci.wait()
            pltpu.async_copy(ri, fi_hbm.at[pl.ds((start + t) * G, G)], ws)
            cj.wait()
            pltpu.async_copy(rj, fj_hbm.at[pl.ds((start + t) * G, G)], ws)
            return carry

        lax.fori_loop(0, GPW, body, 0)
        drain_wb()

    return k(f, ig, jg)


NSUB = 16
GHALF = GPAD // 2
GPSU = GHALF // NSUB
NPAD = 10240
NROWS = NPAD // NSUB
ZR = 128


def _sc_scatter(stacked, jg, base_group, init):
    mesh = plsc.VectorSubcoreMesh(core_axis_name="c", subcore_axis_name="s")
    have_init = init is not None
    scratch = [
        pltpu.VMEM((GPSU, G), jnp.int32),
        pltpu.VMEM((G, D), jnp.float32),
        pltpu.VMEM((G, D), jnp.float32),
        pltpu.VMEM_SHARED((NPAD, D), jnp.float32),
        pltpu.SemaphoreType.DMA,
        pltpu.SemaphoreType.DMA,
    ]

    @functools.partial(
        pl.kernel,
        mesh=mesh,
        out_type=jax.ShapeDtypeStruct((4, NPAD, D), jnp.float32),
        scratch_types=scratch,
    )
    def k(st_hbm, jg_hbm, *rest):
        if have_init:
            init_hbm, out_hbm, idxv, dbufA, dbufB, acc, lsA, lsB = rest
        else:
            out_hbm, idxv, dbufA, dbufB, acc, lsA, lsB = rest
        c = lax.axis_index("c")
        s = lax.axis_index("s")

        start = s * GPSU
        pltpu.sync_copy(jg_hbm.at[pl.ds(base_group + start, GPSU)], idxv)
        NIT = GPSU // 2

        for p in range(2):
            pass_idx = c * 2 + p

            if have_init:
                pltpu.sync_copy(init_hbm.at[pass_idx,
                                            pl.ds(s * NROWS, NROWS)],
                                acc.at[pl.ds(s * NROWS, NROWS)])
            else:
                def zb(tt, carry):
                    dbufA[tt // 8, pl.ds((tt % 8) * 16, 16)] = jnp.zeros(
                        (16,), jnp.float32)
                    return carry

                lax.fori_loop(0, ZR * 8, zb, 0)
                for q in range(NROWS // ZR):
                    pltpu.sync_copy(dbufA,
                                    acc.at[pl.ds(s * NROWS + q * ZR, ZR)])
            plsc.subcore_barrier()

            pltpu.async_copy(st_hbm.at[pass_idx, pl.ds(start * G, G)],
                             dbufA, lsA)

            def body(t, carry):
                rp = 2 * t
                rq = 2 * t + 1
                pltpu.make_async_copy(st_hbm.at[0, pl.ds(0, G)],
                                      dbufA, lsA).wait()
                pltpu.async_copy(
                    st_hbm.at[pass_idx, pl.ds((start + rq) * G, G)],
                    dbufB, lsB)
                pltpu.sync_copy(dbufA, acc.at[idxv.at[rp]], add=True)
                pltpu.make_async_copy(st_hbm.at[0, pl.ds(0, G)],
                                      dbufB, lsB).wait()

                @pl.when(t < NIT - 1)
                def _():
                    pltpu.async_copy(
                        st_hbm.at[pass_idx, pl.ds((start + rp + 2) * G, G)],
                        dbufA, lsA)

                pltpu.sync_copy(dbufB, acc.at[idxv.at[rq]], add=True)
                return carry

            lax.fori_loop(0, NIT, body, 0)
            plsc.subcore_barrier()
            pltpu.sync_copy(acc.at[pl.ds(s * NROWS, NROWS)],
                            out_hbm.at[pass_idx, pl.ds(s * NROWS, NROWS)])
            plsc.subcore_barrier()

    if have_init:
        return k(stacked, jg, init)
    return k(stacked, jg)


def kernel(species, edge_index, edge_attr, edge_vec, t,
           ea_W, ea_b, eb_W1, eb_b1, eb_W2, eb_b2,
           ps_W1, ps_b1, ps_W2, ps_b2,
           ph_W1, ph_b1, ph_W2, ph_b2,
           pv_W1, pv_b1, pv_W2, pv_b2,
           rff_W, tm_W1, tm_b1, tm_W2, tm_b2):
    r = lambda b: b.reshape(1, -1)
    i = edge_index[0]
    j = edge_index[1]

    f, te = _nodes_pre(species, t, ea_W, r(ea_b), rff_W,
                       tm_W1, r(tm_b1), tm_W2, r(tm_b2))
    ea = _ea_mlp(edge_attr.T, eb_W1, r(eb_b1), eb_W2, r(eb_b2))

    pad = EPAD - E
    ig = jnp.pad(i, (0, pad)).reshape(GPAD, G)
    jg = jnp.pad(j, (0, pad)).reshape(GPAD, G)
    fi, fj = _sc_gather(f, ig, jg)

    edge_vecT = edge_vec.T
    st1 = _edges_mlp(fi, fj, ea, edge_vecT,
                     ps_W1, r(ps_b1), ps_W2, r(ps_b2),
                     pv_W1, r(pv_b1), pv_W2, r(pv_b2), 0)
    seg1 = _sc_scatter(st1, jg, 0, None)
    st2 = _edges_mlp(fi, fj, ea, edge_vecT,
                     ps_W1, r(ps_b1), ps_W2, r(ps_b2),
                     pv_W1, r(pv_b1), pv_W2, r(pv_b2), NBH)
    segs = _sc_scatter(st2, jg, GHALF, seg1)
    agg = segs[0]
    v0 = jnp.transpose(segs[1:4, :N], (1, 2, 0))

    h0 = _h0_mlp(f, agg, te, ph_W1, r(ph_b1), ph_W2, r(ph_b2))
    return (h0, v0, ea)

# --- scband reference (transcript-rebuilt; emitter-appended) ---
"""Pipeline reference for scband-encoder-dpm-41283225649648 (READ-ONLY COPY).

The authoritative reference and input builder live on the scoring server;
editing this copy changes nothing except your own understanding.
"""

import jax, jax.numpy as jnp
import numpy as np

N = 10000
E = 160000
NUM_SPECIES = 100
NODE_DIM = 128
EDGE_DIM = 128
INIT_EDGE_DIM = 120
INPUT_DIM = 1


def _mlp(x, W1, b1, W2, b2):
    # MLP([d_in, edge_dim, d_out], act=SiLU): Linear -> SiLU -> Linear
    return jax.nn.silu(x @ W1 + b1) @ W2 + b2


def setup_inputs(seed: int = 0) -> dict:
    key = jax.random.key(seed)
    ks = jax.random.split(key, 32)

    def lin(k, fi, fo):
        return (jax.random.normal(k, (fi, fo), dtype=jnp.float32) / np.sqrt(fi))

    inp = {}
    inp['species'] = jax.random.uniform(ks[0], (N, NUM_SPECIES), dtype=jnp.float32)
    inp['edge_index'] = jax.random.randint(ks[1], (2, E), 0, N, dtype=jnp.int32)
    inp['edge_attr'] = jax.random.normal(ks[2], (E, INIT_EDGE_DIM), dtype=jnp.float32)
    inp['edge_vec'] = jax.random.normal(ks[3], (E, 3), dtype=jnp.float32)
    inp['t'] = jax.random.uniform(ks[4], (N, INPUT_DIM), dtype=jnp.float32)
    # embed_atom: Linear(num_species, node_dim)
    inp['ea_W'] = lin(ks[5], NUM_SPECIES, NODE_DIM)
    inp['ea_b'] = jnp.zeros((NODE_DIM,), jnp.float32)
    # embed_bond: MLP([120, edge_dim, node_dim])
    inp['eb_W1'] = lin(ks[6], INIT_EDGE_DIM, EDGE_DIM)
    inp['eb_b1'] = jnp.zeros((EDGE_DIM,), jnp.float32)
    inp['eb_W2'] = lin(ks[7], EDGE_DIM, NODE_DIM)
    inp['eb_b2'] = jnp.zeros((NODE_DIM,), jnp.float32)
    # phi_s: MLP([3*node_dim, edge_dim, node_dim])
    inp['ps_W1'] = lin(ks[8], 3 * NODE_DIM, EDGE_DIM)
    inp['ps_b1'] = jnp.zeros((EDGE_DIM,), jnp.float32)
    inp['ps_W2'] = lin(ks[9], EDGE_DIM, NODE_DIM)
    inp['ps_b2'] = jnp.zeros((NODE_DIM,), jnp.float32)
    # phi_h: MLP([2*node_dim, edge_dim, node_dim])
    inp['ph_W1'] = lin(ks[10], 2 * NODE_DIM, EDGE_DIM)
    inp['ph_b1'] = jnp.zeros((EDGE_DIM,), jnp.float32)
    inp['ph_W2'] = lin(ks[11], EDGE_DIM, NODE_DIM)
    inp['ph_b2'] = jnp.zeros((NODE_DIM,), jnp.float32)
    # phi_v: MLP([3*node_dim, edge_dim, node_dim])
    inp['pv_W1'] = lin(ks[12], 3 * NODE_DIM, EDGE_DIM)
    inp['pv_b1'] = jnp.zeros((EDGE_DIM,), jnp.float32)
    inp['pv_W2'] = lin(ks[13], EDGE_DIM, NODE_DIM)
    inp['pv_b2'] = jnp.zeros((NODE_DIM,), jnp.float32)
    # embed_time: GaussianRandomFourierFeatures(node_dim, input_dim) + MLP([node_dim, edge_dim, node_dim])
    inp['rff_W'] = jax.random.normal(ks[14], (INPUT_DIM, NODE_DIM // 2), dtype=jnp.float32)
    inp['tm_W1'] = lin(ks[15], NODE_DIM, EDGE_DIM)
    inp['tm_b1'] = jnp.zeros((EDGE_DIM,), jnp.float32)
    inp['tm_W2'] = lin(ks[16], EDGE_DIM, NODE_DIM)
    inp['tm_b2'] = jnp.zeros((NODE_DIM,), jnp.float32)
    return inp


def reference(species, edge_index, edge_attr, edge_vec, t,
              ea_W, ea_b, eb_W1, eb_b1, eb_W2, eb_b2,
              ps_W1, ps_b1, ps_W2, ps_b2,
              ph_W1, ph_b1, ph_W2, ph_b2,
              pv_W1, pv_b1, pv_W2, pv_b2,
              rff_W, tm_W1, tm_b1, tm_W2, tm_b2):
    num_nodes = species.shape[0]
    i = edge_index[0]
    j = edge_index[1]
    f = species @ ea_W + ea_b
    ea = _mlp(edge_attr, eb_W1, eb_b1, eb_W2, eb_b2)
    fi = jnp.take(f, i, axis=0)
    fj = jnp.take(f, j, axis=0)
    e = jnp.concatenate([fi, fj, ea], axis=-1)
    msg = _mlp(e, ps_W1, ps_b1, ps_W2, ps_b2) * fi
    agg = jax.ops.segment_sum(msg, j, num_segments=num_nodes)
    h0 = _mlp(jnp.concatenate([f, agg], axis=-1), ph_W1, ph_b1, ph_W2, ph_b2)
    vw = _mlp(e, pv_W1, pv_b1, pv_W2, pv_b2)
    v0 = jax.ops.segment_sum(edge_vec[:, None, :] * vw[:, :, None], j, num_segments=num_nodes)
    proj = 2.0 * jnp.pi * (t @ rff_W)
    feats = jnp.concatenate([jnp.cos(proj), jnp.sin(proj)], axis=-1)
    te = _mlp(feats, tm_W1, tm_b1, tm_W2, tm_b2)
    h0 = h0 + te
    return (h0, v0, ea)

if __name__ == "__main__":
    import jax
    _d = setup_inputs()
    print(jax.jit(kernel)(*tuple(_d.values())))

</pallas_src>

<mosaic_0001>
#map = affine_map<(d0, d1) -> (0, 0, 0)>
#map1 = affine_map<(d0, d1) -> (0, 0)>
module attributes {stable_mosaic.version = 14 : i64} {
  func.func @k(%arg0: i32, %arg1: i32, %arg2: memref<4x81920x128xf32, #tpu.memory_space<hbm>>, %arg3: memref<1280x128xi32, #tpu.memory_space<hbm>>, %arg4: memref<4x10240x128xf32, #tpu.memory_space<hbm>>, %arg5: memref<40x128xi32, #tpu.memory_space<vmem>>, %arg6: memref<128x128xf32, #tpu.memory_space<vmem>>, %arg7: memref<128x128xf32, #tpu.memory_space<vmem>>, %arg8: memref<10240x128xf32, #tpu.memory_space<vmem_shared>>, %arg9: memref<!tpu.dma_semaphore, #tpu.memory_space<semaphore_mem>>, %arg10: memref<!tpu.dma_semaphore, #tpu.memory_space<semaphore_mem>>) attributes {dimension_semantics = [#tpu.dimension_semantics<core_parallel>, #tpu.dimension_semantics<subcore_parallel>], iteration_bounds = array<i64: 2, 16>, scalar_prefetch = 0 : i64, scratch_operands = 6 : i64, tpu.core_type = #tpu.core_type<sc_vector_subcore>, window_params = [{transform_indices = #map}, {transform_indices = #map1}, {transform_indices = #map}]} {
    %mul3A = arith.constant 40 : i32
    %mul3A_0 = arith.muli %arg1, %mul3A : i32
    %add3A = arith.constant 0 : i32
    %add3A_1 = arith.addi %add3A, %mul3A_0 : i32
    "tpu.region"() ({
      %run_scoped3A = tpu.sem_alloc : memref<!tpu.dma_semaphore, #tpu.memory_space<semaphore_mem>>
      %dma_start3A_101 = arith.constant 0 : i32
      %dma_start3A_102 = tpu.memref_slice %arg3[%add3A_1, %dma_start3A_101] : memref<1280x128xi32, #tpu.memory_space<hbm>> -> memref<40x128xi32, #tpu.memory_space<hbm>>
      %dma_start3A_103 = arith.constant 0 : i32
      %dma_start3A_104 = tpu.memref_slice %arg3[%add3A_1, %dma_start3A_103] : memref<1280x128xi32, #tpu.memory_space<hbm>> -> memref<40x128xi32, #tpu.memory_space<hbm>>
      tpu.enqueue_dma source(%dma_start3A_104 : memref<40x128xi32, #tpu.memory_space<hbm>>) target(%arg5 : memref<40x128xi32, #tpu.memory_space<vmem>>) target_semaphore(%run_scoped3A : memref<!tpu.dma_semaphore, #tpu.memory_space<semaphore_mem>>)
      %dma_wait3A = arith.constant 0 : i32
      %dma_wait3A_105 = tpu.memref_slice %arg3[%add3A_1, %dma_wait3A] : memref<1280x128xi32, #tpu.memory_space<hbm>> -> memref<40x128xi32, #tpu.memory_space<hbm>>
      %dma_wait3A_106 = arith.constant 0 : i32
      %dma_wait3A_107 = tpu.memref_slice %arg3[%add3A_1, %dma_wait3A_106] : memref<1280x128xi32, #tpu.memory_space<hbm>> -> memref<40x128xi32, #tpu.memory_space<hbm>>
      tpu.wait_dma2 semaphore(%run_scoped3A : memref<!tpu.dma_semaphore, #tpu.memory_space<semaphore_mem>>) src(%dma_wait3A_107 : memref<40x128xi32, #tpu.memory_space<hbm>>) dst(%arg5 : memref<40x128xi32, #tpu.memory_space<vmem>>)
      tpu.yield
    }) : () -> ()
    %mul3A_2 = arith.constant 2 : i32
    %mul3A_3 = arith.muli %arg0, %mul3A_2 : i32
    %add3A_4 = arith.constant 0 : i32
    %add3A_5 = arith.addi %mul3A_3, %add3A_4 : i32
    %scan3A = arith.constant 0 : i32
    %scan3A_6 = arith.constant 0 : i32
    %scan3A_7 = arith.constant 1024 : i32
    %scan3A_8 = arith.addi %scan3A_6, %scan3A_7 : i32
    %scan3A_9 = arith.constant 1 : i32
    scf.for %scan3A_101 = %scan3A_6 to %scan3A_8 step %scan3A_9  : i32 {
      %broadcast_in_dim3A = arith.constant 0.000000e+00 : f32
      %broadcast_in_dim3A_102 = vector.broadcast %broadcast_in_dim3A : f32 to vector<16xf32>
      %jit3A = arith.constant 8 : i32
      %div3A = arith.divsi %scan3A_101, %jit3A : i32
      %sign3A = arith.constant 0 : i32
      %sign3A_103 = arith.cmpi sgt, %scan3A_101, %sign3A : i32
      %sign3A_104 = arith.extui %sign3A_103 : i1 to i32
      %sign3A_105 = arith.constant 0 : i32
      %sign3A_106 = arith.cmpi slt, %scan3A_101, %sign3A_105 : i32
      %sign3A_107 = arith.extui %sign3A_106 : i1 to i32
      %sign3A_108 = arith.subi %sign3A_104, %sign3A_107 : i32
      %sign3A_109 = arith.constant 0 : i32
      %sign3A_110 = arith.cmpi sgt, %jit3A, %sign3A_109 : i32
      %sign3A_111 = arith.extui %sign3A_110 : i1 to i32
      %sign3A_112 = arith.constant 0 : i32
      %sign3A_113 = arith.cmpi slt, %jit3A, %sign3A_112 : i32
      %sign3A_114 = arith.extui %sign3A_113 : i1 to i32
      %sign3A_115 = arith.subi %sign3A_111, %sign3A_114 : i32
      %ne3A = arith.cmpi ne, %sign3A_108, %sign3A_115 : i32
      %rem3A = arith.remsi %scan3A_101, %jit3A : i32
      %ne3A_116 = arith.constant 0 : i32
      %ne3A_117 = arith.cmpi ne, %rem3A, %ne3A_116 : i32
      %and3A = arith.andi %ne3A, %ne3A_117 : i1
      %sub3A = arith.constant 1 : i32
      %sub3A_118 = arith.subi %div3A, %sub3A : i32
      %select_n3A = arith.select %and3A, %sub3A_118, %div3A : i32
      %jit3A_119 = arith.constant 8 : i32
      %eq3A = arith.constant 0 : i32
      %eq3A_120 = arith.cmpi eq, %jit3A_119, %eq3A : i32
      %jit3A_121 = arith.constant 1 : i32
      %select_n3A_122 = arith.select %eq3A_120, %jit3A_121, %jit3A_119 : i32
      %rem3A_123 = arith.remsi %scan3A_101, %select_n3A_122 : i32
      %ne3A_124 = arith.constant 0 : i32
      %ne3A_125 = arith.cmpi ne, %rem3A_123, %ne3A_124 : i32
      %lt3A = arith.constant 0 : i32
      %lt3A_126 = arith.cmpi slt, %rem3A_123, %lt3A : i32
      %lt3A_127 = arith.constant 0 : i32
      %lt3A_128 = arith.cmpi slt, %select_n3A_122, %lt3A_127 : i32
      %ne3A_129 = arith.xori %lt3A_126, %lt3A_128 : i1
      %and3A_130 = arith.andi %ne3A_129, %ne3A_125 : i1
      %add3A_131 = arith.addi %rem3A_123, %select_n3A_122 : i32
      %select_n3A_132 = arith.select %and3A_130, %add3A_131, %rem3A_123 : i32
      %mul3A_133 = arith.constant 16 : i32
      %mul3A_134 = arith.muli %select_n3A_132, %mul3A_133 : i32
      %swap3A = arith.index_cast %select_n3A : i32 to index
      %swap3A_135 = arith.index_cast %mul3A_134 : i32 to index
      %swap3A_136 = tpu.vector_load %arg6[%swap3A, %swap3A_135] {strides = array<i32>} : memref<128x128xf32, #tpu.memory_space<vmem>>, vector<1x16xf32>,
      %swap3A_137 = vector.shape_cast %swap3A_136 : vector<1x16xf32> to vector<16xf32>
      %swap3A_138 = vector.shape_cast %broadcast_in_dim3A_102 : vector<16xf32> to vector<1x16xf32>
      tpu.vector_store %arg6[%swap3A, %swap3A_135], %swap3A_138 {strides = array<i32>} : memref<128x128xf32, #tpu.memory_space<vmem>>, vector<1x16xf32>,
    }
    %scan3A_10 = arith.constant 1024 : i32
    %mul3A_11 = arith.constant 640 : i32
    %mul3A_12 = arith.muli %arg1, %mul3A_11 : i32
    %add3A_13 = arith.constant 0 : i32
    %add3A_14 = arith.addi %mul3A_12, %add3A_13 : i32
    "tpu.region"() ({
      %run_scoped3A = tpu.sem_alloc : memref<!tpu.dma_semaphore, #tpu.memory_space<semaphore_mem>>
      %dma_start3A_101 = arith.constant 0 : i32
      %dma_start3A_102 = tpu.memref_slice %arg8[%add3A_14, %dma_start3A_101] : memref<10240x128xf32, #tpu.memory_space<vmem_shared>> -> memref<128x128xf32, #tpu.memory_space<vmem_shared>>
      %dma_start3A_103 = arith.constant 0 : i32
      %dma_start3A_104 = tpu.memref_slice %arg8[%add3A_14, %dma_start3A_103] : memref<10240x128xf32, #tpu.memory_space<vmem_shared>> -> memref<128x128xf32, #tpu.memory_space<vmem_shared>>
      tpu.enqueue_dma source(%arg6 : memref<128x128xf32, #tpu.memory_space<vmem>>) target(%dma_start3A_104 : memref<128x128xf32, #tpu.memory_space<vmem_shared>>) target_semaphore(%run_scoped3A : memref<!tpu.dma_semaphore, #tpu.memory_space<semaphore_mem>>)
      %dma_wait3A = arith.constant 0 : i32
      %dma_wait3A_105 = tpu.memref_slice %arg8[%add3A_14, %dma_wait3A] : memref<10240x128xf32, #tpu.memory_space<vmem_shared>> -> memref<128x128xf32, #tpu.memory_space<vmem_shared>>
      %dma_wait3A_106 = arith.constant 0 : i32
      %dma_wait3A_107 = tpu.memref_slice %arg8[%add3A_14, %dma_wait3A_106] : memref<10240x128xf32, #tpu.memory_space<vmem_shared>> -> memref<128x128xf32, #tpu.memory_space<vmem_shared>>
      tpu.wait_dma2 semaphore(%run_scoped3A : memref<!tpu.dma_semaphore, #tpu.memory_space<semaphore_mem>>) src(%arg6 : memref<128x128xf32, #tpu.memory_space<vmem>>) dst(%dma_wait3A_107 : memref<128x128xf32, #tpu.memory_space<vmem_shared>>)
      tpu.yield
    }) : () -> ()
    %mul3A_15 = arith.constant 640 : i32
    %mul3A_16 = arith.muli %arg1, %mul3A_15 : i32
    %add3A_17 = arith.constant 128 : i32
    %add3A_18 = arith.addi %mul3A_16, %add3A_17 : i32
    "tpu.region"() ({
      %run_scoped3A = tpu.sem_alloc : memref<!tpu.dma_semaphore, #tpu.memory_space<semaphore_mem>>
      %dma_start3A_101 = arith.constant 0 : i32
      %dma_start3A_102 = tpu.memref_slice %arg8[%add3A_18, %dma_start3A_101] : memref<10240x128xf32, #tpu.memory_space<vmem_shared>> -> memref<128x128xf32, #tpu.memory_space<vmem_shared>>
      %dma_start3A_103 = arith.constant 0 : i32
      %dma_start3A_104 = tpu.memref_slice %arg8[%add3A_18, %dma_start3A_103] : memref<10240x128xf32, #tpu.memory_space<vmem_shared>> -> memref<128x128xf32, #tpu.memory_space<vmem_shared>>
      tpu.enqueue_dma source(%arg6 : memref<128x128xf32, #tpu.memory_space<vmem>>) target(%dma_start3A_104 : memref<128x128xf32, #tpu.memory_space<vmem_shared>>) target_semaphore(%run_scoped3A : memref<!tpu.dma_semaphore, #tpu.memory_space<semaphore_mem>>)
      %dma_wait3A = arith.constant 0 : i32
      %dma_wait3A_105 = tpu.memref_slice %arg8[%add3A_18, %dma_wait3A] : memref<10240x128xf32, #tpu.memory_space<vmem_shared>> -> memref<128x128xf32, #tpu.memory_space<vmem_shared>>
      %dma_wait3A_106 = arith.constant 0 : i32
      %dma_wait3A_107 = tpu.memref_slice %arg8[%add3A_18, %dma_wait3A_106] : memref<10240x128xf32, #tpu.memory_space<vmem_shared>> -> memref<128x128xf32, #tpu.memory_space<vmem_shared>>
      tpu.wait_dma2 semaphore(%run_scoped3A : memref<!tpu.dma_semaphore, #tpu.memory_space<semaphore_mem>>) src(%arg6 : memref<128x128xf32, #tpu.memory_space<vmem>>) dst(%dma_wait3A_107 : memref<128x128xf32, #tpu.memory_space<vmem_shared>>)
      tpu.yield
    }) : () -> ()
    %mul3A_19 = arith.constant 640 : i32
    %mul3A_20 = arith.muli %arg1, %mul3A_19 : i32
    %add3A_21 = arith.constant 256 : i32
    %add3A_22 = arith.addi %mul3A_20, %add3A_21 : i32
    "tpu.region"() ({
      %run_scoped3A = tpu.sem_alloc : memref<!tpu.dma_semaphore, #tpu.memory_space<semaphore_mem>>
      %dma_start3A_101 = arith.constant 0 : i32
      %dma_start3A_102 = tpu.memref_slice %arg8[%add3A_22, %dma_start3A_101] : memref<10240x128xf32, #tpu.memory_space<vmem_shared>> -> memref<128x128xf32, #tpu.memory_space<vmem_shared>>
      %dma_start3A_103 = arith.constant 0 : i32
      %dma_start3A_104 = tpu.memref_slice %arg8[%add3A_22, %dma_start3A_103] : memref<10240x128xf32, #tpu.memory_space<vmem_shared>> -> memref<128x128xf32, #tpu.memory_space<vmem_shared>>
      tpu.enqueue_dma source(%arg6 : memref<128x128xf32, #tpu.memory_space<vmem>>) target(%dma_start3A_104 : memref<128x128xf32, #tpu.memory_space<vmem_shared>>) target_semaphore(%run_scoped3A : memref<!tpu.dma_semaphore, #tpu.memory_space<semaphore_mem>>)
      %dma_wait3A = arith.constant 0 : i32
      %dma_wait3A_105 = tpu.memref_slice %arg8[%add3A_22, %dma_wait3A] : memref<10240x128xf32, #tpu.memory_space<vmem_shared>> -> memref<128x128xf32, #tpu.memory_space<vmem_shared>>
      %dma_wait3A_106 = arith.constant 0 : i32
      %dma_wait3A_107 = tpu.memref_slice %arg8[%add3A_22, %dma_wait3A_106] : memref<10240x128xf32, #tpu.memory_space<vmem_shared>> -> memref<128x128xf32, #tpu.memory_space<vmem_shared>>
      tpu.wait_dma2 semaphore(%run_scoped3A : memref<!tpu.dma_semaphore, #tpu.memory_space<semaphore_mem>>) src(%arg6 : memref<128x128xf32, #tpu.memory_space<vmem>>) dst(%dma_wait3A_107 : memref<128x128xf32, #tpu.memory_space<vmem_shared>>)
      tpu.yield
    }) : () -> ()
    %mul3A_23 = arith.constant 640 : i32
    %mul3A_24 = arith.muli %arg1, %mul3A_23 : i32
    %add3A_25 = arith.constant 384 : i32
    %add3A_26 = arith.addi %mul3A_24, %add3A_25 : i32
    "tpu.region"() ({
      %run_scoped3A = tpu.sem_alloc : memref<!tpu.dma_semaphore, #tpu.memory_space<semaphore_mem>>
      %dma_start3A_101 = arith.constant 0 : i32
      %dma_start3A_102 = tpu.memref_slice %arg8[%add3A_26, %dma_start3A_101] : memref<10240x128xf32, #tpu.memory_space<vmem_shared>> -> memref<128x128xf32, #tpu.memory_space<vmem_shared>>
      %dma_start3A_103 = arith.constant 0 : i32
      %dma_start3A_104 = tpu.memref_slice %arg8[%add3A_26, %dma_start3A_103] : memref<10240x128xf32, #tpu.memory_space<vmem_shared>> -> memref<128x128xf32, #tpu.memory_space<vmem_shared>>
      tpu.enqueue_dma source(%arg6 : memref<128x128xf32, #tpu.memory_space<vmem>>) target(%dma_start3A_104 : memref<128x128xf32, #tpu.memory_space<vmem_shared>>) target_semaphore(%run_scoped3A : memref<!tpu.dma_semaphore, #tpu.memory_space<semaphore_mem>>)
      %dma_wait3A = arith.constant 0 : i32
      %dma_wait3A_105 = tpu.memref_slice %arg8[%add3A_26, %dma_wait3A] : memref<10240x128xf32, #tpu.memory_space<vmem_shared>> -> memref<128x128xf32, #tpu.memory_space<vmem_shared>>
      %dma_wait3A_106 = arith.constant 0 : i32
      %dma_wait3A_107 = tpu.memref_slice %arg8[%add3A_26, %dma_wait3A_106] : memref<10240x128xf32, #tpu.memory_space<vmem_shared>> -> memref<128x128xf32, #tpu.memory_space<vmem_shared>>
      tpu.wait_dma2 semaphore(%run_scoped3A : memref<!tpu.dma_semaphore, #tpu.memory_space<semaphore_mem>>) src(%arg6 : memref<128x128xf32, #tpu.memory_space<vmem>>) dst(%dma_wait3A_107 : memref<128x128xf32, #tpu.memory_space<vmem_shared>>)
      tpu.yield
    }) : () -> ()
    %mul3A_27 = arith.constant 640 : i32
    %mul3A_28 = arith.muli %arg1, %mul3A_27 : i32
    %add3A_29 = arith.constant 512 : i32
    %add3A_30 = arith.addi %mul3A_28, %add3A_29 : i32
    "tpu.region"() ({
      %run_scoped3A = tpu.sem_alloc : memref<!tpu.dma_semaphore, #tpu.memory_space<semaphore_mem>>
      %dma_start3A_101 = arith.constant 0 : i32
      %dma_start3A_102 = tpu.memref_slice %arg8[%add3A_30, %dma_start3A_101] : memref<10240x128xf32, #tpu.memory_space<vmem_shared>> -> memref<128x128xf32, #tpu.memory_space<vmem_shared>>
      %dma_start3A_103 = arith.constant 0 : i32
      %dma_start3A_104 = tpu.memref_slice %arg8[%add3A_30, %dma_start3A_103] : memref<10240x128xf32, #tpu.memory_space<vmem_shared>> -> memref<128x128xf32, #tpu.memory_space<vmem_shared>>
      tpu.enqueue_dma source(%arg6 : memref<128x128xf32, #tpu.memory_space<vmem>>) target(%dma_start3A_104 : memref<128x128xf32, #tpu.memory_space<vmem_shared>>) target_semaphore(%run_scoped3A : memref<!tpu.dma_semaphore, #tpu.memory_space<semaphore_mem>>)
      %dma_wait3A = arith.constant 0 : i32
      %dma_wait3A_105 = tpu.memref_slice %arg8[%add3A_30, %dma_wait3A] : memref<10240x128xf32, #tpu.memory_space<vmem_shared>> -> memref<128x128xf32, #tpu.memory_space<vmem_shared>>
      %dma_wait3A_106 = arith.constant 0 : i32
      %dma_wait3A_107 = tpu.memref_slice %arg8[%add3A_30, %dma_wait3A_106] : memref<10240x128xf32, #tpu.memory_space<vmem_shared>> -> memref<128x128xf32, #tpu.memory_space<vmem_shared>>
      tpu.wait_dma2 semaphore(%run_scoped3A : memref<!tpu.dma_semaphore, #tpu.memory_space<semaphore_mem>>) src(%arg6 : memref<128x128xf32, #tpu.memory_space<vmem>>) dst(%dma_wait3A_107 : memref<128x128xf32, #tpu.memory_space<vmem_shared>>)
      tpu.yield
    }) : () -> ()
    %barrier3A = arith.constant 0 : index
    tpu.barrier barrier_id(%barrier3A)
    %mul3A_31 = arith.constant 128 : i32
    %mul3A_32 = arith.muli %mul3A_0, %mul3A_31 : i32
    %dma_start3A = arith.constant 0 : i32
    %dma_start3A_33 = tpu.memref_slice %arg2[%add3A_5, %mul3A_32, %dma_start3A] : memref<4x81920x128xf32, #tpu.memory_space<hbm>> -> memref<1x128x128xf32, #tpu.memory_space<hbm>>
    %dma_start3A_34 = tpu.memref_squeeze %dma_start3A_33 : memref<1x128x128xf32, #tpu.memory_space<hbm>> -> memref<128x128xf32, #tpu.memory_space<hbm>>
    %dma_start3A_35 = arith.constant 0 : i32
    %dma_start3A_36 = tpu.memref_slice %arg2[%add3A_5, %mul3A_32, %dma_start3A_35] : memref<4x81920x128xf32, #tpu.memory_space<hbm>> -> memref<1x128x128xf32, #tpu.memory_space<hbm>>
    %dma_start3A_37 = tpu.memref_squeeze %dma_start3A_36 : memref<1x128x128xf32, #tpu.memory_space<hbm>> -> memref<128x128xf32, #tpu.memory_space<hbm>>
    tpu.enqueue_dma source(%dma_start3A_37 : memref<128x128xf32, #tpu.memory_space<hbm>>) target(%arg6 : memref<128x128xf32, #tpu.memory_space<vmem>>) target_semaphore(%arg9 : memref<!tpu.dma_semaphore, #tpu.memory_space<semaphore_mem>>)
    %scan3A_38 = arith.constant 0 : i32
    %scan3A_39 = arith.constant 0 : i32
    %scan3A_40 = arith.constant 20 : i32
    %scan3A_41 = arith.addi %scan3A_39, %scan3A_40 : i32
    %scan3A_42 = arith.constant 1 : i32
    scf.for %scan3A_101 = %scan3A_39 to %scan3A_41 step %scan3A_42  : i32 {
      %mul3A_102 = arith.constant 2 : i32
      %mul3A_103 = arith.muli %mul3A_102, %scan3A_101 : i32
      %mul3A_104 = arith.constant 2 : i32
      %mul3A_105 = arith.muli %mul3A_104, %scan3A_101 : i32
      %add3A_106 = arith.constant 1 : i32
      %add3A_107 = arith.addi %mul3A_105, %add3A_106 : i32
      %dma_wait3A = arith.constant 0 : i32
      %dma_wait3A_108 = arith.constant 0 : i32
      %dma_wait3A_109 = arith.constant 0 : i32
      %dma_wait3A_110 = tpu.memref_slice %arg2[%dma_wait3A, %dma_wait3A_108, %dma_wait3A_109] : memref<4x81920x128xf32, #tpu.memory_space<hbm>> -> memref<1x128x128xf32, #tpu.memory_space<hbm>>
      %dma_wait3A_111 = tpu.memref_squeeze %dma_wait3A_110 : memref<1x128x128xf32, #tpu.memory_space<hbm>> -> memref<128x128xf32, #tpu.memory_space<hbm>>
      %dma_wait3A_112 = arith.constant 0 : i32
      %dma_wait3A_113 = arith.constant 0 : i32
      %dma_wait3A_114 = tpu.memref_slice %arg2[%dma_wait3A, %dma_wait3A_112, %dma_wait3A_113] : memref<4x81920x128xf32, #tpu.memory_space<hbm>> -> memref<1x128x128xf32, #tpu.memory_space<hbm>>
      %dma_wait3A_115 = tpu.memref_squeeze %dma_wait3A_114 : memref<1x128x128xf32, #tpu.memory_space<hbm>> -> memref<128x128xf32, #tpu.memory_space<hbm>>
      tpu.wait_dma2 semaphore(%arg9 : memref<!tpu.dma_semaphore, #tpu.memory_space<semaphore_mem>>) src(%dma_wait3A_115 : memref<128x128xf32, #tpu.memory_space<hbm>>) dst(%arg6 : memref<128x128xf32, #tpu.memory_space<vmem>>)
      %add3A_116 = arith.addi %mul3A_0, %add3A_107 : i32
      %mul3A_117 = arith.constant 128 : i32
      %mul3A_118 = arith.muli %add3A_116, %mul3A_117 : i32
      %dma_start3A_119 = arith.constant 0 : i32
      %dma_start3A_120 = tpu.memref_slice %arg2[%add3A_5, %mul3A_118, %dma_start3A_119] : memref<4x81920x128xf32, #tpu.memory_space<hbm>> -> memref<1x128x128xf32, #tpu.memory_space<hbm>>
      %dma_start3A_121 = tpu.memref_squeeze %dma_start3A_120 : memref<1x128x128xf32, #tpu.memory_space<hbm>> -> memref<128x128xf32, #tpu.memory_space<hbm>>
      %dma_start3A_122 = arith.constant 0 : i32
      %dma_start3A_123 = tpu.memref_slice %arg2[%add3A_5, %mul3A_118, %dma_start3A_122] : memref<4x81920x128xf32, #tpu.memory_space<hbm>> -> memref<1x128x128xf32, #tpu.memory_space<hbm>>
      %dma_start3A_124 = tpu.memref_squeeze %dma_start3A_123 : memref<1x128x128xf32, #tpu.memory_space<hbm>> -> memref<128x128xf32, #tpu.memory_space<hbm>>
      tpu.enqueue_dma source(%dma_start3A_124 : memref<128x128xf32, #tpu.memory_space<hbm>>) target(%arg7 : memref<128x128xf32, #tpu.memory_space<vmem>>) target_semaphore(%arg10 : memref<!tpu.dma_semaphore, #tpu.memory_space<semaphore_mem>>)
      "tpu.region"() ({
        %run_scoped3A = tpu.sem_alloc : memref<!tpu.dma_semaphore, #tpu.memory_space<semaphore_mem>>
        %dma_start3A_136 = arith.constant 0 : i32
        %dma_start3A_137 = tpu.memref_slice %arg5[%mul3A_103, %dma_start3A_136] : memref<40x128xi32, #tpu.memory_space<vmem>> -> memref<1x128xi32, #tpu.memory_space<vmem>>
        %dma_start3A_138 = tpu.memref_squeeze %dma_start3A_137 : memref<1x128xi32, #tpu.memory_space<vmem>> -> memref<128xi32, #tpu.memory_space<vmem>>
        %dma_start3A_139 = arith.constant 0 : i32
        %dma_start3A_140 = arith.constant 0 : i32
        %dma_start3A_141 = tpu.memref_slice %arg8[%dma_start3A_139, %dma_start3A_140] : memref<10240x128xf32, #tpu.memory_space<vmem_shared>> -> memref<10240x128xf32, #tpu.memory_space<vmem_shared>>
        tpu.enqueue_indirect_dma source(%arg6 : memref<128x128xf32, #tpu.memory_space<vmem>>) target(%dma_start3A_141 : memref<10240x128xf32, #tpu.memory_space<vmem_shared>>) offsets(%dma_start3A_138 : memref<128xi32, #tpu.memory_space<vmem>>) semaphore(%run_scoped3A : memref<!tpu.dma_semaphore, #tpu.memory_space<semaphore_mem>>) {add = true}
        %dma_wait3A_142 = arith.constant 0 : i32
        %dma_wait3A_143 = tpu.memref_slice %arg5[%mul3A_103, %dma_wait3A_142] : memref<40x128xi32, #tpu.memory_space<vmem>> -> memref<1x128xi32, #tpu.memory_space<vmem>>
        %dma_wait3A_144 = tpu.memref_squeeze %dma_wait3A_143 : memref<1x128xi32, #tpu.memory_space<vmem>> -> memref<128xi32, #tpu.memory_space<vmem>>
        %dma_wait3A_145 = arith.constant 0 : i32
        %dma_wait3A_146 = arith.constant 0 : i32
        %dma_wait3A_147 = tpu.memref_slice %arg8[%dma_wait3A_145, %dma_wait3A_146] : memref<10240x128xf32, #tpu.memory_space<vmem_shared>> -> memref<10240x128xf32, #tpu.memory_space<vmem_shared>>
        tpu.wait_indirect_dma semaphore(%run_scoped3A : memref<!tpu.dma_semaphore, #tpu.memory_space<semaphore_mem>>) src(%arg6 : memref<128x128xf32, #tpu.memory_space<vmem>>) dst(%dma_wait3A_147 : memref<10240x128xf32, #tpu.memory_space<vmem_shared>>)
        tpu.yield
      }) : () -> ()
      %dma_wait3A_125 = arith.constant 0 : i32
      %dma_wait3A_126 = arith.constant 0 : i32
      %dma_wait3A_127 = arith.constant 0 : i32
      %dma_wait3A_128 = tpu.memref_slice %arg2[%dma_wait3A_125, %dma_wait3A_126, %dma_wait3A_127] : memref<4x81920x128xf32, #tpu.memory_space<hbm>> -> memref<1x128x128xf32, #tpu.memory_space<hbm>>
      %dma_wait3A_129 = tpu.memref_squeeze %dma_wait3A_128 : memref<1x128x128xf32, #tpu.memory_space<hbm>> -> memref<128x128xf32, #tpu.memory_space<hbm>>
      %dma_wait3A_130 = arith.constant 0 : i32
      %dma_wait3A_131 = arith.constant 0 : i32
      %dma_wait3A_132 = tpu.memref_slice %arg2[%dma_wait3A_125, %dma_wait3A_130, %dma_wait3A_131] : memref<4x81920x128xf32, #tpu.memory_space<hbm>> -> memref<1x128x128xf32, #tpu.memory_space<hbm>>
      %dma_wait3A_133 = tpu.memref_squeeze %dma_wait3A_132 : memref<1x128x128xf32, #tpu.memory_space<hbm>> -> memref<128x128xf32, #tpu.memory_space<hbm>>
      tpu.wait_dma2 semaphore(%arg10 : memref<!tpu.dma_semaphore, #tpu.memory_space<semaphore_mem>>) src(%dma_wait3A_133 : memref<128x128xf32, #tpu.memory_space<hbm>>) dst(%arg7 : memref<128x128xf32, #tpu.memory_space<vmem>>)
      %lt3A = arith.constant 19 : i32
      %lt3A_134 = arith.cmpi slt, %scan3A_101, %lt3A : i32
      %convert_element_type3A = arith.extui %lt3A_134 : i1 to i32
      %cond3A = arith.constant 0 : i32
      %cond3A_135 = arith.cmpi ne, %convert_element_type3A, %cond3A : i32
      scf.if %cond3A_135 {
        %add3A_136 = arith.addi %mul3A_0, %mul3A_103 : i32
        %add3A_137 = arith.constant 2 : i32
        %add3A_138 = arith.addi %add3A_136, %add3A_137 : i32
        %mul3A_139 = arith.constant 128 : i32
        %mul3A_140 = arith.muli %add3A_138, %mul3A_139 : i32
        %dma_start3A_141 = arith.constant 0 : i32
        %dma_start3A_142 = tpu.memref_slice %arg2[%add3A_5, %mul3A_140, %dma_start3A_141] : memref<4x81920x128xf32, #tpu.memory_space<hbm>> -> memref<1x128x128xf32, #tpu.memory_space<hbm>>
        %dma_start3A_143 = tpu.memref_squeeze %dma_start3A_142 : memref<1x128x128xf32, #tpu.memory_space<hbm>> -> memref<128x128xf32, #tpu.memory_space<hbm>>
        %dma_start3A_144 = arith.constant 0 : i32
        %dma_start3A_145 = tpu.memref_slice %arg2[%add3A_5, %mul3A_140, %dma_start3A_144] : memref<4x81920x128xf32, #tpu.memory_space<hbm>> -> memref<1x128x128xf32, #tpu.memory_space<hbm>>
        %dma_start3A_146 = tpu.memref_squeeze %dma_start3A_145 : memref<1x128x128xf32, #tpu.memory_space<hbm>> -> memref<128x128xf32, #tpu.memory_space<hbm>>
        tpu.enqueue_dma source(%dma_start3A_146 : memref<128x128xf32, #tpu.memory_space<hbm>>) target(%arg6 : memref<128x128xf32, #tpu.memory_space<vmem>>) target_semaphore(%arg9 : memref<!tpu.dma_semaphore, #tpu.memory_space<semaphore_mem>>)
      } else {
      }
      "tpu.region"() ({
        %run_scoped3A = tpu.sem_alloc : memref<!tpu.dma_semaphore, #tpu.memory_space<semaphore_mem>>
        %dma_start3A_136 = arith.constant 0 : i32
        %dma_start3A_137 = tpu.memref_slice %arg5[%add3A_107, %dma_start3A_136] : memref<40x128xi32, #tpu.memory_space<vmem>> -> memref<1x128xi32, #tpu.memory_space<vmem>>
        %dma_start3A_138 = tpu.memref_squeeze %dma_start3A_137 : memref<1x128xi32, #tpu.memory_space<vmem>> -> memref<128xi32, #tpu.memory_space<vmem>>
        %dma_start3A_139 = arith.constant 0 : i32
        %dma_start3A_140 = arith.constant 0 : i32
        %dma_start3A_141 = tpu.memref_slice %arg8[%dma_start3A_139, %dma_start3A_140] : memref<10240x128xf32, #tpu.memory_space<vmem_shared>> -> memref<10240x128xf32, #tpu.memory_space<vmem_shared>>
        tpu.enqueue_indirect_dma source(%arg7 : memref<128x128xf32, #tpu.memory_space<vmem>>) target(%dma_start3A_141 : memref<10240x128xf32, #tpu.memory_space<vmem_shared>>) offsets(%dma_start3A_138 : memref<128xi32, #tpu.memory_space<vmem>>) semaphore(%run_scoped3A : memref<!tpu.dma_semaphore, #tpu.memory_space<semaphore_mem>>) {add = true}
        %dma_wait3A_142 = arith.constant 0 : i32
        %dma_wait3A_143 = tpu.memref_slice %arg5[%add3A_107, %dma_wait3A_142] : memref<40x128xi32, #tpu.memory_space<vmem>> -> memref<1x128xi32, #tpu.memory_space<vmem>>
        %dma_wait3A_144 = tpu.memref_squeeze %dma_wait3A_143 : memref<1x128xi32, #tpu.memory_space<vmem>> -> memref<128xi32, #tpu.memory_space<vmem>>
        %dma_wait3A_145 = arith.constant 0 : i32
        %dma_wait3A_146 = arith.constant 0 : i32
        %dma_wait3A_147 = tpu.memref_slice %arg8[%dma_wait3A_145, %dma_wait3A_146] : memref<10240x128xf32, #tpu.memory_space<vmem_shared>> -> memref<10240x128xf32, #tpu.memory_space<vmem_shared>>
        tpu.wait_indirect_dma semaphore(%run_scoped3A : memref<!tpu.dma_semaphore, #tpu.memory_space<semaphore_mem>>) src(%arg7 : memref<128x128xf32, #tpu.memory_space<vmem>>) dst(%dma_wait3A_147 : memref<10240x128xf32, #tpu.memory_space<vmem_shared>>)
        tpu.yield
      }) : () -> ()
    }
    %scan3A_43 = arith.constant 20 : i32
    %barrier3A_44 = arith.constant 0 : index
    tpu.barrier barrier_id(%barrier3A_44)
    %mul3A_45 = arith.constant 640 : i32
    %mul3A_46 = arith.muli %arg1, %mul3A_45 : i32
    %mul3A_47 = arith.constant 640 : i32
    %mul3A_48 = arith.muli %arg1, %mul3A_47 : i32
    "tpu.region"() ({
      %run_scoped3A = tpu.sem_alloc : memref<!tpu.dma_semaphore, #tpu.memory_space<semaphore_mem>>
      %dma_start3A_101 = arith.constant 0 : i32
      %dma_start3A_102 = tpu.memref_slice %arg4[%add3A_5, %mul3A_48, %dma_start3A_101] : memref<4x10240x128xf32, #tpu.memory_space<hbm>> -> memref<1x640x128xf32, #tpu.memory_space<hbm>>
      %dma_start3A_103 = tpu.memref_squeeze %dma_start3A_102 : memref<1x640x128xf32, #tpu.memory_space<hbm>> -> memref<640x128xf32, #tpu.memory_space<hbm>>
      %dma_start3A_104 = arith.constant 0 : i32
      %dma_start3A_105 = tpu.memref_slice %arg8[%mul3A_46, %dma_start3A_104] : memref<10240x128xf32, #tpu.memory_space<vmem_shared>> -> memref<640x128xf32, #tpu.memory_space<vmem_shared>>
      tpu.enqueue_dma source(%dma_start3A_105 : memref<640x128xf32, #tpu.memory_space<vmem_shared>>) target(%dma_start3A_103 : memref<640x128xf32, #tpu.memory_space<hbm>>) target_semaphore(%run_scoped3A : memref<!tpu.dma_semaphore, #tpu.memory_space<semaphore_mem>>)
      %dma_wait3A = arith.constant 0 : i32
      %dma_wait3A_106 = tpu.memref_slice %arg4[%add3A_5, %mul3A_48, %dma_wait3A] : memref<4x10240x128xf32, #tpu.memory_space<hbm>> -> memref<1x640x128xf32, #tpu.memory_space<hbm>>
      %dma_wait3A_107 = tpu.memref_squeeze %dma_wait3A_106 : memref<1x640x128xf32, #tpu.memory_space<hbm>> -> memref<640x128xf32, #tpu.memory_space<hbm>>
      %dma_wait3A_108 = arith.constant 0 : i32
      %dma_wait3A_109 = tpu.memref_slice %arg8[%mul3A_46, %dma_wait3A_108] : memref<10240x128xf32, #tpu.memory_space<vmem_shared>> -> memref<640x128xf32, #tpu.memory_space<vmem_shared>>
      tpu.wait_dma2 semaphore(%run_scoped3A : memref<!tpu.dma_semaphore, #tpu.memory_space<semaphore_mem>>) src(%dma_wait3A_109 : memref<640x128xf32, #tpu.memory_space<vmem_shared>>) dst(%dma_wait3A_107 : memref<640x128xf32, #tpu.memory_space<hbm>>)
      tpu.yield
    }) : () -> ()
    %barrier3A_49 = arith.constant 0 : index
    tpu.barrier barrier_id(%barrier3A_49)
    %mul3A_50 = arith.constant 2 : i32
    %mul3A_51 = arith.muli %arg0, %mul3A_50 : i32
    %add3A_52 = arith.constant 1 : i32
    %add3A_53 = arith.addi %mul3A_51, %add3A_52 : i32
    %scan3A_54 = arith.constant 0 : i32
    %scan3A_55 = arith.constant 0 : i32
    %scan3A_56 = arith.constant 1024 : i32
    %scan3A_57 = arith.addi %scan3A_55, %scan3A_56 : i32
    %scan3A_58 = arith.constant 1 : i32
    scf.for %scan3A_101 = %scan3A_55 to %scan3A_57 step %scan3A_58  : i32 {
      %broadcast_in_dim3A = arith.constant 0.000000e+00 : f32
      %broadcast_in_dim3A_102 = vector.broadcast %broadcast_in_dim3A : f32 to vector<16xf32>
      %jit3A = arith.constant 8 : i32
      %div3A = arith.divsi %scan3A_101, %jit3A : i32
      %sign3A = arith.constant 0 : i32
      %sign3A_103 = arith.cmpi sgt, %scan3A_101, %sign3A : i32
      %sign3A_104 = arith.extui %sign3A_103 : i1 to i32
      %sign3A_105 = arith.constant 0 : i32
      %sign3A_106 = arith.cmpi slt, %scan3A_101, %sign3A_105 : i32
      %sign3A_107 = arith.extui %sign3A_106 : i1 to i32
      %sign3A_108 = arith.subi %sign3A_104, %sign3A_107 : i32
      %sign3A_109 = arith.constant 0 : i32
      %sign3A_110 = arith.cmpi sgt, %jit3A, %sign3A_109 : i32
      %sign3A_111 = arith.extui %sign3A_110 : i1 to i32
      %sign3A_112 = arith.constant 0 : i32
      %sign3A_113 = arith.cmpi slt, %jit3A, %sign3A_112 : i32
      %sign3A_114 = arith.extui %sign3A_113 : i1 to i32
      %sign3A_115 = arith.subi %sign3A_111, %sign3A_114 : i32
      %ne3A = arith.cmpi ne, %sign3A_108, %sign3A_115 : i32
      %rem3A = arith.remsi %scan3A_101, %jit3A : i32
      %ne3A_116 = arith.constant 0 : i32
      %ne3A_117 = arith.cmpi ne, %rem3A, %ne3A_116 : i32
      %and3A = arith.andi %ne3A, %ne3A_117 : i1
      %sub3A = arith.constant 1 : i32
      %sub3A_118 = arith.subi %div3A, %sub3A : i32
      %select_n3A = arith.select %and3A, %sub3A_118, %div3A : i32
      %jit3A_119 = arith.constant 8 : i32
      %eq3A = arith.constant 0 : i32
      %eq3A_120 = arith.cmpi eq, %jit3A_119, %eq3A : i32
      %jit3A_121 = arith.constant 1 : i32
      %select_n3A_122 = arith.select %eq3A_120, %jit3A_121, %jit3A_119 : i32
      %rem3A_123 = arith.remsi %scan3A_101, %select_n3A_122 : i32
      %ne3A_124 = arith.constant 0 : i32
      %ne3A_125 = arith.cmpi ne, %rem3A_123, %ne3A_124 : i32
      %lt3A = arith.constant 0 : i32
      %lt3A_126 = arith.cmpi slt, %rem3A_123, %lt3A : i32
      %lt3A_127 = arith.constant 0 : i32
      %lt3A_128 = arith.cmpi slt, %select_n3A_122, %lt3A_127 : i32
      %ne3A_129 = arith.xori %lt3A_126, %lt3A_128 : i1
      %and3A_130 = arith.andi %ne3A_129, %ne3A_125 : i1
      %add3A_131 = arith.addi %rem3A_123, %select_n3A_122 : i32
      %select_n3A_132 = arith.select %and3A_130, %add3A_131, %rem3A_123 : i32
      %mul3A_133 = arith.constant 16 : i32
      %mul3A_134 = arith.muli %select_n3A_132, %mul3A_133 : i32
      %swap3A = arith.index_cast %select_n3A : i32 to index
      %swap3A_135 = arith.index_cast %mul3A_134 : i32 to index
      %swap3A_136 = tpu.vector_load %arg6[%swap3A, %swap3A_135] {strides = array<i32>} : memref<128x128xf32, #tpu.memory_space<vmem>>, vector<1x16xf32>,
      %swap3A_137 = vector.shape_cast %swap3A_136 : vector<1x16xf32> to vector<16xf32>
      %swap3A_138 = vector.shape_cast %broadcast_in_dim3A_102 : vector<16xf32> to vector<1x16xf32>
      tpu.vector_store %arg6[%swap3A, %swap3A_135], %swap3A_138 {strides = array<i32>} : memref<128x128xf32, #tpu.memory_space<vmem>>, vector<1x16xf32>,
    }
    %scan3A_59 = arith.constant 1024 : i32
    %mul3A_60 = arith.constant 640 : i32
    %mul3A_61 = arith.muli %arg1, %mul3A_60 : i32
    %add3A_62 = arith.constant 0 : i32
    %add3A_63 = arith.addi %mul3A_61, %add3A_62 : i32
    "tpu.region"() ({
      %run_scoped3A = tpu.sem_alloc : memref<!tpu.dma_semaphore, #tpu.memory_space<semaphore_mem>>
      %dma_start3A_101 = arith.constant 0 : i32
      %dma_start3A_102 = tpu.memref_slice %arg8[%add3A_63, %dma_start3A_101] : memref<10240x128xf32, #tpu.memory_space<vmem_shared>> -> memref<128x128xf32, #tpu.memory_space<vmem_shared>>
      %dma_start3A_103 = arith.constant 0 : i32
      %dma_start3A_104 = tpu.memref_slice %arg8[%add3A_63, %dma_start3A_103] : memref<10240x128xf32, #tpu.memory_space<vmem_shared>> -> memref<128x128xf32, #tpu.memory_space<vmem_shared>>
      tpu.enqueue_dma source(%arg6 : memref<128x128xf32, #tpu.memory_space<vmem>>) target(%dma_start3A_104 : memref<128x128xf32, #tpu.memory_space<vmem_shared>>) target_semaphore(%run_scoped3A : memref<!tpu.dma_semaphore, #tpu.memory_space<semaphore_mem>>)
      %dma_wait3A = arith.constant 0 : i32
      %dma_wait3A_105 = tpu.memref_slice %arg8[%add3A_63, %dma_wait3A] : memref<10240x128xf32, #tpu.memory_space<vmem_shared>> -> memref<128x128xf32, #tpu.memory_space<vmem_shared>>
      %dma_wait3A_106 = arith.constant 0 : i32
      %dma_wait3A_107 = tpu.memref_slice %arg8[%add3A_63, %dma_wait3A_106] : memref<10240x128xf32, #tpu.memory_space<vmem_shared>> -> memref<128x128xf32, #tpu.memory_space<vmem_shared>>
      tpu.wait_dma2 semaphore(%run_scoped3A : memref<!tpu.dma_semaphore, #tpu.memory_space<semaphore_mem>>) src(%arg6 : memref<128x128xf32, #tpu.memory_space<vmem>>) dst(%dma_wait3A_107 : memref<128x128xf32, #tpu.memory_space<vmem_shared>>)
      tpu.yield
    }) : () -> ()
    %mul3A_64 = arith.constant 640 : i32
    %mul3A_65 = arith.muli %arg1, %mul3A_64 : i32
    %add3A_66 = arith.constant 128 : i32
    %add3A_67 = arith.addi %mul3A_65, %add3A_66 : i32
    "tpu.region"() ({
      %run_scoped3A = tpu.sem_alloc : memref<!tpu.dma_semaphore, #tpu.memory_space<semaphore_mem>>
      %dma_start3A_101 = arith.constant 0 : i32
      %dma_start3A_102 = tpu.memref_slice %arg8[%add3A_67, %dma_start3A_101] : memref<10240x128xf32, #tpu.memory_space<vmem_shared>> -> memref<128x128xf32, #tpu.memory_space<vmem_shared>>
      %dma_start3A_103 = arith.constant 0 : i32
      %dma_start3A_104 = tpu.memref_slice %arg8[%add3A_67, %dma_start3A_103] : memref<10240x128xf32, #tpu.memory_space<vmem_shared>> -> memref<128x128xf32, #tpu.memory_space<vmem_shared>>
      tpu.enqueue_dma source(%arg6 : memref<128x128xf32, #tpu.memory_space<vmem>>) target(%dma_start3A_104 : memref<128x128xf32, #tpu.memory_space<vmem_shared>>) target_semaphore(%run_scoped3A : memref<!tpu.dma_semaphore, #tpu.memory_space<semaphore_mem>>)
      %dma_wait3A = arith.constant 0 : i32
      %dma_wait3A_105 = tpu.memref_slice %arg8[%add3A_67, %dma_wait3A] : memref<10240x128xf32, #tpu.memory_space<vmem_shared>> -> memref<128x128xf32, #tpu.memory_space<vmem_shared>>
      %dma_wait3A_106 = arith.constant 0 : i32
      %dma_wait3A_107 = tpu.memref_slice %arg8[%add3A_67, %dma_wait3A_106] : memref<10240x128xf32, #tpu.memory_space<vmem_shared>> -> memref<128x128xf32, #tpu.memory_space<vmem_shared>>
      tpu.wait_dma2 semaphore(%run_scoped3A : memref<!tpu.dma_semaphore, #tpu.memory_space<semaphore_mem>>) src(%arg6 : memref<128x128xf32, #tpu.memory_space<vmem>>) dst(%dma_wait3A_107 : memref<128x128xf32, #tpu.memory_space<vmem_shared>>)
      tpu.yield
    }) : () -> ()
    %mul3A_68 = arith.constant 640 : i32
    %mul3A_69 = arith.muli %arg1, %mul3A_68 : i32
    %add3A_70 = arith.constant 256 : i32
    %add3A_71 = arith.addi %mul3A_69, %add3A_70 : i32
    "tpu.region"() ({
      %run_scoped3A = tpu.sem_alloc : memref<!tpu.dma_semaphore, #tpu.memory_space<semaphore_mem>>
      %dma_start3A_101 = arith.constant 0 : i32
      %dma_start3A_102 = tpu.memref_slice %arg8[%add3A_71, %dma_start3A_101] : memref<10240x128xf32, #tpu.memory_space<vmem_shared>> -> memref<128x128xf32, #tpu.memory_space<vmem_shared>>
      %dma_start3A_103 = arith.constant 0 : i32
      %dma_start3A_104 = tpu.memref_slice %arg8[%add3A_71, %dma_start3A_103] : memref<10240x128xf32, #tpu.memory_space<vmem_shared>> -> memref<128x128xf32, #tpu.memory_space<vmem_shared>>
      tpu.enqueue_dma source(%arg6 : memref<128x128xf32, #tpu.memory_space<vmem>>) target(%dma_start3A_104 : memref<128x128xf32, #tpu.memory_space<vmem_shared>>) target_semaphore(%run_scoped3A : memref<!tpu.dma_semaphore, #tpu.memory_space<semaphore_mem>>)
      %dma_wait3A = arith.constant 0 : i32
      %dma_wait3A_105 = tpu.memref_slice %arg8[%add3A_71, %dma_wait3A] : memref<10240x128xf32, #tpu.memory_space<vmem_shared>> -> memref<128x128xf32, #tpu.memory_space<vmem_shared>>
      %dma_wait3A_106 = arith.constant 0 : i32
      %dma_wait3A_107 = tpu.memref_slice %arg8[%add3A_71, %dma_wait3A_106] : memref<10240x128xf32, #tpu.memory_space<vmem_shared>> -> memref<128x128xf32, #tpu.memory_space<vmem_shared>>
      tpu.wait_dma2 semaphore(%run_scoped3A : memref<!tpu.dma_semaphore, #tpu.memory_space<semaphore_mem>>) src(%arg6 : memref<128x128xf32, #tpu.memory_space<vmem>>) dst(%dma_wait3A_107 : memref<128x128xf32, #tpu.memory_space<vmem_shared>>)
      tpu.yield
    }) : () -> ()
    %mul3A_72 = arith.constant 640 : i32
    %mul3A_73 = arith.muli %arg1, %mul3A_72 : i32
    %add3A_74 = arith.constant 384 : i32
    %add3A_75 = arith.addi %mul3A_73, %add3A_74 : i32
    "tpu.region"() ({
      %run_scoped3A = tpu.sem_alloc : memref<!tpu.dma_semaphore, #tpu.memory_space<semaphore_mem>>
      %dma_start3A_101 = arith.constant 0 : i32
      %dma_start3A_102 = tpu.memref_slice %arg8[%add3A_75, %dma_start3A_101] : memref<10240x128xf32, #tpu.memory_space<vmem_shared>> -> memref<128x128xf32, #tpu.memory_space<vmem_shared>>
      %dma_start3A_103 = arith.constant 0 : i32
      %dma_start3A_104 = tpu.memref_slice %arg8[%add3A_75, %dma_start3A_103] : memref<10240x128xf32, #tpu.memory_space<vmem_shared>> -> memref<128x128xf32, #tpu.memory_space<vmem_shared>>
      tpu.enqueue_dma source(%arg6 : memref<128x128xf32, #tpu.memory_space<vmem>>) target(%dma_start3A_104 : memref<128x128xf32, #tpu.memory_space<vmem_shared>>) target_semaphore(%run_scoped3A : memref<!tpu.dma_semaphore, #tpu.memory_space<semaphore_mem>>)
      %dma_wait3A = arith.constant 0 : i32
      %dma_wait3A_105 = tpu.memref_slice %arg8[%add3A_75, %dma_wait3A] : memref<10240x128xf32, #tpu.memory_space<vmem_shared>> -> memref<128x128xf32, #tpu.memory_space<vmem_shared>>
      %dma_wait3A_106 = arith.constant 0 : i32
      %dma_wait3A_107 = tpu.memref_slice %arg8[%add3A_75, %dma_wait3A_106] : memref<10240x128xf32, #tpu.memory_space<vmem_shared>> -> memref<128x128xf32, #tpu.memory_space<vmem_shared>>
      tpu.wait_dma2 semaphore(%run_scoped3A : memref<!tpu.dma_semaphore, #tpu.memory_space<semaphore_mem>>) src(%arg6 : memref<128x128xf32, #tpu.memory_space<vmem>>) dst(%dma_wait3A_107 : memref<128x128xf32, #tpu.memory_space<vmem_shared>>)
      tpu.yield
    }) : () -> ()
    %mul3A_76 = arith.constant 640 : i32
    %mul3A_77 = arith.muli %arg1, %mul3A_76 : i32
    %add3A_78 = arith.constant 512 : i32
    %add3A_79 = arith.addi %mul3A_77, %add3A_78 : i32
    "tpu.region"() ({
      %run_scoped3A = tpu.sem_alloc : memref<!tpu.dma_semaphore, #tpu.memory_space<semaphore_mem>>
      %dma_start3A_101 = arith.constant 0 : i32
      %dma_start3A_102 = tpu.memref_slice %arg8[%add3A_79, %dma_start3A_101] : memref<10240x128xf32, #tpu.memory_space<vmem_shared>> -> memref<128x128xf32, #tpu.memory_space<vmem_shared>>
      %dma_start3A_103 = arith.constant 0 : i32
      %dma_start3A_104 = tpu.memref_slice %arg8[%add3A_79, %dma_start3A_103] : memref<10240x128xf32, #tpu.memory_space<vmem_shared>> -> memref<128x128xf32, #tpu.memory_space<vmem_shared>>
      tpu.enqueue_dma source(%arg6 : memref<128x128xf32, #tpu.memory_space<vmem>>) target(%dma_start3A_104 : memref<128x128xf32, #tpu.memory_space<vmem_shared>>) target_semaphore(%run_scoped3A : memref<!tpu.dma_semaphore, #tpu.memory_space<semaphore_mem>>)
      %dma_wait3A = arith.constant 0 : i32
      %dma_wait3A_105 = tpu.memref_slice %arg8[%add3A_79, %dma_wait3A] : memref<10240x128xf32, #tpu.memory_space<vmem_shared>> -> memref<128x128xf32, #tpu.memory_space<vmem_shared>>
      %dma_wait3A_106 = arith.constant 0 : i32
      %dma_wait3A_107 = tpu.memref_slice %arg8[%add3A_79, %dma_wait3A_106] : memref<10240x128xf32, #tpu.memory_space<vmem_shared>> -> memref<128x128xf32, #tpu.memory_space<vmem_shared>>
      tpu.wait_dma2 semaphore(%run_scoped3A : memref<!tpu.dma_semaphore, #tpu.memory_space<semaphore_mem>>) src(%arg6 : memref<128x128xf32, #tpu.memory_space<vmem>>) dst(%dma_wait3A_107 : memref<128x128xf32, #tpu.memory_space<vmem_shared>>)
      tpu.yield
    }) : () -> ()
    %barrier3A_80 = arith.constant 0 : index
    tpu.barrier barrier_id(%barrier3A_80)
    %mul3A_81 = arith.constant 128 : i32
    %mul3A_82 = arith.muli %mul3A_0, %mul3A_81 : i32
    %dma_start3A_83 = arith.constant 0 : i32
    %dma_start3A_84 = tpu.memref_slice %arg2[%add3A_53, %mul3A_82, %dma_start3A_83] : memref<4x81920x128xf32, #tpu.memory_space<hbm>> -> memref<1x128x128xf32, #tpu.memory_space<hbm>>
    %dma_start3A_85 = tpu.memref_squeeze %dma_start3A_84 : memref<1x128x128xf32, #tpu.memory_space<hbm>> -> memref<128x128xf32, #tpu.memory_space<hbm>>
    %dma_start3A_86 = arith.constant 0 : i32
    %dma_start3A_87 = tpu.memref_slice %arg2[%add3A_53, %mul3A_82, %dma_start3A_86] : memref<4x81920x128xf32, #tpu.memory_space<hbm>> -> memref<1x128x128xf32, #tpu.memory_space<hbm>>
    %dma_start3A_88 = tpu.memref_squeeze %dma_start3A_87 : memref<1x128x128xf32, #tpu.memory_space<hbm>> -> memref<128x128xf32, #tpu.memory_space<hbm>>
    tpu.enqueue_dma source(%dma_start3A_88 : memref<128x128xf32, #tpu.memory_space<hbm>>) target(%arg6 : memref<128x128xf32, #tpu.memory_space<vmem>>) target_semaphore(%arg9 : memref<!tpu.dma_semaphore, #tpu.memory_space<semaphore_mem>>)
    %scan3A_89 = arith.constant 0 : i32
    %scan3A_90 = arith.constant 0 : i32
    %scan3A_91 = arith.constant 20 : i32
    %scan3A_92 = arith.addi %scan3A_90, %scan3A_91 : i32
    %scan3A_93 = arith.constant 1 : i32
    scf.for %scan3A_101 = %scan3A_90 to %scan3A_92 step %scan3A_93  : i32 {
      %mul3A_102 = arith.constant 2 : i32
      %mul3A_103 = arith.muli %mul3A_102, %scan3A_101 : i32
      %mul3A_104 = arith.constant 2 : i32
      %mul3A_105 = arith.muli %mul3A_104, %scan3A_101 : i32
      %add3A_106 = arith.constant 1 : i32
      %add3A_107 = arith.addi %mul3A_105, %add3A_106 : i32
      %dma_wait3A = arith.constant 0 : i32
      %dma_wait3A_108 = arith.constant 0 : i32
      %dma_wait3A_109 = arith.constant 0 : i32
      %dma_wait3A_110 = tpu.memref_slice %arg2[%dma_wait3A, %dma_wait3A_108, %dma_wait3A_109] : memref<4x81920x128xf32, #tpu.memory_space<hbm>> -> memref<1x128x128xf32, #tpu.memory_space<hbm>>
      %dma_wait3A_111 = tpu.memref_squeeze %dma_wait3A_110 : memref<1x128x128xf32, #tpu.memory_space<hbm>> -> memref<128x128xf32, #tpu.memory_space<hbm>>
      %dma_wait3A_112 = arith.constant 0 : i32
      %dma_wait3A_113 = arith.constant 0 : i32
      %dma_wait3A_114 = tpu.memref_slice %arg2[%dma_wait3A, %dma_wait3A_112, %dma_wait3A_113] : memref<4x81920x128xf32, #tpu.memory_space<hbm>> -> memref<1x128x128xf32, #tpu.memory_space<hbm>>
      %dma_wait3A_115 = tpu.memref_squeeze %dma_wait3A_114 : memref<1x128x128xf32, #tpu.memory_space<hbm>> -> memref<128x128xf32, #tpu.memory_space<hbm>>
      tpu.wait_dma2 semaphore(%arg9 : memref<!tpu.dma_semaphore, #tpu.memory_space<semaphore_mem>>) src(%dma_wait3A_115 : memref<128x128xf32, #tpu.memory_space<hbm>>) dst(%arg6 : memref<128x128xf32, #tpu.memory_space<vmem>>)
      %add3A_116 = arith.addi %mul3A_0, %add3A_107 : i32
      %mul3A_117 = arith.constant 128 : i32
      %mul3A_118 = arith.muli %add3A_116, %mul3A_117 : i32
      %dma_start3A_119 = arith.constant 0 : i32
      %dma_start3A_120 = tpu.memref_slice %arg2[%add3A_53, %mul3A_118, %dma_start3A_119] : memref<4x81920x128xf32, #tpu.memory_space<hbm>> -> memref<1x128x128xf32, #tpu.memory_space<hbm>>
      %dma_start3A_121 = tpu.memref_squeeze %dma_start3A_120 : memref<1x128x128xf32, #tpu.memory_space<hbm>> -> memref<128x128xf32, #tpu.memory_space<hbm>>
      %dma_start3A_122 = arith.constant 0 : i32
      %dma_start3A_123 = tpu.memref_slice %arg2[%add3A_53, %mul3A_118, %dma_start3A_122] : memref<4x81920x128xf32, #tpu.memory_space<hbm>> -> memref<1x128x128xf32, #tpu.memory_space<hbm>>
      %dma_start3A_124 = tpu.memref_squeeze %dma_start3A_123 : memref<1x128x128xf32, #tpu.memory_space<hbm>> -> memref<128x128xf32, #tpu.memory_space<hbm>>
      tpu.enqueue_dma source(%dma_start3A_124 : memref<128x128xf32, #tpu.memory_space<hbm>>) target(%arg7 : memref<128x128xf32, #tpu.memory_space<vmem>>) target_semaphore(%arg10 : memref<!tpu.dma_semaphore, #tpu.memory_space<semaphore_mem>>)
      "tpu.region"() ({
        %run_scoped3A = tpu.sem_alloc : memref<!tpu.dma_semaphore, #tpu.memory_space<semaphore_mem>>
        %dma_start3A_136 = arith.constant 0 : i32
        %dma_start3A_137 = tpu.memref_slice %arg5[%mul3A_103, %dma_start3A_136] : memref<40x128xi32, #tpu.memory_space<vmem>> -> memref<1x128xi32, #tpu.memory_space<vmem>>
        %dma_start3A_138 = tpu.memref_squeeze %dma_start3A_137 : memref<1x128xi32, #tpu.memory_space<vmem>> -> memref<128xi32, #tpu.memory_space<vmem>>
        %dma_start3A_139 = arith.constant 0 : i32
        %dma_start3A_140 = arith.constant 0 : i32
        %dma_start3A_141 = tpu.memref_slice %arg8[%dma_start3A_139, %dma_start3A_140] : memref<10240x128xf32, #tpu.memory_space<vmem_shared>> -> memref<10240x128xf32, #tpu.memory_space<vmem_shared>>
        tpu.enqueue_indirect_dma source(%arg6 : memref<128x128xf32, #tpu.memory_space<vmem>>) target(%dma_start3A_141 : memref<10240x128xf32, #tpu.memory_space<vmem_shared>>) offsets(%dma_start3A_138 : memref<128xi32, #tpu.memory_space<vmem>>) semaphore(%run_scoped3A : memref<!tpu.dma_semaphore, #tpu.memory_space<semaphore_mem>>) {add = true}
        %dma_wait3A_142 = arith.constant 0 : i32
        %dma_wait3A_143 = tpu.memref_slice %arg5[%mul3A_103, %dma_wait3A_142] : memref<40x128xi32, #tpu.memory_space<vmem>> -> memref<1x128xi32, #tpu.memory_space<vmem>>
        %dma_wait3A_144 = tpu.memref_squeeze %dma_wait3A_143 : memref<1x128xi32, #tpu.memory_space<vmem>> -> memref<128xi32, #tpu.memory_space<vmem>>
        %dma_wait3A_145 = arith.constant 0 : i32
        %dma_wait3A_146 = arith.constant 0 : i32
        %dma_wait3A_147 = tpu.memref_slice %arg8[%dma_wait3A_145, %dma_wait3A_146] : memref<10240x128xf32, #tpu.memory_space<vmem_shared>> -> memref<10240x128xf32, #tpu.memory_space<vmem_shared>>
        tpu.wait_indirect_dma semaphore(%run_scoped3A : memref<!tpu.dma_semaphore, #tpu.memory_space<semaphore_mem>>) src(%arg6 : memref<128x128xf32, #tpu.memory_space<vmem>>) dst(%dma_wait3A_147 : memref<10240x128xf32, #tpu.memory_space<vmem_shared>>)
        tpu.yield
      }) : () -> ()
      %dma_wait3A_125 = arith.constant 0 : i32
      %dma_wait3A_126 = arith.constant 0 : i32
      %dma_wait3A_127 = arith.constant 0 : i32
      %dma_wait3A_128 = tpu.memref_slice %arg2[%dma_wait3A_125, %dma_wait3A_126, %dma_wait3A_127] : memref<4x81920x128xf32, #tpu.memory_space<hbm>> -> memref<1x128x128xf32, #tpu.memory_space<hbm>>
      %dma_wait3A_129 = tpu.memref_squeeze %dma_wait3A_128 : memref<1x128x128xf32, #tpu.memory_space<hbm>> -> memref<128x128xf32, #tpu.memory_space<hbm>>
      %dma_wait3A_130 = arith.constant 0 : i32
      %dma_wait3A_131 = arith.constant 0 : i32
      %dma_wait3A_132 = tpu.memref_slice %arg2[%dma_wait3A_125, %dma_wait3A_130, %dma_wait3A_131] : memref<4x81920x128xf32, #tpu.memory_space<hbm>> -> memref<1x128x128xf32, #tpu.memory_space<hbm>>
      %dma_wait3A_133 = tpu.memref_squeeze %dma_wait3A_132 : memref<1x128x128xf32, #tpu.memory_space<hbm>> -> memref<128x128xf32, #tpu.memory_space<hbm>>
      tpu.wait_dma2 semaphore(%arg10 : memref<!tpu.dma_semaphore, #tpu.memory_space<semaphore_mem>>) src(%dma_wait3A_133 : memref<128x128xf32, #tpu.memory_space<hbm>>) dst(%arg7 : memref<128x128xf32, #tpu.memory_space<vmem>>)
      %lt3A = arith.constant 19 : i32
      %lt3A_134 = arith.cmpi slt, %scan3A_101, %lt3A : i32
      %convert_element_type3A = arith.extui %lt3A_134 : i1 to i32
      %cond3A = arith.constant 0 : i32
      %cond3A_135 = arith.cmpi ne, %convert_element_type3A, %cond3A : i32
      scf.if %cond3A_135 {
        %add3A_136 = arith.addi %mul3A_0, %mul3A_103 : i32
        %add3A_137 = arith.constant 2 : i32
        %add3A_138 = arith.addi %add3A_136, %add3A_137 : i32
        %mul3A_139 = arith.constant 128 : i32
        %mul3A_140 = arith.muli %add3A_138, %mul3A_139 : i32
        %dma_start3A_141 = arith.constant 0 : i32
        %dma_start3A_142 = tpu.memref_slice %arg2[%add3A_53, %mul3A_140, %dma_start3A_141] : memref<4x81920x128xf32, #tpu.memory_space<hbm>> -> memref<1x128x128xf32, #tpu.memory_space<hbm>>
        %dma_start3A_143 = tpu.memref_squeeze %dma_start3A_142 : memref<1x128x128xf32, #tpu.memory_space<hbm>> -> memref<128x128xf32, #tpu.memory_space<hbm>>
        %dma_start3A_144 = arith.constant 0 : i32
        %dma_start3A_145 = tpu.memref_slice %arg2[%add3A_53, %mul3A_140, %dma_start3A_144] : memref<4x81920x128xf32, #tpu.memory_space<hbm>> -> memref<1x128x128xf32, #tpu.memory_space<hbm>>
        %dma_start3A_146 = tpu.memref_squeeze %dma_start3A_145 : memref<1x128x128xf32, #tpu.memory_space<hbm>> -> memref<128x128xf32, #tpu.memory_space<hbm>>
        tpu.enqueue_dma source(%dma_start3A_146 : memref<128x128xf32, #tpu.memory_space<hbm>>) target(%arg6 : memref<128x128xf32, #tpu.memory_space<vmem>>) target_semaphore(%arg9 : memref<!tpu.dma_semaphore, #tpu.memory_space<semaphore_mem>>)
      } else {
      }
      "tpu.region"() ({
        %run_scoped3A = tpu.sem_alloc : memref<!tpu.dma_semaphore, #tpu.memory_space<semaphore_mem>>
        %dma_start3A_136 = arith.constant 0 : i32
        %dma_start3A_137 = tpu.memref_slice %arg5[%add3A_107, %dma_start3A_136] : memref<40x128xi32, #tpu.memory_space<vmem>> -> memref<1x128xi32, #tpu.memory_space<vmem>>
        %dma_start3A_138 = tpu.memref_squeeze %dma_start3A_137 : memref<1x128xi32, #tpu.memory_space<vmem>> -> memref<128xi32, #tpu.memory_space<vmem>>
        %dma_start3A_139 = arith.constant 0 : i32
        %dma_start3A_140 = arith.constant 0 : i32
        %dma_start3A_141 = tpu.memref_slice %arg8[%dma_start3A_139, %dma_start3A_140] : memref<10240x128xf32, #tpu.memory_space<vmem_shared>> -> memref<10240x128xf32, #tpu.memory_space<vmem_shared>>
        tpu.enqueue_indirect_dma source(%arg7 : memref<128x128xf32, #tpu.memory_space<vmem>>) target(%dma_start3A_141 : memref<10240x128xf32, #tpu.memory_space<vmem_shared>>) offsets(%dma_start3A_138 : memref<128xi32, #tpu.memory_space<vmem>>) semaphore(%run_scoped3A : memref<!tpu.dma_semaphore, #tpu.memory_space<semaphore_mem>>) {add = true}
        %dma_wait3A_142 = arith.constant 0 : i32
        %dma_wait3A_143 = tpu.memref_slice %arg5[%add3A_107, %dma_wait3A_142] : memref<40x128xi32, #tpu.memory_space<vmem>> -> memref<1x128xi32, #tpu.memory_space<vmem>>
        %dma_wait3A_144 = tpu.memref_squeeze %dma_wait3A_143 : memref<1x128xi32, #tpu.memory_space<vmem>> -> memref<128xi32, #tpu.memory_space<vmem>>
        %dma_wait3A_145 = arith.constant 0 : i32
        %dma_wait3A_146 = arith.constant 0 : i32
        %dma_wait3A_147 = tpu.memref_slice %arg8[%dma_wait3A_145, %dma_wait3A_146] : memref<10240x128xf32, #tpu.memory_space<vmem_shared>> -> memref<10240x128xf32, #tpu.memory_space<vmem_shared>>
        tpu.wait_indirect_dma semaphore(%run_scoped3A : memref<!tpu.dma_semaphore, #tpu.memory_space<semaphore_mem>>) src(%arg7 : memref<128x128xf32, #tpu.memory_space<vmem>>) dst(%dma_wait3A_147 : memref<10240x128xf32, #tpu.memory_space<vmem_shared>>)
        tpu.yield
      }) : () -> ()
    }
    %scan3A_94 = arith.constant 20 : i32
    %barrier3A_95 = arith.constant 0 : index
    tpu.barrier barrier_id(%barrier3A_95)
    %mul3A_96 = arith.constant 640 : i32
    %mul3A_97 = arith.muli %arg1, %mul3A_96 : i32
    %mul3A_98 = arith.constant 640 : i32
    %mul3A_99 = arith.muli %arg1, %mul3A_98 : i32
    "tpu.region"() ({
      %run_scoped3A = tpu.sem_alloc : memref<!tpu.dma_semaphore, #tpu.memory_space<semaphore_mem>>
      %dma_start3A_101 = arith.constant 0 : i32
      %dma_start3A_102 = tpu.memref_slice %arg4[%add3A_53, %mul3A_99, %dma_start3A_101] : memref<4x10240x128xf32, #tpu.memory_space<hbm>> -> memref<1x640x128xf32, #tpu.memory_space<hbm>>
      %dma_start3A_103 = tpu.memref_squeeze %dma_start3A_102 : memref<1x640x128xf32, #tpu.memory_space<hbm>> -> memref<640x128xf32, #tpu.memory_space<hbm>>
      %dma_start3A_104 = arith.constant 0 : i32
      %dma_start3A_105 = tpu.memref_slice %arg8[%mul3A_97, %dma_start3A_104] : memref<10240x128xf32, #tpu.memory_space<vmem_shared>> -> memref<640x128xf32, #tpu.memory_space<vmem_shared>>
      tpu.enqueue_dma source(%dma_start3A_105 : memref<640x128xf32, #tpu.memory_space<vmem_shared>>) target(%dma_start3A_103 : memref<640x128xf32, #tpu.memory_space<hbm>>) target_semaphore(%run_scoped3A : memref<!tpu.dma_semaphore, #tpu.memory_space<semaphore_mem>>)
      %dma_wait3A = arith.constant 0 : i32
      %dma_wait3A_106 = tpu.memref_slice %arg4[%add3A_53, %mul3A_99, %dma_wait3A] : memref<4x10240x128xf32, #tpu.memory_space<hbm>> -> memref<1x640x128xf32, #tpu.memory_space<hbm>>
      %dma_wait3A_107 = tpu.memref_squeeze %dma_wait3A_106 : memref<1x640x128xf32, #tpu.memory_space<hbm>> -> memref<640x128xf32, #tpu.memory_space<hbm>>
      %dma_wait3A_108 = arith.constant 0 : i32
      %dma_wait3A_109 = tpu.memref_slice %arg8[%mul3A_97, %dma_wait3A_108] : memref<10240x128xf32, #tpu.memory_space<vmem_shared>> -> memref<640x128xf32, #tpu.memory_space<vmem_shared>>
      tpu.wait_dma2 semaphore(%run_scoped3A : memref<!tpu.dma_semaphore, #tpu.memory_space<semaphore_mem>>) src(%dma_wait3A_109 : memref<640x128xf32, #tpu.memory_space<vmem_shared>>) dst(%dma_wait3A_107 : memref<640x128xf32, #tpu.memory_space<hbm>>)
      tpu.yield
    }) : () -> ()
    %barrier3A_100 = arith.constant 0 : index
    tpu.barrier barrier_id(%barrier3A_100)
    return
  }
}

#map = affine_map<(d0, d1) -> (0, 0)>
module attributes {stable_mosaic.version = 14 : i64} {
  func.func @k(%arg0: i32, %arg1: i32, %arg2: memref<10240x128xf32, #tpu.memory_space<hbm>>, %arg3: memref<1280x128xi32, #tpu.memory_space<hbm>>, %arg4: memref<1280x128xi32, #tpu.memory_space<hbm>>, %arg5: memref<163840x128xf32, #tpu.memory_space<hbm>>, %arg6: memref<163840x128xf32, #tpu.memory_space<hbm>>, %arg7: memref<10240x128xf32, #tpu.memory_space<vmem_shared>>, %arg8: memref<40x128xi32, #tpu.memory_space<vmem>>, %arg9: memref<40x128xi32, #tpu.memory_space<vmem>>, %arg10: memref<128x128xf32, #tpu.memory_space<vmem>>, %arg11: memref<128x128xf32, #tpu.memory_space<vmem>>, %arg12: memref<!tpu.dma_semaphore, #tpu.memory_space<semaphore_mem>>, %arg13: memref<!tpu.dma_semaphore, #tpu.memory_space<semaphore_mem>>) attributes {dimension_semantics = [#tpu.dimension_semantics<core_parallel>, #tpu.dimension_semantics<subcore_parallel>], iteration_bounds = array<i64: 2, 16>, scalar_prefetch = 0 : i64, scratch_operands = 7 : i64, tpu.core_type = #tpu.core_type<sc_vector_subcore>, window_params = [{transform_indices = #map}, {transform_indices = #map}, {transform_indices = #map}, {transform_indices = #map}, {transform_indices = #map}]} {
    %mul3A = arith.constant 2 : i32
    %mul3A_0 = arith.muli %arg1, %mul3A : i32
    %add3A = arith.addi %mul3A_0, %arg0 : i32
    %mul3A_1 = arith.constant 40 : i32
    %mul3A_2 = arith.muli %add3A, %mul3A_1 : i32
    %mul3A_3 = arith.constant 640 : i32
    %mul3A_4 = arith.muli %arg1, %mul3A_3 : i32
    %mul3A_5 = arith.constant 640 : i32
    %mul3A_6 = arith.muli %arg1, %mul3A_5 : i32
    "tpu.region"() ({
      %run_scoped3A = tpu.sem_alloc : memref<!tpu.dma_semaphore, #tpu.memory_space<semaphore_mem>>
      %dma_start3A = arith.constant 0 : i32
      %dma_start3A_23 = tpu.memref_slice %arg7[%mul3A_6, %dma_start3A] : memref<10240x128xf32, #tpu.memory_space<vmem_shared>> -> memref<640x128xf32, #tpu.memory_space<vmem_shared>>
      %dma_start3A_24 = arith.constant 0 : i32
      %dma_start3A_25 = tpu.memref_slice %arg2[%mul3A_4, %dma_start3A_24] : memref<10240x128xf32, #tpu.memory_space<hbm>> -> memref<640x128xf32, #tpu.memory_space<hbm>>
      tpu.enqueue_dma source(%dma_start3A_25 : memref<640x128xf32, #tpu.memory_space<hbm>>) target(%dma_start3A_23 : memref<640x128xf32, #tpu.memory_space<vmem_shared>>) target_semaphore(%run_scoped3A : memref<!tpu.dma_semaphore, #tpu.memory_space<semaphore_mem>>)
      %dma_wait3A_26 = arith.constant 0 : i32
      %dma_wait3A_27 = tpu.memref_slice %arg7[%mul3A_6, %dma_wait3A_26] : memref<10240x128xf32, #tpu.memory_space<vmem_shared>> -> memref<640x128xf32, #tpu.memory_space<vmem_shared>>
      %dma_wait3A_28 = arith.constant 0 : i32
      %dma_wait3A_29 = tpu.memref_slice %arg2[%mul3A_4, %dma_wait3A_28] : memref<10240x128xf32, #tpu.memory_space<hbm>> -> memref<640x128xf32, #tpu.memory_space<hbm>>
      tpu.wait_dma2 semaphore(%run_scoped3A : memref<!tpu.dma_semaphore, #tpu.memory_space<semaphore_mem>>) src(%dma_wait3A_29 : memref<640x128xf32, #tpu.memory_space<hbm>>) dst(%dma_wait3A_27 : memref<640x128xf32, #tpu.memory_space<vmem_shared>>)
      tpu.yield
    }) : () -> ()
    "tpu.region"() ({
      %run_scoped3A = tpu.sem_alloc : memref<!tpu.dma_semaphore, #tpu.memory_space<semaphore_mem>>
      %dma_start3A = arith.constant 0 : i32
      %dma_start3A_23 = tpu.memref_slice %arg3[%mul3A_2, %dma_start3A] : memref<1280x128xi32, #tpu.memory_space<hbm>> -> memref<40x128xi32, #tpu.memory_space<hbm>>
      %dma_start3A_24 = arith.constant 0 : i32
      %dma_start3A_25 = tpu.memref_slice %arg3[%mul3A_2, %dma_start3A_24] : memref<1280x128xi32, #tpu.memory_space<hbm>> -> memref<40x128xi32, #tpu.memory_space<hbm>>
      tpu.enqueue_dma source(%dma_start3A_25 : memref<40x128xi32, #tpu.memory_space<hbm>>) target(%arg8 : memref<40x128xi32, #tpu.memory_space<vmem>>) target_semaphore(%run_scoped3A : memref<!tpu.dma_semaphore, #tpu.memory_space<semaphore_mem>>)
      %dma_wait3A_26 = arith.constant 0 : i32
      %dma_wait3A_27 = tpu.memref_slice %arg3[%mul3A_2, %dma_wait3A_26] : memref<1280x128xi32, #tpu.memory_space<hbm>> -> memref<40x128xi32, #tpu.memory_space<hbm>>
      %dma_wait3A_28 = arith.constant 0 : i32
      %dma_wait3A_29 = tpu.memref_slice %arg3[%mul3A_2, %dma_wait3A_28] : memref<1280x128xi32, #tpu.memory_space<hbm>> -> memref<40x128xi32, #tpu.memory_space<hbm>>
      tpu.wait_dma2 semaphore(%run_scoped3A : memref<!tpu.dma_semaphore, #tpu.memory_space<semaphore_mem>>) src(%dma_wait3A_29 : memref<40x128xi32, #tpu.memory_space<hbm>>) dst(%arg8 : memref<40x128xi32, #tpu.memory_space<vmem>>)
      tpu.yield
    }) : () -> ()
    "tpu.region"() ({
      %run_scoped3A = tpu.sem_alloc : memref<!tpu.dma_semaphore, #tpu.memory_space<semaphore_mem>>
      %dma_start3A = arith.constant 0 : i32
      %dma_start3A_23 = tpu.memref_slice %arg4[%mul3A_2, %dma_start3A] : memref<1280x128xi32, #tpu.memory_space<hbm>> -> memref<40x128xi32, #tpu.memory_space<hbm>>
      %dma_start3A_24 = arith.constant 0 : i32
      %dma_start3A_25 = tpu.memref_slice %arg4[%mul3A_2, %dma_start3A_24] : memref<1280x128xi32, #tpu.memory_space<hbm>> -> memref<40x128xi32, #tpu.memory_space<hbm>>
      tpu.enqueue_dma source(%dma_start3A_25 : memref<40x128xi32, #tpu.memory_space<hbm>>) target(%arg9 : memref<40x128xi32, #tpu.memory_space<vmem>>) target_semaphore(%run_scoped3A : memref<!tpu.dma_semaphore, #tpu.memory_space<semaphore_mem>>)
      %dma_wait3A_26 = arith.constant 0 : i32
      %dma_wait3A_27 = tpu.memref_slice %arg4[%mul3A_2, %dma_wait3A_26] : memref<1280x128xi32, #tpu.memory_space<hbm>> -> memref<40x128xi32, #tpu.memory_space<hbm>>
      %dma_wait3A_28 = arith.constant 0 : i32
      %dma_wait3A_29 = tpu.memref_slice %arg4[%mul3A_2, %dma_wait3A_28] : memref<1280x128xi32, #tpu.memory_space<hbm>> -> memref<40x128xi32, #tpu.memory_space<hbm>>
      tpu.wait_dma2 semaphore(%run_scoped3A : memref<!tpu.dma_semaphore, #tpu.memory_space<semaphore_mem>>) src(%dma_wait3A_29 : memref<40x128xi32, #tpu.memory_space<hbm>>) dst(%arg9 : memref<40x128xi32, #tpu.memory_space<vmem>>)
      tpu.yield
    }) : () -> ()
    %barrier3A = arith.constant 0 : index
    tpu.barrier barrier_id(%barrier3A)
    %scan3A = arith.constant 0 : i32
    %scan3A_7 = arith.constant 0 : i32
    %scan3A_8 = arith.constant 40 : i32
    %scan3A_9 = arith.addi %scan3A_7, %scan3A_8 : i32
    %scan3A_10 = arith.constant 1 : i32
    scf.for %scan3A_23 = %scan3A_7 to %scan3A_9 step %scan3A_10  : i32 {
      %gt3A = arith.constant 0 : i32
      %gt3A_24 = arith.cmpi sgt, %scan3A_23, %gt3A : i32
      %convert_element_type3A = arith.extui %gt3A_24 : i1 to i32
      %cond3A = arith.constant 0 : i32
      %cond3A_25 = arith.cmpi ne, %convert_element_type3A, %cond3A : i32
      scf.if %cond3A_25 {
        %dma_wait3A_63 = arith.constant 0 : i32
        %dma_wait3A_64 = arith.constant 0 : i32
        %dma_wait3A_65 = tpu.memref_slice %arg5[%dma_wait3A_63, %dma_wait3A_64] : memref<163840x128xf32, #tpu.memory_space<hbm>> -> memref<128x128xf32, #tpu.memory_space<hbm>>
        %dma_wait3A_66 = arith.constant 0 : i32
        %dma_wait3A_67 = arith.constant 0 : i32
        %dma_wait3A_68 = tpu.memref_slice %arg5[%dma_wait3A_66, %dma_wait3A_67] : memref<163840x128xf32, #tpu.memory_space<hbm>> -> memref<128x128xf32, #tpu.memory_space<hbm>>
        tpu.wait_dma2 semaphore(%arg13 : memref<!tpu.dma_semaphore, #tpu.memory_space<semaphore_mem>>) src(%arg10 : memref<128x128xf32, #tpu.memory_space<vmem>>) dst(%dma_wait3A_68 : memref<128x128xf32, #tpu.memory_space<hbm>>)
        %dma_wait3A_69 = arith.constant 0 : i32
        %dma_wait3A_70 = arith.constant 0 : i32
        %dma_wait3A_71 = tpu.memref_slice %arg6[%dma_wait3A_69, %dma_wait3A_70] : memref<163840x128xf32, #tpu.memory_space<hbm>> -> memref<128x128xf32, #tpu.memory_space<hbm>>
        %dma_wait3A_72 = arith.constant 0 : i32
        %dma_wait3A_73 = arith.constant 0 : i32
        %dma_wait3A_74 = tpu.memref_slice %arg6[%dma_wait3A_72, %dma_wait3A_73] : memref<163840x128xf32, #tpu.memory_space<hbm>> -> memref<128x128xf32, #tpu.memory_space<hbm>>
        tpu.wait_dma2 semaphore(%arg13 : memref<!tpu.dma_semaphore, #tpu.memory_space<semaphore_mem>>) src(%arg11 : memref<128x128xf32, #tpu.memory_space<vmem>>) dst(%dma_wait3A_74 : memref<128x128xf32, #tpu.memory_space<hbm>>)
      } else {
      }
      %dma_start3A = arith.constant 0 : i32
      %dma_start3A_26 = tpu.memref_slice %arg8[%scan3A_23, %dma_start3A] : memref<40x128xi32, #tpu.memory_space<vmem>> -> memref<1x128xi32, #tpu.memory_space<vmem>>
      %dma_start3A_27 = tpu.memref_squeeze %dma_start3A_26 : memref<1x128xi32, #tpu.memory_space<vmem>> -> memref<128xi32, #tpu.memory_space<vmem>>
      %dma_start3A_28 = arith.constant 0 : i32
      %dma_start3A_29 = arith.constant 0 : i32
      %dma_start3A_30 = tpu.memref_slice %arg7[%dma_start3A_28, %dma_start3A_29] : memref<10240x128xf32, #tpu.memory_space<vmem_shared>> -> memref<10240x128xf32, #tpu.memory_space<vmem_shared>>
      tpu.enqueue_indirect_dma source(%dma_start3A_30 : memref<10240x128xf32, #tpu.memory_space<vmem_shared>>) target(%arg10 : memref<128x128xf32, #tpu.memory_space<vmem>>) offsets(%dma_start3A_27 : memref<128xi32, #tpu.memory_space<vmem>>) semaphore(%arg12 : memref<!tpu.dma_semaphore, #tpu.memory_space<semaphore_mem>>)
      %dma_start3A_31 = arith.constant 0 : i32
      %dma_start3A_32 = tpu.memref_slice %arg9[%scan3A_23, %dma_start3A_31] : memref<40x128xi32, #tpu.memory_space<vmem>> -> memref<1x128xi32, #tpu.memory_space<vmem>>
      %dma_start3A_33 = tpu.memref_squeeze %dma_start3A_32 : memref<1x128xi32, #tpu.memory_space<vmem>> -> memref<128xi32, #tpu.memory_space<vmem>>
      %dma_start3A_34 = arith.constant 0 : i32
      %dma_start3A_35 = arith.constant 0 : i32
      %dma_start3A_36 = tpu.memref_slice %arg7[%dma_start3A_34, %dma_start3A_35] : memref<10240x128xf32, #tpu.memory_space<vmem_shared>> -> memref<10240x128xf32, #tpu.memory_space<vmem_shared>>
      tpu.enqueue_indirect_dma source(%dma_start3A_36 : memref<10240x128xf32, #tpu.memory_space<vmem_shared>>) target(%arg11 : memref<128x128xf32, #tpu.memory_space<vmem>>) offsets(%dma_start3A_33 : memref<128xi32, #tpu.memory_space<vmem>>) semaphore(%arg12 : memref<!tpu.dma_semaphore, #tpu.memory_space<semaphore_mem>>)
      %dma_wait3A_37 = arith.constant 0 : i32
      %dma_wait3A_38 = tpu.memref_slice %arg8[%scan3A_23, %dma_wait3A_37] : memref<40x128xi32, #tpu.memory_space<vmem>> -> memref<1x128xi32, #tpu.memory_space<vmem>>
      %dma_wait3A_39 = tpu.memref_squeeze %dma_wait3A_38 : memref<1x128xi32, #tpu.memory_space<vmem>> -> memref<128xi32, #tpu.memory_space<vmem>>
      %dma_wait3A_40 = arith.constant 0 : i32
      %dma_wait3A_41 = arith.constant 0 : i32
      %dma_wait3A_42 = tpu.memref_slice %arg7[%dma_wait3A_40, %dma_wait3A_41] : memref<10240x128xf32, #tpu.memory_space<vmem_shared>> -> memref<10240x128xf32, #tpu.memory_space<vmem_shared>>
      tpu.wait_indirect_dma semaphore(%arg12 : memref<!tpu.dma_semaphore, #tpu.memory_space<semaphore_mem>>) src(%dma_wait3A_42 : memref<10240x128xf32, #tpu.memory_space<vmem_shared>>) dst(%arg10 : memref<128x128xf32, #tpu.memory_space<vmem>>)
      %add3A_43 = arith.addi %mul3A_2, %scan3A_23 : i32
      %mul3A_44 = arith.constant 128 : i32
      %mul3A_45 = arith.muli %add3A_43, %mul3A_44 : i32
      %dma_start3A_46 = arith.constant 0 : i32
      %dma_start3A_47 = tpu.memref_slice %arg5[%mul3A_45, %dma_start3A_46] : memref<163840x128xf32, #tpu.memory_space<hbm>> -> memref<128x128xf32, #tpu.memory_space<hbm>>
      %dma_start3A_48 = arith.constant 0 : i32
      %dma_start3A_49 = tpu.memref_slice %arg5[%mul3A_45, %dma_start3A_48] : memref<163840x128xf32, #tpu.memory_space<hbm>> -> memref<128x128xf32, #tpu.memory_space<hbm>>
      tpu.enqueue_dma source(%arg10 : memref<128x128xf32, #tpu.memory_space<vmem>>) target(%dma_start3A_49 : memref<128x128xf32, #tpu.memory_space<hbm>>) target_semaphore(%arg13 : memref<!tpu.dma_semaphore, #tpu.memory_space<semaphore_mem>>)
      %dma_wait3A_50 = arith.constant 0 : i32
      %dma_wait3A_51 = tpu.memref_slice %arg9[%scan3A_23, %dma_wait3A_50] : memref<40x128xi32, #tpu.memory_space<vmem>> -> memref<1x128xi32, #tpu.memory_space<vmem>>
      %dma_wait3A_52 = tpu.memref_squeeze %dma_wait3A_51 : memref<1x128xi32, #tpu.memory_space<vmem>> -> memref<128xi32, #tpu.memory_space<vmem>>
      %dma_wait3A_53 = arith.constant 0 : i32
      %dma_wait3A_54 = arith.constant 0 : i32
      %dma_wait3A_55 = tpu.memref_slice %arg7[%dma_wait3A_53, %dma_wait3A_54] : memref<10240x128xf32, #tpu.memory_space<vmem_shared>> -> memref<10240x128xf32, #tpu.memory_space<vmem_shared>>
      tpu.wait_indirect_dma semaphore(%arg12 : memref<!tpu.dma_semaphore, #tpu.memory_space<semaphore_mem>>) src(%dma_wait3A_55 : memref<10240x128xf32, #tpu.memory_space<vmem_shared>>) dst(%arg11 : memref<128x128xf32, #tpu.memory_space<vmem>>)
      %add3A_56 = arith.addi %mul3A_2, %scan3A_23 : i32
      %mul3A_57 = arith.constant 128 : i32
      %mul3A_58 = arith.muli %add3A_56, %mul3A_57 : i32
      %dma_start3A_59 = arith.constant 0 : i32
      %dma_start3A_60 = tpu.memref_slice %arg6[%mul3A_58, %dma_start3A_59] : memref<163840x128xf32, #tpu.memory_space<hbm>> -> memref<128x128xf32, #tpu.memory_space<hbm>>
      %dma_start3A_61 = arith.constant 0 : i32
      %dma_start3A_62 = tpu.memref_slice %arg6[%mul3A_58, %dma_start3A_61] : memref<163840x128xf32, #tpu.memory_space<hbm>> -> memref<128x128xf32, #tpu.memory_space<hbm>>
      tpu.enqueue_dma source(%arg11 : memref<128x128xf32, #tpu.memory_space<vmem>>) target(%dma_start3A_62 : memref<128x128xf32, #tpu.memory_space<hbm>>) target_semaphore(%arg13 : memref<!tpu.dma_semaphore, #tpu.memory_space<semaphore_mem>>)
    }
    %scan3A_11 = arith.constant 40 : i32
    %dma_wait3A = arith.constant 0 : i32
    %dma_wait3A_12 = arith.constant 0 : i32
    %dma_wait3A_13 = tpu.memref_slice %arg5[%dma_wait3A, %dma_wait3A_12] : memref<163840x128xf32, #tpu.memory_space<hbm>> -> memref<128x128xf32, #tpu.memory_space<hbm>>
    %dma_wait3A_14 = arith.constant 0 : i32
    %dma_wait3A_15 = arith.constant 0 : i32
    %dma_wait3A_16 = tpu.memref_slice %arg5[%dma_wait3A_14, %dma_wait3A_15] : memref<163840x128xf32, #tpu.memory_space<hbm>> -> memref<128x128xf32, #tpu.memory_space<hbm>>
    tpu.wait_dma2 semaphore(%arg13 : memref<!tpu.dma_semaphore, #tpu.memory_space<semaphore_mem>>) src(%arg10 : memref<128x128xf32, #tpu.memory_space<vmem>>) dst(%dma_wait3A_16 : memref<128x128xf32, #tpu.memory_space<hbm>>)
    %dma_wait3A_17 = arith.constant 0 : i32
    %dma_wait3A_18 = arith.constant 0 : i32
    %dma_wait3A_19 = tpu.memref_slice %arg6[%dma_wait3A_17, %dma_wait3A_18] : memref<163840x128xf32, #tpu.memory_space<hbm>> -> memref<128x128xf32, #tpu.memory_space<hbm>>
    %dma_wait3A_20 = arith.constant 0 : i32
    %dma_wait3A_21 = arith.constant 0 : i32
    %dma_wait3A_22 = tpu.memref_slice %arg6[%dma_wait3A_20, %dma_wait3A_21] : memref<163840x128xf32, #tpu.memory_space<hbm>> -> memref<128x128xf32, #tpu.memory_space<hbm>>
    tpu.wait_dma2 semaphore(%arg13 : memref<!tpu.dma_semaphore, #tpu.memory_space<semaphore_mem>>) src(%arg11 : memref<128x128xf32, #tpu.memory_space<vmem>>) dst(%dma_wait3A_22 : memref<128x128xf32, #tpu.memory_space<hbm>>)
    return
  }
}

#map = affine_map<(d0, d1) -> (0, 0, 0)>
#map1 = affine_map<(d0, d1) -> (0, 0)>
module attributes {stable_mosaic.version = 14 : i64} {
  func.func @k(%arg0: i32, %arg1: i32, %arg2: memref<4x81920x128xf32, #tpu.memory_space<hbm>>, %arg3: memref<1280x128xi32, #tpu.memory_space<hbm>>, %arg4: memref<4x10240x128xf32, #tpu.memory_space<hbm>>, %arg5: memref<4x10240x128xf32, #tpu.memory_space<hbm>>, %arg6: memref<40x128xi32, #tpu.memory_space<vmem>>, %arg7: memref<128x128xf32, #tpu.memory_space<vmem>>, %arg8: memref<128x128xf32, #tpu.memory_space<vmem>>, %arg9: memref<10240x128xf32, #tpu.memory_space<vmem_shared>>, %arg10: memref<!tpu.dma_semaphore, #tpu.memory_space<semaphore_mem>>, %arg11: memref<!tpu.dma_semaphore, #tpu.memory_space<semaphore_mem>>) attributes {dimension_semantics = [#tpu.dimension_semantics<core_parallel>, #tpu.dimension_semantics<subcore_parallel>], iteration_bounds = array<i64: 2, 16>, scalar_prefetch = 0 : i64, scratch_operands = 6 : i64, tpu.core_type = #tpu.core_type<sc_vector_subcore>, window_params = [{transform_indices = #map}, {transform_indices = #map1}, {transform_indices = #map}, {transform_indices = #map}]} {
    %mul3A = arith.constant 40 : i32
    %mul3A_0 = arith.muli %arg1, %mul3A : i32
    %add3A = arith.constant 640 : i32
    %add3A_1 = arith.addi %add3A, %mul3A_0 : i32
    "tpu.region"() ({
      %run_scoped3A = tpu.sem_alloc : memref<!tpu.dma_semaphore, #tpu.memory_space<semaphore_mem>>
      %dma_start3A_57 = arith.constant 0 : i32
      %dma_start3A_58 = tpu.memref_slice %arg3[%add3A_1, %dma_start3A_57] : memref<1280x128xi32, #tpu.memory_space<hbm>> -> memref<40x128xi32, #tpu.memory_space<hbm>>
      %dma_start3A_59 = arith.constant 0 : i32
      %dma_start3A_60 = tpu.memref_slice %arg3[%add3A_1, %dma_start3A_59] : memref<1280x128xi32, #tpu.memory_space<hbm>> -> memref<40x128xi32, #tpu.memory_space<hbm>>
      tpu.enqueue_dma source(%dma_start3A_60 : memref<40x128xi32, #tpu.memory_space<hbm>>) target(%arg6 : memref<40x128xi32, #tpu.memory_space<vmem>>) target_semaphore(%run_scoped3A : memref<!tpu.dma_semaphore, #tpu.memory_space<semaphore_mem>>)
      %dma_wait3A = arith.constant 0 : i32
      %dma_wait3A_61 = tpu.memref_slice %arg3[%add3A_1, %dma_wait3A] : memref<1280x128xi32, #tpu.memory_space<hbm>> -> memref<40x128xi32, #tpu.memory_space<hbm>>
      %dma_wait3A_62 = arith.constant 0 : i32
      %dma_wait3A_63 = tpu.memref_slice %arg3[%add3A_1, %dma_wait3A_62] : memref<1280x128xi32, #tpu.memory_space<hbm>> -> memref<40x128xi32, #tpu.memory_space<hbm>>
      tpu.wait_dma2 semaphore(%run_scoped3A : memref<!tpu.dma_semaphore, #tpu.memory_space<semaphore_mem>>) src(%dma_wait3A_63 : memref<40x128xi32, #tpu.memory_space<hbm>>) dst(%arg6 : memref<40x128xi32, #tpu.memory_space<vmem>>)
      tpu.yield
    }) : () -> ()
    %mul3A_2 = arith.constant 2 : i32
    %mul3A_3 = arith.muli %arg0, %mul3A_2 : i32
    %add3A_4 = arith.constant 0 : i32
    %add3A_5 = arith.addi %mul3A_3, %add3A_4 : i32
    %mul3A_6 = arith.constant 640 : i32
    %mul3A_7 = arith.muli %arg1, %mul3A_6 : i32
    %mul3A_8 = arith.constant 640 : i32
    %mul3A_9 = arith.muli %arg1, %mul3A_8 : i32
    "tpu.region"() ({
      %run_scoped3A = tpu.sem_alloc : memref<!tpu.dma_semaphore, #tpu.memory_space<semaphore_mem>>
      %dma_start3A_57 = arith.constant 0 : i32
      %dma_start3A_58 = tpu.memref_slice %arg9[%mul3A_9, %dma_start3A_57] : memref<10240x128xf32, #tpu.memory_space<vmem_shared>> -> memref<640x128xf32, #tpu.memory_space<vmem_shared>>
      %dma_start3A_59 = arith.constant 0 : i32
      %dma_start3A_60 = tpu.memref_slice %arg4[%add3A_5, %mul3A_7, %dma_start3A_59] : memref<4x10240x128xf32, #tpu.memory_space<hbm>> -> memref<1x640x128xf32, #tpu.memory_space<hbm>>
      %dma_start3A_61 = tpu.memref_squeeze %dma_start3A_60 : memref<1x640x128xf32, #tpu.memory_space<hbm>> -> memref<640x128xf32, #tpu.memory_space<hbm>>
      tpu.enqueue_dma source(%dma_start3A_61 : memref<640x128xf32, #tpu.memory_space<hbm>>) target(%dma_start3A_58 : memref<640x128xf32, #tpu.memory_space<vmem_shared>>) target_semaphore(%run_scoped3A : memref<!tpu.dma_semaphore, #tpu.memory_space<semaphore_mem>>)
      %dma_wait3A = arith.constant 0 : i32
      %dma_wait3A_62 = tpu.memref_slice %arg9[%mul3A_9, %dma_wait3A] : memref<10240x128xf32, #tpu.memory_space<vmem_shared>> -> memref<640x128xf32, #tpu.memory_space<vmem_shared>>
      %dma_wait3A_63 = arith.constant 0 : i32
      %dma_wait3A_64 = tpu.memref_slice %arg4[%add3A_5, %mul3A_7, %dma_wait3A_63] : memref<4x10240x128xf32, #tpu.memory_space<hbm>> -> memref<1x640x128xf32, #tpu.memory_space<hbm>>
      %dma_wait3A_65 = tpu.memref_squeeze %dma_wait3A_64 : memref<1x640x128xf32, #tpu.memory_space<hbm>> -> memref<640x128xf32, #tpu.memory_space<hbm>>
      tpu.wait_dma2 semaphore(%run_scoped3A : memref<!tpu.dma_semaphore, #tpu.memory_space<semaphore_mem>>) src(%dma_wait3A_65 : memref<640x128xf32, #tpu.memory_space<hbm>>) dst(%dma_wait3A_62 : memref<640x128xf32, #tpu.memory_space<vmem_shared>>)
      tpu.yield
    }) : () -> ()
    %barrier3A = arith.constant 0 : index
    tpu.barrier barrier_id(%barrier3A)
    %mul3A_10 = arith.constant 128 : i32
    %mul3A_11 = arith.muli %mul3A_0, %mul3A_10 : i32
    %dma_start3A = arith.constant 0 : i32
    %dma_start3A_12 = tpu.memref_slice %arg2[%add3A_5, %mul3A_11, %dma_start3A] : memref<4x81920x128xf32, #tpu.memory_space<hbm>> -> memref<1x128x128xf32, #tpu.memory_space<hbm>>
    %dma_start3A_13 = tpu.memref_squeeze %dma_start3A_12 : memref<1x128x128xf32, #tpu.memory_space<hbm>> -> memref<128x128xf32, #tpu.memory_space<hbm>>
    %dma_start3A_14 = arith.constant 0 : i32
    %dma_start3A_15 = tpu.memref_slice %arg2[%add3A_5, %mul3A_11, %dma_start3A_14] : memref<4x81920x128xf32, #tpu.memory_space<hbm>> -> memref<1x128x128xf32, #tpu.memory_space<hbm>>
    %dma_start3A_16 = tpu.memref_squeeze %dma_start3A_15 : memref<1x128x128xf32, #tpu.memory_space<hbm>> -> memref<128x128xf32, #tpu.memory_space<hbm>>
    tpu.enqueue_dma source(%dma_start3A_16 : memref<128x128xf32, #tpu.memory_space<hbm>>) target(%arg7 : memref<128x128xf32, #tpu.memory_space<vmem>>) target_semaphore(%arg10 : memref<!tpu.dma_semaphore, #tpu.memory_space<semaphore_mem>>)
    %scan3A = arith.constant 0 : i32
    %scan3A_17 = arith.constant 0 : i32
    %scan3A_18 = arith.constant 20 : i32
    %scan3A_19 = arith.addi %scan3A_17, %scan3A_18 : i32
    %scan3A_20 = arith.constant 1 : i32
    scf.for %scan3A_57 = %scan3A_17 to %scan3A_19 step %scan3A_20  : i32 {
      %mul3A_58 = arith.constant 2 : i32
      %mul3A_59 = arith.muli %mul3A_58, %scan3A_57 : i32
      %mul3A_60 = arith.constant 2 : i32
      %mul3A_61 = arith.muli %mul3A_60, %scan3A_57 : i32
      %add3A_62 = arith.constant 1 : i32
      %add3A_63 = arith.addi %mul3A_61, %add3A_62 : i32
      %dma_wait3A = arith.constant 0 : i32
      %dma_wait3A_64 = arith.constant 0 : i32
      %dma_wait3A_65 = arith.constant 0 : i32
      %dma_wait3A_66 = tpu.memref_slice %arg2[%dma_wait3A, %dma_wait3A_64, %dma_wait3A_65] : memref<4x81920x128xf32, #tpu.memory_space<hbm>> -> memref<1x128x128xf32, #tpu.memory_space<hbm>>
      %dma_wait3A_67 = tpu.memref_squeeze %dma_wait3A_66 : memref<1x128x128xf32, #tpu.memory_space<hbm>> -> memref<128x128xf32, #tpu.memory_space<hbm>>
      %dma_wait3A_68 = arith.constant 0 : i32
      %dma_wait3A_69 = arith.constant 0 : i32
      %dma_wait3A_70 = tpu.memref_slice %arg2[%dma_wait3A, %dma_wait3A_68, %dma_wait3A_69] : memref<4x81920x128xf32, #tpu.memory_space<hbm>> -> memref<1x128x128xf32, #tpu.memory_space<hbm>>
      %dma_wait3A_71 = tpu.memref_squeeze %dma_wait3A_70 : memref<1x128x128xf32, #tpu.memory_space<hbm>> -> memref<128x128xf32, #tpu.memory_space<hbm>>
      tpu.wait_dma2 semaphore(%arg10 : memref<!tpu.dma_semaphore, #tpu.memory_space<semaphore_mem>>) src(%dma_wait3A_71 : memref<128x128xf32, #tpu.memory_space<hbm>>) dst(%arg7 : memref<128x128xf32, #tpu.memory_space<vmem>>)
      %add3A_72 = arith.addi %mul3A_0, %add3A_63 : i32
      %mul3A_73 = arith.constant 128 : i32
      %mul3A_74 = arith.muli %add3A_72, %mul3A_73 : i32
      %dma_start3A_75 = arith.constant 0 : i32
      %dma_start3A_76 = tpu.memref_slice %arg2[%add3A_5, %mul3A_74, %dma_start3A_75] : memref<4x81920x128xf32, #tpu.memory_space<hbm>> -> memref<1x128x128xf32, #tpu.memory_space<hbm>>
      %dma_start3A_77 = tpu.memref_squeeze %dma_start3A_76 : memref<1x128x128xf32, #tpu.memory_space<hbm>> -> memref<128x128xf32, #tpu.memory_space<hbm>>
      %dma_start3A_78 = arith.constant 0 : i32
      %dma_start3A_79 = tpu.memref_slice %arg2[%add3A_5, %mul3A_74, %dma_start3A_78] : memref<4x81920x128xf32, #tpu.memory_space<hbm>> -> memref<1x128x128xf32, #tpu.memory_space<hbm>>
      %dma_start3A_80 = tpu.memref_squeeze %dma_start3A_79 : memref<1x128x128xf32, #tpu.memory_space<hbm>> -> memref<128x128xf32, #tpu.memory_space<hbm>>
      tpu.enqueue_dma source(%dma_start3A_80 : memref<128x128xf32, #tpu.memory_space<hbm>>) target(%arg8 : memref<128x128xf32, #tpu.memory_space<vmem>>) target_semaphore(%arg11 : memref<!tpu.dma_semaphore, #tpu.memory_space<semaphore_mem>>)
      "tpu.region"() ({
        %run_scoped3A = tpu.sem_alloc : memref<!tpu.dma_semaphore, #tpu.memory_space<semaphore_mem>>
        %dma_start3A_92 = arith.constant 0 : i32
        %dma_start3A_93 = tpu.memref_slice %arg6[%mul3A_59, %dma_start3A_92] : memref<40x128xi32, #tpu.memory_space<vmem>> -> memref<1x128xi32, #tpu.memory_space<vmem>>
        %dma_start3A_94 = tpu.memref_squeeze %dma_start3A_93 : memref<1x128xi32, #tpu.memory_space<vmem>> -> memref<128xi32, #tpu.memory_space<vmem>>
        %dma_start3A_95 = arith.constant 0 : i32
        %dma_start3A_96 = arith.constant 0 : i32
        %dma_start3A_97 = tpu.memref_slice %arg9[%dma_start3A_95, %dma_start3A_96] : memref<10240x128xf32, #tpu.memory_space<vmem_shared>> -> memref<10240x128xf32, #tpu.memory_space<vmem_shared>>
        tpu.enqueue_indirect_dma source(%arg7 : memref<128x128xf32, #tpu.memory_space<vmem>>) target(%dma_start3A_97 : memref<10240x128xf32, #tpu.memory_space<vmem_shared>>) offsets(%dma_start3A_94 : memref<128xi32, #tpu.memory_space<vmem>>) semaphore(%run_scoped3A : memref<!tpu.dma_semaphore, #tpu.memory_space<semaphore_mem>>) {add = true}
        %dma_wait3A_98 = arith.constant 0 : i32
        %dma_wait3A_99 = tpu.memref_slice %arg6[%mul3A_59, %dma_wait3A_98] : memref<40x128xi32, #tpu.memory_space<vmem>> -> memref<1x128xi32, #tpu.memory_space<vmem>>
        %dma_wait3A_100 = tpu.memref_squeeze %dma_wait3A_99 : memref<1x128xi32, #tpu.memory_space<vmem>> -> memref<128xi32, #tpu.memory_space<vmem>>
        %dma_wait3A_101 = arith.constant 0 : i32
        %dma_wait3A_102 = arith.constant 0 : i32
        %dma_wait3A_103 = tpu.memref_slice %arg9[%dma_wait3A_101, %dma_wait3A_102] : memref<10240x128xf32, #tpu.memory_space<vmem_shared>> -> memref<10240x128xf32, #tpu.memory_space<vmem_shared>>
        tpu.wait_indirect_dma semaphore(%run_scoped3A : memref<!tpu.dma_semaphore, #tpu.memory_space<semaphore_mem>>) src(%arg7 : memref<128x128xf32, #tpu.memory_space<vmem>>) dst(%dma_wait3A_103 : memref<10240x128xf32, #tpu.memory_space<vmem_shared>>)
        tpu.yield
      }) : () -> ()
      %dma_wait3A_81 = arith.constant 0 : i32
      %dma_wait3A_82 = arith.constant 0 : i32
      %dma_wait3A_83 = arith.constant 0 : i32
      %dma_wait3A_84 = tpu.memref_slice %arg2[%dma_wait3A_81, %dma_wait3A_82, %dma_wait3A_83] : memref<4x81920x128xf32, #tpu.memory_space<hbm>> -> memref<1x128x128xf32, #tpu.memory_space<hbm>>
      %dma_wait3A_85 = tpu.memref_squeeze %dma_wait3A_84 : memref<1x128x128xf32, #tpu.memory_space<hbm>> -> memref<128x128xf32, #tpu.memory_space<hbm>>
      %dma_wait3A_86 = arith.constant 0 : i32
      %dma_wait3A_87 = arith.constant 0 : i32
      %dma_wait3A_88 = tpu.memref_slice %arg2[%dma_wait3A_81, %dma_wait3A_86, %dma_wait3A_87] : memref<4x81920x128xf32, #tpu.memory_space<hbm>> -> memref<1x128x128xf32, #tpu.memory_space<hbm>>
      %dma_wait3A_89 = tpu.memref_squeeze %dma_wait3A_88 : memref<1x128x128xf32, #tpu.memory_space<hbm>> -> memref<128x128xf32, #tpu.memory_space<hbm>>
      tpu.wait_dma2 semaphore(%arg11 : memref<!tpu.dma_semaphore, #tpu.memory_space<semaphore_mem>>) src(%dma_wait3A_89 : memref<128x128xf32, #tpu.memory_space<hbm>>) dst(%arg8 : memref<128x128xf32, #tpu.memory_space<vmem>>)
      %lt3A = arith.constant 19 : i32
      %lt3A_90 = arith.cmpi slt, %scan3A_57, %lt3A : i32
      %convert_element_type3A = arith.extui %lt3A_90 : i1 to i32
      %cond3A = arith.constant 0 : i32
      %cond3A_91 = arith.cmpi ne, %convert_element_type3A, %cond3A : i32
      scf.if %cond3A_91 {
        %add3A_92 = arith.addi %mul3A_0, %mul3A_59 : i32
        %add3A_93 = arith.constant 2 : i32
        %add3A_94 = arith.addi %add3A_92, %add3A_93 : i32
        %mul3A_95 = arith.constant 128 : i32
        %mul3A_96 = arith.muli %add3A_94, %mul3A_95 : i32
        %dma_start3A_97 = arith.constant 0 : i32
        %dma_start3A_98 = tpu.memref_slice %arg2[%add3A_5, %mul3A_96, %dma_start3A_97] : memref<4x81920x128xf32, #tpu.memory_space<hbm>> -> memref<1x128x128xf32, #tpu.memory_space<hbm>>
        %dma_start3A_99 = tpu.memref_squeeze %dma_start3A_98 : memref<1x128x128xf32, #tpu.memory_space<hbm>> -> memref<128x128xf32, #tpu.memory_space<hbm>>
        %dma_start3A_100 = arith.constant 0 : i32
        %dma_start3A_101 = tpu.memref_slice %arg2[%add3A_5, %mul3A_96, %dma_start3A_100] : memref<4x81920x128xf32, #tpu.memory_space<hbm>> -> memref<1x128x128xf32, #tpu.memory_space<hbm>>
        %dma_start3A_102 = tpu.memref_squeeze %dma_start3A_101 : memref<1x128x128xf32, #tpu.memory_space<hbm>> -> memref<128x128xf32, #tpu.memory_space<hbm>>
        tpu.enqueue_dma source(%dma_start3A_102 : memref<128x128xf32, #tpu.memory_space<hbm>>) target(%arg7 : memref<128x128xf32, #tpu.memory_space<vmem>>) target_semaphore(%arg10 : memref<!tpu.dma_semaphore, #tpu.memory_space<semaphore_mem>>)
      } else {
      }
      "tpu.region"() ({
        %run_scoped3A = tpu.sem_alloc : memref<!tpu.dma_semaphore, #tpu.memory_space<semaphore_mem>>
        %dma_start3A_92 = arith.constant 0 : i32
        %dma_start3A_93 = tpu.memref_slice %arg6[%add3A_63, %dma_start3A_92] : memref<40x128xi32, #tpu.memory_space<vmem>> -> memref<1x128xi32, #tpu.memory_space<vmem>>
        %dma_start3A_94 = tpu.memref_squeeze %dma_start3A_93 : memref<1x128xi32, #tpu.memory_space<vmem>> -> memref<128xi32, #tpu.memory_space<vmem>>
        %dma_start3A_95 = arith.constant 0 : i32
        %dma_start3A_96 = arith.constant 0 : i32
        %dma_start3A_97 = tpu.memref_slice %arg9[%dma_start3A_95, %dma_start3A_96] : memref<10240x128xf32, #tpu.memory_space<vmem_shared>> -> memref<10240x128xf32, #tpu.memory_space<vmem_shared>>
        tpu.enqueue_indirect_dma source(%arg8 : memref<128x128xf32, #tpu.memory_space<vmem>>) target(%dma_start3A_97 : memref<10240x128xf32, #tpu.memory_space<vmem_shared>>) offsets(%dma_start3A_94 : memref<128xi32, #tpu.memory_space<vmem>>) semaphore(%run_scoped3A : memref<!tpu.dma_semaphore, #tpu.memory_space<semaphore_mem>>) {add = true}
        %dma_wait3A_98 = arith.constant 0 : i32
        %dma_wait3A_99 = tpu.memref_slice %arg6[%add3A_63, %dma_wait3A_98] : memref<40x128xi32, #tpu.memory_space<vmem>> -> memref<1x128xi32, #tpu.memory_space<vmem>>
        %dma_wait3A_100 = tpu.memref_squeeze %dma_wait3A_99 : memref<1x128xi32, #tpu.memory_space<vmem>> -> memref<128xi32, #tpu.memory_space<vmem>>
        %dma_wait3A_101 = arith.constant 0 : i32
        %dma_wait3A_102 = arith.constant 0 : i32
        %dma_wait3A_103 = tpu.memref_slice %arg9[%dma_wait3A_101, %dma_wait3A_102] : memref<10240x128xf32, #tpu.memory_space<vmem_shared>> -> memref<10240x128xf32, #tpu.memory_space<vmem_shared>>
        tpu.wait_indirect_dma semaphore(%run_scoped3A : memref<!tpu.dma_semaphore, #tpu.memory_space<semaphore_mem>>) src(%arg8 : memref<128x128xf32, #tpu.memory_space<vmem>>) dst(%dma_wait3A_103 : memref<10240x128xf32, #tpu.memory_space<vmem_shared>>)
        tpu.yield
      }) : () -> ()
    }
    %scan3A_21 = arith.constant 20 : i32
    %barrier3A_22 = arith.constant 0 : index
    tpu.barrier barrier_id(%barrier3A_22)
    %mul3A_23 = arith.constant 640 : i32
    %mul3A_24 = arith.muli %arg1, %mul3A_23 : i32
    %mul3A_25 = arith.constant 640 : i32
    %mul3A_26 = arith.muli %arg1, %mul3A_25 : i32
    "tpu.region"() ({
      %run_scoped3A = tpu.sem_alloc : memref<!tpu.dma_semaphore, #tpu.memory_space<semaphore_mem>>
      %dma_start3A_57 = arith.constant 0 : i32
      %dma_start3A_58 = tpu.memref_slice %arg5[%add3A_5, %mul3A_26, %dma_start3A_57] : memref<4x10240x128xf32, #tpu.memory_space<hbm>> -> memref<1x640x128xf32, #tpu.memory_space<hbm>>
      %dma_start3A_59 = tpu.memref_squeeze %dma_start3A_58 : memref<1x640x128xf32, #tpu.memory_space<hbm>> -> memref<640x128xf32, #tpu.memory_space<hbm>>
      %dma_start3A_60 = arith.constant 0 : i32
      %dma_start3A_61 = tpu.memref_slice %arg9[%mul3A_24, %dma_start3A_60] : memref<10240x128xf32, #tpu.memory_space<vmem_shared>> -> memref<640x128xf32, #tpu.memory_space<vmem_shared>>
      tpu.enqueue_dma source(%dma_start3A_61 : memref<640x128xf32, #tpu.memory_space<vmem_shared>>) target(%dma_start3A_59 : memref<640x128xf32, #tpu.memory_space<hbm>>) target_semaphore(%run_scoped3A : memref<!tpu.dma_semaphore, #tpu.memory_space<semaphore_mem>>)
      %dma_wait3A = arith.constant 0 : i32
      %dma_wait3A_62 = tpu.memref_slice %arg5[%add3A_5, %mul3A_26, %dma_wait3A] : memref<4x10240x128xf32, #tpu.memory_space<hbm>> -> memref<1x640x128xf32, #tpu.memory_space<hbm>>
      %dma_wait3A_63 = tpu.memref_squeeze %dma_wait3A_62 : memref<1x640x128xf32, #tpu.memory_space<hbm>> -> memref<640x128xf32, #tpu.memory_space<hbm>>
      %dma_wait3A_64 = arith.constant 0 : i32
      %dma_wait3A_65 = tpu.memref_slice %arg9[%mul3A_24, %dma_wait3A_64] : memref<10240x128xf32, #tpu.memory_space<vmem_shared>> -> memref<640x128xf32, #tpu.memory_space<vmem_shared>>
      tpu.wait_dma2 semaphore(%run_scoped3A : memref<!tpu.dma_semaphore, #tpu.memory_space<semaphore_mem>>) src(%dma_wait3A_65 : memref<640x128xf32, #tpu.memory_space<vmem_shared>>) dst(%dma_wait3A_63 : memref<640x128xf32, #tpu.memory_space<hbm>>)
      tpu.yield
    }) : () -> ()
    %barrier3A_27 = arith.constant 0 : index
    tpu.barrier barrier_id(%barrier3A_27)
    %mul3A_28 = arith.constant 2 : i32
    %mul3A_29 = arith.muli %arg0, %mul3A_28 : i32
    %add3A_30 = arith.constant 1 : i32
    %add3A_31 = arith.addi %mul3A_29, %add3A_30 : i32
    %mul3A_32 = arith.constant 640 : i32
    %mul3A_33 = arith.muli %arg1, %mul3A_32 : i32
    %mul3A_34 = arith.constant 640 : i32
    %mul3A_35 = arith.muli %arg1, %mul3A_34 : i32
    "tpu.region"() ({
      %run_scoped3A = tpu.sem_alloc : memref<!tpu.dma_semaphore, #tpu.memory_space<semaphore_mem>>
      %dma_start3A_57 = arith.constant 0 : i32
      %dma_start3A_58 = tpu.memref_slice %arg9[%mul3A_35, %dma_start3A_57] : memref<10240x128xf32, #tpu.memory_space<vmem_shared>> -> memref<640x128xf32, #tpu.memory_space<vmem_shared>>
      %dma_start3A_59 = arith.constant 0 : i32
      %dma_start3A_60 = tpu.memref_slice %arg4[%add3A_31, %mul3A_33, %dma_start3A_59] : memref<4x10240x128xf32, #tpu.memory_space<hbm>> -> memref<1x640x128xf32, #tpu.memory_space<hbm>>
      %dma_start3A_61 = tpu.memref_squeeze %dma_start3A_60 : memref<1x640x128xf32, #tpu.memory_space<hbm>> -> memref<640x128xf32, #tpu.memory_space<hbm>>
      tpu.enqueue_dma source(%dma_start3A_61 : memref<640x128xf32, #tpu.memory_space<hbm>>) target(%dma_start3A_58 : memref<640x128xf32, #tpu.memory_space<vmem_shared>>) target_semaphore(%run_scoped3A : memref<!tpu.dma_semaphore, #tpu.memory_space<semaphore_mem>>)
      %dma_wait3A = arith.constant 0 : i32
      %dma_wait3A_62 = tpu.memref_slice %arg9[%mul3A_35, %dma_wait3A] : memref<10240x128xf32, #tpu.memory_space<vmem_shared>> -> memref<640x128xf32, #tpu.memory_space<vmem_shared>>
      %dma_wait3A_63 = arith.constant 0 : i32
      %dma_wait3A_64 = tpu.memref_slice %arg4[%add3A_31, %mul3A_33, %dma_wait3A_63] : memref<4x10240x128xf32, #tpu.memory_space<hbm>> -> memref<1x640x128xf32, #tpu.memory_space<hbm>>
      %dma_wait3A_65 = tpu.memref_squeeze %dma_wait3A_64 : memref<1x640x128xf32, #tpu.memory_space<hbm>> -> memref<640x128xf32, #tpu.memory_space<hbm>>
      tpu.wait_dma2 semaphore(%run_scoped3A : memref<!tpu.dma_semaphore, #tpu.memory_space<semaphore_mem>>) src(%dma_wait3A_65 : memref<640x128xf32, #tpu.memory_space<hbm>>) dst(%dma_wait3A_62 : memref<640x128xf32, #tpu.memory_space<vmem_shared>>)
      tpu.yield
    }) : () -> ()
    %barrier3A_36 = arith.constant 0 : index
    tpu.barrier barrier_id(%barrier3A_36)
    %mul3A_37 = arith.constant 128 : i32
    %mul3A_38 = arith.muli %mul3A_0, %mul3A_37 : i32
    %dma_start3A_39 = arith.constant 0 : i32
    %dma_start3A_40 = tpu.memref_slice %arg2[%add3A_31, %mul3A_38, %dma_start3A_39] : memref<4x81920x128xf32, #tpu.memory_space<hbm>> -> memref<1x128x128xf32, #tpu.memory_space<hbm>>
    %dma_start3A_41 = tpu.memref_squeeze %dma_start3A_40 : memref<1x128x128xf32, #tpu.memory_space<hbm>> -> memref<128x128xf32, #tpu.memory_space<hbm>>
    %dma_start3A_42 = arith.constant 0 : i32
    %dma_start3A_43 = tpu.memref_slice %arg2[%add3A_31, %mul3A_38, %dma_start3A_42] : memref<4x81920x128xf32, #tpu.memory_space<hbm>> -> memref<1x128x128xf32, #tpu.memory_space<hbm>>
    %dma_start3A_44 = tpu.memref_squeeze %dma_start3A_43 : memref<1x128x128xf32, #tpu.memory_space<hbm>> -> memref<128x128xf32, #tpu.memory_space<hbm>>
    tpu.enqueue_dma source(%dma_start3A_44 : memref<128x128xf32, #tpu.memory_space<hbm>>) target(%arg7 : memref<128x128xf32, #tpu.memory_space<vmem>>) target_semaphore(%arg10 : memref<!tpu.dma_semaphore, #tpu.memory_space<semaphore_mem>>)
    %scan3A_45 = arith.constant 0 : i32
    %scan3A_46 = arith.constant 0 : i32
    %scan3A_47 = arith.constant 20 : i32
    %scan3A_48 = arith.addi %scan3A_46, %scan3A_47 : i32
    %scan3A_49 = arith.constant 1 : i32
    scf.for %scan3A_57 = %scan3A_46 to %scan3A_48 step %scan3A_49  : i32 {
      %mul3A_58 = arith.constant 2 : i32
      %mul3A_59 = arith.muli %mul3A_58, %scan3A_57 : i32
      %mul3A_60 = arith.constant 2 : i32
      %mul3A_61 = arith.muli %mul3A_60, %scan3A_57 : i32
      %add3A_62 = arith.constant 1 : i32
      %add3A_63 = arith.addi %mul3A_61, %add3A_62 : i32
      %dma_wait3A = arith.constant 0 : i32
      %dma_wait3A_64 = arith.constant 0 : i32
      %dma_wait3A_65 = arith.constant 0 : i32
      %dma_wait3A_66 = tpu.memref_slice %arg2[%dma_wait3A, %dma_wait3A_64, %dma_wait3A_65] : memref<4x81920x128xf32, #tpu.memory_space<hbm>> -> memref<1x128x128xf32, #tpu.memory_space<hbm>>
      %dma_wait3A_67 = tpu.memref_squeeze %dma_wait3A_66 : memref<1x128x128xf32, #tpu.memory_space<hbm>> -> memref<128x128xf32, #tpu.memory_space<hbm>>
      %dma_wait3A_68 = arith.constant 0 : i32
      %dma_wait3A_69 = arith.constant 0 : i32
      %dma_wait3A_70 = tpu.memref_slice %arg2[%dma_wait3A, %dma_wait3A_68, %dma_wait3A_69] : memref<4x81920x128xf32, #tpu.memory_space<hbm>> -> memref<1x128x128xf32, #tpu.memory_space<hbm>>
      %dma_wait3A_71 = tpu.memref_squeeze %dma_wait3A_70 : memref<1x128x128xf32, #tpu.memory_space<hbm>> -> memref<128x128xf32, #tpu.memory_space<hbm>>
      tpu.wait_dma2 semaphore(%arg10 : memref<!tpu.dma_semaphore, #tpu.memory_space<semaphore_mem>>) src(%dma_wait3A_71 : memref<128x128xf32, #tpu.memory_space<hbm>>) dst(%arg7 : memref<128x128xf32, #tpu.memory_space<vmem>>)
      %add3A_72 = arith.addi %mul3A_0, %add3A_63 : i32
      %mul3A_73 = arith.constant 128 : i32
      %mul3A_74 = arith.muli %add3A_72, %mul3A_73 : i32
      %dma_start3A_75 = arith.constant 0 : i32
      %dma_start3A_76 = tpu.memref_slice %arg2[%add3A_31, %mul3A_74, %dma_start3A_75] : memref<4x81920x128xf32, #tpu.memory_space<hbm>> -> memref<1x128x128xf32, #tpu.memory_space<hbm>>
      %dma_start3A_77 = tpu.memref_squeeze %dma_start3A_76 : memref<1x128x128xf32, #tpu.memory_space<hbm>> -> memref<128x128xf32, #tpu.memory_space<hbm>>
      %dma_start3A_78 = arith.constant 0 : i32
      %dma_start3A_79 = tpu.memref_slice %arg2[%add3A_31, %mul3A_74, %dma_start3A_78] : memref<4x81920x128xf32, #tpu.memory_space<hbm>> -> memref<1x128x128xf32, #tpu.memory_space<hbm>>
      %dma_start3A_80 = tpu.memref_squeeze %dma_start3A_79 : memref<1x128x128xf32, #tpu.memory_space<hbm>> -> memref<128x128xf32, #tpu.memory_space<hbm>>
      tpu.enqueue_dma source(%dma_start3A_80 : memref<128x128xf32, #tpu.memory_space<hbm>>) target(%arg8 : memref<128x128xf32, #tpu.memory_space<vmem>>) target_semaphore(%arg11 : memref<!tpu.dma_semaphore, #tpu.memory_space<semaphore_mem>>)
      "tpu.region"() ({
        %run_scoped3A = tpu.sem_alloc : memref<!tpu.dma_semaphore, #tpu.memory_space<semaphore_mem>>
        %dma_start3A_92 = arith.constant 0 : i32
        %dma_start3A_93 = tpu.memref_slice %arg6[%mul3A_59, %dma_start3A_92] : memref<40x128xi32, #tpu.memory_space<vmem>> -> memref<1x128xi32, #tpu.memory_space<vmem>>
        %dma_start3A_94 = tpu.memref_squeeze %dma_start3A_93 : memref<1x128xi32, #tpu.memory_space<vmem>> -> memref<128xi32, #tpu.memory_space<vmem>>
        %dma_start3A_95 = arith.constant 0 : i32
        %dma_start3A_96 = arith.constant 0 : i32
        %dma_start3A_97 = tpu.memref_slice %arg9[%dma_start3A_95, %dma_start3A_96] : memref<10240x128xf32, #tpu.memory_space<vmem_shared>> -> memref<10240x128xf32, #tpu.memory_space<vmem_shared>>
        tpu.enqueue_indirect_dma source(%arg7 : memref<128x128xf32, #tpu.memory_space<vmem>>) target(%dma_start3A_97 : memref<10240x128xf32, #tpu.memory_space<vmem_shared>>) offsets(%dma_start3A_94 : memref<128xi32, #tpu.memory_space<vmem>>) semaphore(%run_scoped3A : memref<!tpu.dma_semaphore, #tpu.memory_space<semaphore_mem>>) {add = true}
        %dma_wait3A_98 = arith.constant 0 : i32
        %dma_wait3A_99 = tpu.memref_slice %arg6[%mul3A_59, %dma_wait3A_98] : memref<40x128xi32, #tpu.memory_space<vmem>> -> memref<1x128xi32, #tpu.memory_space<vmem>>
        %dma_wait3A_100 = tpu.memref_squeeze %dma_wait3A_99 : memref<1x128xi32, #tpu.memory_space<vmem>> -> memref<128xi32, #tpu.memory_space<vmem>>
        %dma_wait3A_101 = arith.constant 0 : i32
        %dma_wait3A_102 = arith.constant 0 : i32
        %dma_wait3A_103 = tpu.memref_slice %arg9[%dma_wait3A_101, %dma_wait3A_102] : memref<10240x128xf32, #tpu.memory_space<vmem_shared>> -> memref<10240x128xf32, #tpu.memory_space<vmem_shared>>
        tpu.wait_indirect_dma semaphore(%run_scoped3A : memref<!tpu.dma_semaphore, #tpu.memory_space<semaphore_mem>>) src(%arg7 : memref<128x128xf32, #tpu.memory_space<vmem>>) dst(%dma_wait3A_103 : memref<10240x128xf32, #tpu.memory_space<vmem_shared>>)
        tpu.yield
      }) : () -> ()
      %dma_wait3A_81 = arith.constant 0 : i32
      %dma_wait3A_82 = arith.constant 0 : i32
      %dma_wait3A_83 = arith.constant 0 : i32
      %dma_wait3A_84 = tpu.memref_slice %arg2[%dma_wait3A_81, %dma_wait3A_82, %dma_wait3A_83] : memref<4x81920x128xf32, #tpu.memory_space<hbm>> -> memref<1x128x128xf32, #tpu.memory_space<hbm>>
      %dma_wait3A_85 = tpu.memref_squeeze %dma_wait3A_84 : memref<1x128x128xf32, #tpu.memory_space<hbm>> -> memref<128x128xf32, #tpu.memory_space<hbm>>
      %dma_wait3A_86 = arith.constant 0 : i32
      %dma_wait3A_87 = arith.constant 0 : i32
      %dma_wait3A_88 = tpu.memref_slice %arg2[%dma_wait3A_81, %dma_wait3A_86, %dma_wait3A_87] : memref<4x81920x128xf32, #tpu.memory_space<hbm>> -> memref<1x128x128xf32, #tpu.memory_space<hbm>>
      %dma_wait3A_89 = tpu.memref_squeeze %dma_wait3A_88 : memref<1x128x128xf32, #tpu.memory_space<hbm>> -> memref<128x128xf32, #tpu.memory_space<hbm>>
      tpu.wait_dma2 semaphore(%arg11 : memref<!tpu.dma_semaphore, #tpu.memory_space<semaphore_mem>>) src(%dma_wait3A_89 : memref<128x128xf32, #tpu.memory_space<hbm>>) dst(%arg8 : memref<128x128xf32, #tpu.memory_space<vmem>>)
      %lt3A = arith.constant 19 : i32
      %lt3A_90 = arith.cmpi slt, %scan3A_57, %lt3A : i32
      %convert_element_type3A = arith.extui %lt3A_90 : i1 to i32
      %cond3A = arith.constant 0 : i32
      %cond3A_91 = arith.cmpi ne, %convert_element_type3A, %cond3A : i32
      scf.if %cond3A_91 {
        %add3A_92 = arith.addi %mul3A_0, %mul3A_59 : i32
        %add3A_93 = arith.constant 2 : i32
        %add3A_94 = arith.addi %add3A_92, %add3A_93 : i32
        %mul3A_95 = arith.constant 128 : i32
        %mul3A_96 = arith.muli %add3A_94, %mul3A_95 : i32
        %dma_start3A_97 = arith.constant 0 : i32
        %dma_start3A_98 = tpu.memref_slice %arg2[%add3A_31, %mul3A_96, %dma_start3A_97] : memref<4x81920x128xf32, #tpu.memory_space<hbm>> -> memref<1x128x128xf32, #tpu.memory_space<hbm>>
        %dma_start3A_99 = tpu.memref_squeeze %dma_start3A_98 : memref<1x128x128xf32, #tpu.memory_space<hbm>> -> memref<128x128xf32, #tpu.memory_space<hbm>>
        %dma_start3A_100 = arith.constant 0 : i32
        %dma_start3A_101 = tpu.memref_slice %arg2[%add3A_31, %mul3A_96, %dma_start3A_100] : memref<4x81920x128xf32, #tpu.memory_space<hbm>> -> memref<1x128x128xf32, #tpu.memory_space<hbm>>
        %dma_start3A_102 = tpu.memref_squeeze %dma_start3A_101 : memref<1x128x128xf32, #tpu.memory_space<hbm>> -> memref<128x128xf32, #tpu.memory_space<hbm>>
        tpu.enqueue_dma source(%dma_start3A_102 : memref<128x128xf32, #tpu.memory_space<hbm>>) target(%arg7 : memref<128x128xf32, #tpu.memory_space<vmem>>) target_semaphore(%arg10 : memref<!tpu.dma_semaphore, #tpu.memory_space<semaphore_mem>>)
      } else {
      }
      "tpu.region"() ({
        %run_scoped3A = tpu.sem_alloc : memref<!tpu.dma_semaphore, #tpu.memory_space<semaphore_mem>>
        %dma_start3A_92 = arith.constant 0 : i32
        %dma_start3A_93 = tpu.memref_slice %arg6[%add3A_63, %dma_start3A_92] : memref<40x128xi32, #tpu.memory_space<vmem>> -> memref<1x128xi32, #tpu.memory_space<vmem>>
        %dma_start3A_94 = tpu.memref_squeeze %dma_start3A_93 : memref<1x128xi32, #tpu.memory_space<vmem>> -> memref<128xi32, #tpu.memory_space<vmem>>
        %dma_start3A_95 = arith.constant 0 : i32
        %dma_start3A_96 = arith.constant 0 : i32
        %dma_start3A_97 = tpu.memref_slice %arg9[%dma_start3A_95, %dma_start3A_96] : memref<10240x128xf32, #tpu.memory_space<vmem_shared>> -> memref<10240x128xf32, #tpu.memory_space<vmem_shared>>
        tpu.enqueue_indirect_dma source(%arg8 : memref<128x128xf32, #tpu.memory_space<vmem>>) target(%dma_start3A_97 : memref<10240x128xf32, #tpu.memory_space<vmem_shared>>) offsets(%dma_start3A_94 : memref<128xi32, #tpu.memory_space<vmem>>) semaphore(%run_scoped3A : memref<!tpu.dma_semaphore, #tpu.memory_space<semaphore_mem>>) {add = true}
        %dma_wait3A_98 = arith.constant 0 : i32
        %dma_wait3A_99 = tpu.memref_slice %arg6[%add3A_63, %dma_wait3A_98] : memref<40x128xi32, #tpu.memory_space<vmem>> -> memref<1x128xi32, #tpu.memory_space<vmem>>
        %dma_wait3A_100 = tpu.memref_squeeze %dma_wait3A_99 : memref<1x128xi32, #tpu.memory_space<vmem>> -> memref<128xi32, #tpu.memory_space<vmem>>
        %dma_wait3A_101 = arith.constant 0 : i32
        %dma_wait3A_102 = arith.constant 0 : i32
        %dma_wait3A_103 = tpu.memref_slice %arg9[%dma_wait3A_101, %dma_wait3A_102] : memref<10240x128xf32, #tpu.memory_space<vmem_shared>> -> memref<10240x128xf32, #tpu.memory_space<vmem_shared>>
        tpu.wait_indirect_dma semaphore(%run_scoped3A : memref<!tpu.dma_semaphore, #tpu.memory_space<semaphore_mem>>) src(%arg8 : memref<128x128xf32, #tpu.memory_space<vmem>>) dst(%dma_wait3A_103 : memref<10240x128xf32, #tpu.memory_space<vmem_shared>>)
        tpu.yield
      }) : () -> ()
    }
    %scan3A_50 = arith.constant 20 : i32
    %barrier3A_51 = arith.constant 0 : index
    tpu.barrier barrier_id(%barrier3A_51)
    %mul3A_52 = arith.constant 640 : i32
    %mul3A_53 = arith.muli %arg1, %mul3A_52 : i32
    %mul3A_54 = arith.constant 640 : i32
    %mul3A_55 = arith.muli %arg1, %mul3A_54 : i32
    "tpu.region"() ({
      %run_scoped3A = tpu.sem_alloc : memref<!tpu.dma_semaphore, #tpu.memory_space<semaphore_mem>>
      %dma_start3A_57 = arith.constant 0 : i32
      %dma_start3A_58 = tpu.memref_slice %arg5[%add3A_31, %mul3A_55, %dma_start3A_57] : memref<4x10240x128xf32, #tpu.memory_space<hbm>> -> memref<1x640x128xf32, #tpu.memory_space<hbm>>
      %dma_start3A_59 = tpu.memref_squeeze %dma_start3A_58 : memref<1x640x128xf32, #tpu.memory_space<hbm>> -> memref<640x128xf32, #tpu.memory_space<hbm>>
      %dma_start3A_60 = arith.constant 0 : i32
      %dma_start3A_61 = tpu.memref_slice %arg9[%mul3A_53, %dma_start3A_60] : memref<10240x128xf32, #tpu.memory_space<vmem_shared>> -> memref<640x128xf32, #tpu.memory_space<vmem_shared>>
      tpu.enqueue_dma source(%dma_start3A_61 : memref<640x128xf32, #tpu.memory_space<vmem_shared>>) target(%dma_start3A_59 : memref<640x128xf32, #tpu.memory_space<hbm>>) target_semaphore(%run_scoped3A : memref<!tpu.dma_semaphore, #tpu.memory_space<semaphore_mem>>)
      %dma_wait3A = arith.constant 0 : i32
      %dma_wait3A_62 = tpu.memref_slice %arg5[%add3A_31, %mul3A_55, %dma_wait3A] : memref<4x10240x128xf32, #tpu.memory_space<hbm>> -> memref<1x640x128xf32, #tpu.memory_space<hbm>>
      %dma_wait3A_63 = tpu.memref_squeeze %dma_wait3A_62 : memref<1x640x128xf32, #tpu.memory_space<hbm>> -> memref<640x128xf32, #tpu.memory_space<hbm>>
      %dma_wait3A_64 = arith.constant 0 : i32
      %dma_wait3A_65 = tpu.memref_slice %arg9[%mul3A_53, %dma_wait3A_64] : memref<10240x128xf32, #tpu.memory_space<vmem_shared>> -> memref<640x128xf32, #tpu.memory_space<vmem_shared>>
      tpu.wait_dma2 semaphore(%run_scoped3A : memref<!tpu.dma_semaphore, #tpu.memory_space<semaphore_mem>>) src(%dma_wait3A_65 : memref<640x128xf32, #tpu.memory_space<vmem_shared>>) dst(%dma_wait3A_63 : memref<640x128xf32, #tpu.memory_space<hbm>>)
      tpu.yield
    }) : () -> ()
    %barrier3A_56 = arith.constant 0 : index
    tpu.barrier barrier_id(%barrier3A_56)
    return
  }
}

module attributes {stable_mosaic.version = 14 : i64} {
  func.func @_nodes_pre_body(%arg0: i32, %arg1: memref<2000x100xf32, #tpu.memory_space<vmem>>, %arg2: memref<2000x1xf32, #tpu.memory_space<vmem>>, %arg3: memref<100x128xf32, #tpu.memory_space<vmem>>, %arg4: memref<1x128xf32, #tpu.memory_space<vmem>>, %arg5: memref<1x64xf32, #tpu.memory_space<vmem>>, %arg6: memref<128x128xf32, #tpu.memory_space<vmem>>, %arg7: memref<1x128xf32, #tpu.memory_space<vmem>>, %arg8: memref<128x128xf32, #tpu.memory_space<vmem>>, %arg9: memref<1x128xf32, #tpu.memory_space<vmem>>, %arg10: memref<2000x128xf32, #tpu.memory_space<vmem>>, %arg11: memref<2000x128xf32, #tpu.memory_space<vmem>>) attributes {dimension_semantics = [#tpu.dimension_semantics<arbitrary>], iteration_bounds = array<i64: 5>, scalar_prefetch = 0 : i64, scratch_operands = 0 : i64, tpu.core_type = #tpu.core_type<tc>, window_params = [{transform_indices = @transform_0, window_bounds = array<i64: 2000, 100>}, {transform_indices = @transform_1, window_bounds = array<i64: 2000, 1>}, {pipeline_mode = #tpu.pipeline_mode<synchronous>, transform_indices = @transform_2, window_bounds = array<i64: 100, 128>}, {pipeline_mode = #tpu.pipeline_mode<synchronous>, transform_indices = @transform_3, window_bounds = array<i64: 1, 128>}, {pipeline_mode = #tpu.pipeline_mode<synchronous>, transform_indices = @transform_4, window_bounds = array<i64: 1, 64>}, {pipeline_mode = #tpu.pipeline_mode<synchronous>, transform_indices = @transform_5, window_bounds = array<i64: 128, 128>}, {pipeline_mode = #tpu.pipeline_mode<synchronous>, transform_indices = @transform_6, window_bounds = array<i64: 1, 128>}, {pipeline_mode = #tpu.pipeline_mode<synchronous>, transform_indices = @transform_7, window_bounds = array<i64: 128, 128>}, {pipeline_mode = #tpu.pipeline_mode<synchronous>, transform_indices = @transform_8, window_bounds = array<i64: 1, 128>}, {transform_indices = @transform_9, window_bounds = array<i64: 2000, 128>}, {transform_indices = @transform_10, window_bounds = array<i64: 2000, 128>}]} {
    %get3A = arith.constant 0 : index
    %get3A_0 = arith.constant 0 : index
    %get3A_1 = vector.load %arg1[%get3A, %get3A_0] : memref<2000x100xf32, #tpu.memory_space<vmem>>, vector<2000x100xf32>
    %get3A_2 = arith.constant 0 : index
    %get3A_3 = arith.constant 0 : index
    %get3A_4 = vector.load %arg3[%get3A_2, %get3A_3] : memref<100x128xf32, #tpu.memory_space<vmem>>, vector<100x128xf32>
    %dot_general3A = arith.constant dense<0.000000e+00> : vector<2000x128xf32>
    %dot_general3A_5 = tpu.matmul %get3A_1, %get3A_4, %dot_general3A {dimension_numbers = #tpu.dot_dimension_numbers<[1], [0], [0], [1], [0, 0, 1, 1], [], []>, transpose_lhs_hint = false} : vector<2000x100xf32>, vector<100x128xf32>, vector<2000x128xf32> -> vector<2000x128xf32>
    %get3A_6 = arith.constant 0 : index
    %get3A_7 = arith.constant 0 : index
    %get3A_8 = vector.load %arg4[%get3A_6, %get3A_7] : memref<1x128xf32, #tpu.memory_space<vmem>>, vector<1x128xf32>
    %add3A = vector.broadcast %get3A_8 : vector<1x128xf32> to vector<2000x128xf32>
    %add3A_9 = arith.addf %dot_general3A_5, %add3A : vector<2000x128xf32>
    %swap3A = arith.constant 0 : index
    %swap3A_10 = arith.constant 0 : index
    %swap3A_11 = vector.load %arg10[%swap3A, %swap3A_10] : memref<2000x128xf32, #tpu.memory_space<vmem>>, vector<2000x128xf32>
    tpu.vector_store %arg10[%swap3A, %swap3A_10], %add3A_9 {strides = array<i32>} : memref<2000x128xf32, #tpu.memory_space<vmem>>, vector<2000x128xf32>,
    %get3A_12 = arith.constant 0 : index
    %get3A_13 = arith.constant 0 : index
    %get3A_14 = vector.load %arg2[%get3A_12, %get3A_13] : memref<2000x1xf32, #tpu.memory_space<vmem>>, vector<2000x1xf32>
    %get3A_15 = arith.constant 0 : index
    %get3A_16 = arith.constant 0 : index
    %get3A_17 = vector.load %arg5[%get3A_15, %get3A_16] : memref<1x64xf32, #tpu.memory_space<vmem>>, vector<1x64xf32>
    %mul3A = vector.broadcast %get3A_14 : vector<2000x1xf32> to vector<2000x64xf32>
    %mul3A_18 = vector.broadcast %get3A_17 : vector<1x64xf32> to vector<2000x64xf32>
    %mul3A_19 = arith.mulf %mul3A, %mul3A_18 : vector<2000x64xf32>
    %mul3A_20 = arith.constant 6.28318548 : f32
    %mul3A_21 = vector.broadcast %mul3A_20 : f32 to vector<2000x64xf32>
    %mul3A_22 = arith.mulf %mul3A_21, %mul3A_19 : vector<2000x64xf32>
    %cos3A = math.cos %mul3A_22 : vector<2000x64xf32>
    %sin3A = math.sin %mul3A_22 : vector<2000x64xf32>
    %concatenate3A = tpu.concatenate %cos3A, %sin3A in 1 : vector<2000x64xf32>, vector<2000x64xf32> -> vector<2000x128xf32>
    %get3A_23 = arith.constant 0 : index
    %get3A_24 = arith.constant 0 : index
    %get3A_25 = vector.load %arg6[%get3A_23, %get3A_24] : memref<128x128xf32, #tpu.memory_space<vmem>>, vector<128x128xf32>
    %dot_general3A_26 = arith.constant dense<0.000000e+00> : vector<2000x128xf32>
    %dot_general3A_27 = tpu.matmul %concatenate3A, %get3A_25, %dot_general3A_26 {dimension_numbers = #tpu.dot_dimension_numbers<[1], [0], [0], [1], [0, 0, 1, 1], [], []>, transpose_lhs_hint = false} : vector<2000x128xf32>, vector<128x128xf32>, vector<2000x128xf32> -> vector<2000x128xf32>
    %get3A_28 = arith.constant 0 : index
    %get3A_29 = arith.constant 0 : index
    %get3A_30 = vector.load %arg7[%get3A_28, %get3A_29] : memref<1x128xf32, #tpu.memory_space<vmem>>, vector<1x128xf32>
    %add3A_31 = vector.broadcast %get3A_30 : vector<1x128xf32> to vector<2000x128xf32>
    %add3A_32 = arith.addf %dot_general3A_27, %add3A_31 : vector<2000x128xf32>
    %logistic3A = arith.negf %add3A_32 : vector<2000x128xf32>
    %logistic3A_33 = math.exp %logistic3A : vector<2000x128xf32>
    %logistic3A_34 = arith.constant 1.000000e+00 : f32
    %logistic3A_35 = vector.broadcast %logistic3A_34 : f32 to vector<2000x128xf32>
    %logistic3A_36 = arith.addf %logistic3A_35, %logistic3A_33 : vector<2000x128xf32>
    %logistic3A_37 = arith.divf %logistic3A_35, %logistic3A_36 : vector<2000x128xf32>
    %mul3A_38 = arith.mulf %add3A_32, %logistic3A_37 : vector<2000x128xf32>
    %get3A_39 = arith.constant 0 : index
    %get3A_40 = arith.constant 0 : index
    %get3A_41 = vector.load %arg8[%get3A_39, %get3A_40] : memref<128x128xf32, #tpu.memory_space<vmem>>, vector<128x128xf32>
    %dot_general3A_42 = arith.constant dense<0.000000e+00> : vector<2000x128xf32>
    %dot_general3A_43 = tpu.matmul %mul3A_38, %get3A_41, %dot_general3A_42 {dimension_numbers = #tpu.dot_dimension_numbers<[1], [0], [0], [1], [0, 0, 1, 1], [], []>, transpose_lhs_hint = false} : vector<2000x128xf32>, vector<128x128xf32>, vector<2000x128xf32> -> vector<2000x128xf32>
    %get3A_44 = arith.constant 0 : index
    %get3A_45 = arith.constant 0 : index
    %get3A_46 = vector.load %arg9[%get3A_44, %get3A_45] : memref<1x128xf32, #tpu.memory_space<vmem>>, vector<1x128xf32>
    %add3A_47 = vector.broadcast %get3A_46 : vector<1x128xf32> to vector<2000x128xf32>
    %add3A_48 = arith.addf %dot_general3A_43, %add3A_47 : vector<2000x128xf32>
    %swap3A_49 = arith.constant 0 : index
    %swap3A_50 = arith.constant 0 : index
    %swap3A_51 = vector.load %arg11[%swap3A_49, %swap3A_50] : memref<2000x128xf32, #tpu.memory_space<vmem>>, vector<2000x128xf32>
    tpu.vector_store %arg11[%swap3A_49, %swap3A_50], %add3A_48 {strides = array<i32>} : memref<2000x128xf32, #tpu.memory_space<vmem>>, vector<2000x128xf32>,
    return
  }
  func.func @transform_0(%arg0: i32) -> (i32, i32) {
    %c0_i32 = arith.constant 0 : i32
    %c0_i32_0 = arith.constant 0 : i32
    return %arg0, %c0_i32 : i32, i32
  }
  func.func @transform_1(%arg0: i32) -> (i32, i32) {
    %c0_i32 = arith.constant 0 : i32
    %c0_i32_0 = arith.constant 0 : i32
    return %arg0, %c0_i32 : i32, i32
  }
  func.func @transform_2(%arg0: i32) -> (i32, i32) {
    %c0_i32 = arith.constant 0 : i32
    %c0_i32_0 = arith.constant 0 : i32
    %c0_i32_1 = arith.constant 0 : i32
    return %c0_i32, %c0_i32_0 : i32, i32
  }
  func.func @transform_3(%arg0: i32) -> (i32, i32) {
    %c0_i32 = arith.constant 0 : i32
    %c0_i32_0 = arith.constant 0 : i32
    %c0_i32_1 = arith.constant 0 : i32
    return %c0_i32, %c0_i32_0 : i32, i32
  }
  func.func @transform_4(%arg0: i32) -> (i32, i32) {
    %c0_i32 = arith.constant 0 : i32
    %c0_i32_0 = arith.constant 0 : i32
    %c0_i32_1 = arith.constant 0 : i32
    return %c0_i32, %c0_i32_0 : i32, i32
  }
  func.func @transform_5(%arg0: i32) -> (i32, i32) {
    %c0_i32 = arith.constant 0 : i32
    %c0_i32_0 = arith.constant 0 : i32
    %c0_i32_1 = arith.constant 0 : i32
    return %c0_i32, %c0_i32_0 : i32, i32
  }
  func.func @transform_6(%arg0: i32) -> (i32, i32) {
    %c0_i32 = arith.constant 0 : i32
    %c0_i32_0 = arith.constant 0 : i32
    %c0_i32_1 = arith.constant 0 : i32
    return %c0_i32, %c0_i32_0 : i32, i32
  }
  func.func @transform_7(%arg0: i32) -> (i32, i32) {
    %c0_i32 = arith.constant 0 : i32
    %c0_i32_0 = arith.constant 0 : i32
    %c0_i32_1 = arith.constant 0 : i32
    return %c0_i32, %c0_i32_0 : i32, i32
  }
  func.func @transform_8(%arg0: i32) -> (i32, i32) {
    %c0_i32 = arith.constant 0 : i32
    %c0_i32_0 = arith.constant 0 : i32
    %c0_i32_1 = arith.constant 0 : i32
    return %c0_i32, %c0_i32_0 : i32, i32
  }
  func.func @transform_9(%arg0: i32) -> (i32, i32) {
    %c0_i32 = arith.constant 0 : i32
    %c0_i32_0 = arith.constant 0 : i32
    return %arg0, %c0_i32 : i32, i32
  }
  func.func @transform_10(%arg0: i32) -> (i32, i32) {
    %c0_i32 = arith.constant 0 : i32
    %c0_i32_0 = arith.constant 0 : i32
    return %arg0, %c0_i32 : i32, i32
  }
}

module attributes {stable_mosaic.version = 14 : i64} {
  func.func @_ea_body(%arg0: i32, %arg1: memref<120x2048xf32, #tpu.memory_space<vmem>>, %arg2: memref<120x128xf32, #tpu.memory_space<vmem>>, %arg3: memref<1x128xf32, #tpu.memory_space<vmem>>, %arg4: memref<128x128xf32, #tpu.memory_space<vmem>>, %arg5: memref<1x128xf32, #tpu.memory_space<vmem>>, %arg6: memref<2048x128xf32, #tpu.memory_space<vmem>>) attributes {dimension_semantics = [#tpu.dimension_semantics<arbitrary>], iteration_bounds = array<i64: 79>, scalar_prefetch = 0 : i64, scratch_operands = 0 : i64, tpu.core_type = #tpu.core_type<tc>, window_params = [{transform_indices = @transform_0, window_bounds = array<i64: 120, 2048>}, {pipeline_mode = #tpu.pipeline_mode<synchronous>, transform_indices = @transform_1, window_bounds = array<i64: 120, 128>}, {pipeline_mode = #tpu.pipeline_mode<synchronous>, transform_indices = @transform_2, window_bounds = array<i64: 1, 128>}, {pipeline_mode = #tpu.pipeline_mode<synchronous>, transform_indices = @transform_3, window_bounds = array<i64: 128, 128>}, {pipeline_mode = #tpu.pipeline_mode<synchronous>, transform_indices = @transform_4, window_bounds = array<i64: 1, 128>}, {transform_indices = @transform_5, window_bounds = array<i64: 2048, 128>}]} {
    %get3A = arith.constant 0 : index
    %get3A_0 = arith.constant 0 : index
    %get3A_1 = vector.load %arg1[%get3A, %get3A_0] : memref<120x2048xf32, #tpu.memory_space<vmem>>, vector<120x2048xf32>
    %get3A_2 = arith.constant 0 : index
    %get3A_3 = arith.constant 0 : index
    %get3A_4 = vector.load %arg2[%get3A_2, %get3A_3] : memref<120x128xf32, #tpu.memory_space<vmem>>, vector<120x128xf32>
    %dot_general3A = arith.constant dense<0.000000e+00> : vector<2048x128xf32>
    %dot_general3A_5 = tpu.matmul %get3A_1, %get3A_4, %dot_general3A {dimension_numbers = #tpu.dot_dimension_numbers<[0], [0], [1], [1], [0, 1, 1, 1], [], []>, transpose_lhs_hint = false} : vector<120x2048xf32>, vector<120x128xf32>, vector<2048x128xf32> -> vector<2048x128xf32>
    %get3A_6 = arith.constant 0 : index
    %get3A_7 = arith.constant 0 : index
    %get3A_8 = vector.load %arg3[%get3A_6, %get3A_7] : memref<1x128xf32, #tpu.memory_space<vmem>>, vector<1x128xf32>
    %add3A = vector.broadcast %get3A_8 : vector<1x128xf32> to vector<2048x128xf32>
    %add3A_9 = arith.addf %dot_general3A_5, %add3A : vector<2048x128xf32>
    %logistic3A = arith.negf %add3A_9 : vector<2048x128xf32>
    %logistic3A_10 = math.exp %logistic3A : vector<2048x128xf32>
    %logistic3A_11 = arith.constant 1.000000e+00 : f32
    %logistic3A_12 = vector.broadcast %logistic3A_11 : f32 to vector<2048x128xf32>
    %logistic3A_13 = arith.addf %logistic3A_12, %logistic3A_10 : vector<2048x128xf32>
    %logistic3A_14 = arith.divf %logistic3A_12, %logistic3A_13 : vector<2048x128xf32>
    %mul3A = arith.mulf %add3A_9, %logistic3A_14 : vector<2048x128xf32>
    %get3A_15 = arith.constant 0 : index
    %get3A_16 = arith.constant 0 : index
    %get3A_17 = vector.load %arg4[%get3A_15, %get3A_16] : memref<128x128xf32, #tpu.memory_space<vmem>>, vector<128x128xf32>
    %dot_general3A_18 = arith.constant dense<0.000000e+00> : vector<2048x128xf32>
    %dot_general3A_19 = tpu.matmul %mul3A, %get3A_17, %dot_general3A_18 {dimension_numbers = #tpu.dot_dimension_numbers<[1], [0], [0], [1], [0, 0, 1, 1], [], []>, transpose_lhs_hint = false} : vector<2048x128xf32>, vector<128x128xf32>, vector<2048x128xf32> -> vector<2048x128xf32>
    %get3A_20 = arith.constant 0 : index
    %get3A_21 = arith.constant 0 : index
    %get3A_22 = vector.load %arg5[%get3A_20, %get3A_21] : memref<1x128xf32, #tpu.memory_space<vmem>>, vector<1x128xf32>
    %add3A_23 = vector.broadcast %get3A_22 : vector<1x128xf32> to vector<2048x128xf32>
    %add3A_24 = arith.addf %dot_general3A_19, %add3A_23 : vector<2048x128xf32>
    %swap3A = arith.constant 0 : index
    %swap3A_25 = arith.constant 0 : index
    %swap3A_26 = vector.load %arg6[%swap3A, %swap3A_25] : memref<2048x128xf32, #tpu.memory_space<vmem>>, vector<2048x128xf32>
    tpu.vector_store %arg6[%swap3A, %swap3A_25], %add3A_24 {strides = array<i32>} : memref<2048x128xf32, #tpu.memory_space<vmem>>, vector<2048x128xf32>,
    return
  }
  func.func @transform_0(%arg0: i32) -> (i32, i32) {
    %c0_i32 = arith.constant 0 : i32
    %c0_i32_0 = arith.constant 0 : i32
    return %c0_i32, %arg0 : i32, i32
  }
  func.func @transform_1(%arg0: i32) -> (i32, i32) {
    %c0_i32 = arith.constant 0 : i32
    %c0_i32_0 = arith.constant 0 : i32
    %c0_i32_1 = arith.constant 0 : i32
    return %c0_i32, %c0_i32_0 : i32, i32
  }
  func.func @transform_2(%arg0: i32) -> (i32, i32) {
    %c0_i32 = arith.constant 0 : i32
    %c0_i32_0 = arith.constant 0 : i32
    %c0_i32_1 = arith.constant 0 : i32
    return %c0_i32, %c0_i32_0 : i32, i32
  }
  func.func @transform_3(%arg0: i32) -> (i32, i32) {
    %c0_i32 = arith.constant 0 : i32
    %c0_i32_0 = arith.constant 0 : i32
    %c0_i32_1 = arith.constant 0 : i32
    return %c0_i32, %c0_i32_0 : i32, i32
  }
  func.func @transform_4(%arg0: i32) -> (i32, i32) {
    %c0_i32 = arith.constant 0 : i32
    %c0_i32_0 = arith.constant 0 : i32
    %c0_i32_1 = arith.constant 0 : i32
    return %c0_i32, %c0_i32_0 : i32, i32
  }
  func.func @transform_5(%arg0: i32) -> (i32, i32) {
    %c0_i32 = arith.constant 0 : i32
    %c0_i32_0 = arith.constant 0 : i32
    return %arg0, %c0_i32 : i32, i32
  }
}

module attributes {stable_mosaic.version = 14 : i64} {
  func.func @_edges_body(%arg0: i32, %arg1: memref<2048x128xf32, #tpu.memory_space<vmem>>, %arg2: memref<2048x128xf32, #tpu.memory_space<vmem>>, %arg3: memref<2048x128xf32, #tpu.memory_space<vmem>>, %arg4: memref<3x2048xf32, #tpu.memory_space<vmem>>, %arg5: memref<384x128xf32, #tpu.memory_space<vmem>>, %arg6: memref<1x128xf32, #tpu.memory_space<vmem>>, %arg7: memref<128x128xf32, #tpu.memory_space<vmem>>, %arg8: memref<1x128xf32, #tpu.memory_space<vmem>>, %arg9: memref<384x128xf32, #tpu.memory_space<vmem>>, %arg10: memref<1x128xf32, #tpu.memory_space<vmem>>, %arg11: memref<128x128xf32, #tpu.memory_space<vmem>>, %arg12: memref<1x128xf32, #tpu.memory_space<vmem>>, %arg13: memref<4x2048x128xf32, #tpu.memory_space<vmem>>) attributes {dimension_semantics = [#tpu.dimension_semantics<arbitrary>], iteration_bounds = array<i64: 40>, scalar_prefetch = 0 : i64, scratch_operands = 0 : i64, tpu.core_type = #tpu.core_type<tc>, window_params = [{transform_indices = @transform_0, window_bounds = array<i64: 2048, 128>}, {transform_indices = @transform_1, window_bounds = array<i64: 2048, 128>}, {transform_indices = @transform_2, window_bounds = array<i64: 2048, 128>}, {transform_indices = @transform_3, window_bounds = array<i64: 3, 2048>}, {pipeline_mode = #tpu.pipeline_mode<synchronous>, transform_indices = @transform_4, window_bounds = array<i64: 384, 128>}, {pipeline_mode = #tpu.pipeline_mode<synchronous>, transform_indices = @transform_5, window_bounds = array<i64: 1, 128>}, {pipeline_mode = #tpu.pipeline_mode<synchronous>, transform_indices = @transform_6, window_bounds = array<i64: 128, 128>}, {pipeline_mode = #tpu.pipeline_mode<synchronous>, transform_indices = @transform_7, window_bounds = array<i64: 1, 128>}, {pipeline_mode = #tpu.pipeline_mode<synchronous>, transform_indices = @transform_8, window_bounds = array<i64: 384, 128>}, {pipeline_mode = #tpu.pipeline_mode<synchronous>, transform_indices = @transform_9, window_bounds = array<i64: 1, 128>}, {pipeline_mode = #tpu.pipeline_mode<synchronous>, transform_indices = @transform_10, window_bounds = array<i64: 128, 128>}, {pipeline_mode = #tpu.pipeline_mode<synchronous>, transform_indices = @transform_11, window_bounds = array<i64: 1, 128>}, {transform_indices = @transform_12, window_bounds = array<i64: 4, 2048, 128>}]} {
    %get3A = arith.constant 0 : index
    %get3A_0 = arith.constant 0 : index
    %get3A_1 = vector.load %arg1[%get3A, %get3A_0] : memref<2048x128xf32, #tpu.memory_space<vmem>>, vector<2048x128xf32>
    %get3A_2 = arith.constant 0 : index
    %get3A_3 = arith.constant 0 : index
    %get3A_4 = vector.load %arg2[%get3A_2, %get3A_3] : memref<2048x128xf32, #tpu.memory_space<vmem>>, vector<2048x128xf32>
    %get3A_5 = arith.constant 0 : index
    %get3A_6 = arith.constant 0 : index
    %get3A_7 = vector.load %arg3[%get3A_5, %get3A_6] : memref<2048x128xf32, #tpu.memory_space<vmem>>, vector<2048x128xf32>
    %add3A = arith.constant 0 : i32
    %add3A_8 = arith.addi %arg0, %add3A : i32
    %mul3A = arith.constant 2048 : i32
    %mul3A_9 = arith.muli %add3A_8, %mul3A : i32
    %iota3A = tpu.iota {dimensions = array<i32: 0>} : vector<2048x1xi32>
    %add3A_10 = vector.broadcast %mul3A_9 : i32 to vector<2048x1xi32>
    %add3A_11 = arith.addi %add3A_10, %iota3A : vector<2048x1xi32>
    %lt3A = arith.constant 160000 : i32
    %lt3A_12 = vector.broadcast %lt3A : i32 to vector<2048x1xi32>
    %lt3A_13 = arith.cmpi slt, %add3A_11, %lt3A_12 : vector<2048x1xi32>
    %get3A_14 = arith.constant 0 : index
    %get3A_15 = arith.constant 0 : index
    %get3A_16 = vector.load %arg5[%get3A_14, %get3A_15] : memref<384x128xf32, #tpu.memory_space<vmem>>, vector<128x128xf32>
    %dot_general3A = arith.constant dense<0.000000e+00> : vector<2048x128xf32>
    %dot_general3A_17 = tpu.matmul %get3A_1, %get3A_16, %dot_general3A {dimension_numbers = #tpu.dot_dimension_numbers<[1], [0], [0], [1], [0, 0, 1, 1], [], []>, transpose_lhs_hint = false} : vector<2048x128xf32>, vector<128x128xf32>, vector<2048x128xf32> -> vector<2048x128xf32>
    %get3A_18 = arith.constant 128 : index
    %get3A_19 = arith.constant 0 : index
    %get3A_20 = vector.load %arg5[%get3A_18, %get3A_19] : memref<384x128xf32, #tpu.memory_space<vmem>>, vector<128x128xf32>
    %dot_general3A_21 = arith.constant dense<0.000000e+00> : vector<2048x128xf32>
    %dot_general3A_22 = tpu.matmul %get3A_4, %get3A_20, %dot_general3A_21 {dimension_numbers = #tpu.dot_dimension_numbers<[1], [0], [0], [1], [0, 0, 1, 1], [], []>, transpose_lhs_hint = false} : vector<2048x128xf32>, vector<128x128xf32>, vector<2048x128xf32> -> vector<2048x128xf32>
    %add3A_23 = arith.addf %dot_general3A_17, %dot_general3A_22 : vector<2048x128xf32>
    %get3A_24 = arith.constant 256 : index
    %get3A_25 = arith.constant 0 : index
    %get3A_26 = vector.load %arg5[%get3A_24, %get3A_25] : memref<384x128xf32, #tpu.memory_space<vmem>>, vector<128x128xf32>
    %dot_general3A_27 = arith.constant dense<0.000000e+00> : vector<2048x128xf32>
    %dot_general3A_28 = tpu.matmul %get3A_7, %get3A_26, %dot_general3A_27 {dimension_numbers = #tpu.dot_dimension_numbers<[1], [0], [0], [1], [0, 0, 1, 1], [], []>, transpose_lhs_hint = false} : vector<2048x128xf32>, vector<128x128xf32>, vector<2048x128xf32> -> vector<2048x128xf32>
    %add3A_29 = arith.addf %add3A_23, %dot_general3A_28 : vector<2048x128xf32>
    %get3A_30 = arith.constant 0 : index
    %get3A_31 = arith.constant 0 : index
    %get3A_32 = vector.load %arg6[%get3A_30, %get3A_31] : memref<1x128xf32, #tpu.memory_space<vmem>>, vector<1x128xf32>
    %add3A_33 = vector.broadcast %get3A_32 : vector<1x128xf32> to vector<2048x128xf32>
    %add3A_34 = arith.addf %add3A_29, %add3A_33 : vector<2048x128xf32>
    %logistic3A = arith.negf %add3A_34 : vector<2048x128xf32>
    %logistic3A_35 = math.exp %logistic3A : vector<2048x128xf32>
    %logistic3A_36 = arith.constant 1.000000e+00 : f32
    %logistic3A_37 = vector.broadcast %logistic3A_36 : f32 to vector<2048x128xf32>
    %logistic3A_38 = arith.addf %logistic3A_37, %logistic3A_35 : vector<2048x128xf32>
    %logistic3A_39 = arith.divf %logistic3A_37, %logistic3A_38 : vector<2048x128xf32>
    %mul3A_40 = arith.mulf %add3A_34, %logistic3A_39 : vector<2048x128xf32>
    %get3A_41 = arith.constant 0 : index
    %get3A_42 = arith.constant 0 : index
    %get3A_43 = vector.load %arg7[%get3A_41, %get3A_42] : memref<128x128xf32, #tpu.memory_space<vmem>>, vector<128x128xf32>
    %dot_general3A_44 = arith.constant dense<0.000000e+00> : vector<2048x128xf32>
    %dot_general3A_45 = tpu.matmul %mul3A_40, %get3A_43, %dot_general3A_44 {dimension_numbers = #tpu.dot_dimension_numbers<[1], [0], [0], [1], [0, 0, 1, 1], [], []>, transpose_lhs_hint = false} : vector<2048x128xf32>, vector<128x128xf32>, vector<2048x128xf32> -> vector<2048x128xf32>
    %get3A_46 = arith.constant 0 : index
    %get3A_47 = arith.constant 0 : index
    %get3A_48 = vector.load %arg8[%get3A_46, %get3A_47] : memref<1x128xf32, #tpu.memory_space<vmem>>, vector<1x128xf32>
    %add3A_49 = vector.broadcast %get3A_48 : vector<1x128xf32> to vector<2048x128xf32>
    %add3A_50 = arith.addf %dot_general3A_45, %add3A_49 : vector<2048x128xf32>
    %mul3A_51 = arith.mulf %add3A_50, %get3A_1 : vector<2048x128xf32>
    %get3A_52 = arith.constant 0 : index
    %get3A_53 = arith.constant 0 : index
    %get3A_54 = vector.load %arg9[%get3A_52, %get3A_53] : memref<384x128xf32, #tpu.memory_space<vmem>>, vector<128x128xf32>
    %dot_general3A_55 = arith.constant dense<0.000000e+00> : vector<2048x128xf32>
    %dot_general3A_56 = tpu.matmul %get3A_1, %get3A_54, %dot_general3A_55 {dimension_numbers = #tpu.dot_dimension_numbers<[1], [0], [0], [1], [0, 0, 1, 1], [], []>, transpose_lhs_hint = false} : vector<2048x128xf32>, vector<128x128xf32>, vector<2048x128xf32> -> vector<2048x128xf32>
    %get3A_57 = arith.constant 128 : index
    %get3A_58 = arith.constant 0 : index
    %get3A_59 = vector.load %arg9[%get3A_57, %get3A_58] : memref<384x128xf32, #tpu.memory_space<vmem>>, vector<128x128xf32>
    %dot_general3A_60 = arith.constant dense<0.000000e+00> : vector<2048x128xf32>
    %dot_general3A_61 = tpu.matmul %get3A_4, %get3A_59, %dot_general3A_60 {dimension_numbers = #tpu.dot_dimension_numbers<[1], [0], [0], [1], [0, 0, 1, 1], [], []>, transpose_lhs_hint = false} : vector<2048x128xf32>, vector<128x128xf32>, vector<2048x128xf32> -> vector<2048x128xf32>
    %add3A_62 = arith.addf %dot_general3A_56, %dot_general3A_61 : vector<2048x128xf32>
    %get3A_63 = arith.constant 256 : index
    %get3A_64 = arith.constant 0 : index
    %get3A_65 = vector.load %arg9[%get3A_63, %get3A_64] : memref<384x128xf32, #tpu.memory_space<vmem>>, vector<128x128xf32>
    %dot_general3A_66 = arith.constant dense<0.000000e+00> : vector<2048x128xf32>
    %dot_general3A_67 = tpu.matmul %get3A_7, %get3A_65, %dot_general3A_66 {dimension_numbers = #tpu.dot_dimension_numbers<[1], [0], [0], [1], [0, 0, 1, 1], [], []>, transpose_lhs_hint = false} : vector<2048x128xf32>, vector<128x128xf32>, vector<2048x128xf32> -> vector<2048x128xf32>
    %add3A_68 = arith.addf %add3A_62, %dot_general3A_67 : vector<2048x128xf32>
    %get3A_69 = arith.constant 0 : index
    %get3A_70 = arith.constant 0 : index
    %get3A_71 = vector.load %arg10[%get3A_69, %get3A_70] : memref<1x128xf32, #tpu.memory_space<vmem>>, vector<1x128xf32>
    %add3A_72 = vector.broadcast %get3A_71 : vector<1x128xf32> to vector<2048x128xf32>
    %add3A_73 = arith.addf %add3A_68, %add3A_72 : vector<2048x128xf32>
    %logistic3A_74 = arith.negf %add3A_73 : vector<2048x128xf32>
    %logistic3A_75 = math.exp %logistic3A_74 : vector<2048x128xf32>
    %logistic3A_76 = arith.constant 1.000000e+00 : f32
    %logistic3A_77 = vector.broadcast %logistic3A_76 : f32 to vector<2048x128xf32>
    %logistic3A_78 = arith.addf %logistic3A_77, %logistic3A_75 : vector<2048x128xf32>
    %logistic3A_79 = arith.divf %logistic3A_77, %logistic3A_78 : vector<2048x128xf32>
    %mul3A_80 = arith.mulf %add3A_73, %logistic3A_79 : vector<2048x128xf32>
    %get3A_81 = arith.constant 0 : index
    %get3A_82 = arith.constant 0 : index
    %get3A_83 = vector.load %arg11[%get3A_81, %get3A_82] : memref<128x128xf32, #tpu.memory_space<vmem>>, vector<128x128xf32>
    %dot_general3A_84 = arith.constant dense<0.000000e+00> : vector<2048x128xf32>
    %dot_general3A_85 = tpu.matmul %mul3A_80, %get3A_83, %dot_general3A_84 {dimension_numbers = #tpu.dot_dimension_numbers<[1], [0], [0], [1], [0, 0, 1, 1], [], []>, transpose_lhs_hint = false} : vector<2048x128xf32>, vector<128x128xf32>, vector<2048x128xf32> -> vector<2048x128xf32>
    %get3A_86 = arith.constant 0 : index
    %get3A_87 = arith.constant 0 : index
    %get3A_88 = vector.load %arg12[%get3A_86, %get3A_87] : memref<1x128xf32, #tpu.memory_space<vmem>>, vector<1x128xf32>
    %add3A_89 = vector.broadcast %get3A_88 : vector<1x128xf32> to vector<2048x128xf32>
    %add3A_90 = arith.addf %dot_general3A_85, %add3A_89 : vector<2048x128xf32>
    %iota3A_91 = tpu.iota {dimensions = array<i32: 0>} : vector<3x3xi32>
    %iota3A_92 = tpu.iota {dimensions = array<i32: 1>} : vector<3x3xi32>
    %eq3A = arith.cmpi eq, %iota3A_91, %iota3A_92 : vector<3x3xi32>
    %convert_element_type3A = arith.extui %eq3A : vector<3x3xi1> to vector<3x3xi32>
    %convert_element_type3A_93 = arith.sitofp %convert_element_type3A : vector<3x3xi32> to vector<3x3xf32>
    %get3A_94 = arith.constant 0 : index
    %get3A_95 = arith.constant 0 : index
    %get3A_96 = vector.load %arg4[%get3A_94, %get3A_95] : memref<3x2048xf32, #tpu.memory_space<vmem>>, vector<3x2048xf32>
    %dot_general3A_97 = arith.constant dense<0.000000e+00> : vector<2048x3xf32>
    %dot_general3A_98 = tpu.matmul %get3A_96, %convert_element_type3A_93, %dot_general3A_97 {dimension_numbers = #tpu.dot_dimension_numbers<[0], [0], [1], [1], [0, 1, 1, 1], [], []>, transpose_lhs_hint = false} : vector<3x2048xf32>, vector<3x3xf32>, vector<2048x3xf32> -> vector<2048x3xf32>
    %jit3A = arith.constant 0.000000e+00 : f32
    %broadcast_in_dim3A = vector.shape_cast %lt3A_13 : vector<2048x1xi1> to vector<2048x1xi1>
    %broadcast_in_dim3A_99 = vector.broadcast %broadcast_in_dim3A : vector<2048x1xi1> to vector<2048x128xi1>
    %broadcast_in_dim3A_100 = vector.broadcast %jit3A : f32 to vector<2048x128xf32>
    %select_n3A = arith.select %broadcast_in_dim3A_99, %mul3A_51, %broadcast_in_dim3A_100 : vector<2048x128xi1>, vector<2048x128xf32>
    %swap3A = arith.constant 0 : index
    %swap3A_101 = arith.constant 0 : index
    %swap3A_102 = arith.constant 0 : index
    %swap3A_103 = vector.load %arg13[%swap3A, %swap3A_101, %swap3A_102] : memref<4x2048x128xf32, #tpu.memory_space<vmem>>, vector<1x2048x128xf32>
    %swap3A_104 = vector.shape_cast %swap3A_103 : vector<1x2048x128xf32> to vector<2048x128xf32>
    %swap3A_105 = vector.shape_cast %select_n3A : vector<2048x128xf32> to vector<1x2048x128xf32>
    tpu.vector_store %arg13[%swap3A, %swap3A_101, %swap3A_102], %swap3A_105 {strides = array<i32>} : memref<4x2048x128xf32, #tpu.memory_space<vmem>>, vector<1x2048x128xf32>,
    %slice3A = vector.extract_strided_slice %dot_general3A_98 {offsets = [0, 0], sizes = [2048, 1], strides = [1, 1]} : vector<2048x3xf32> to vector<2048x1xf32>
    %mul3A_106 = vector.broadcast %slice3A : vector<2048x1xf32> to vector<2048x128xf32>
    %mul3A_107 = arith.mulf %add3A_90, %mul3A_106 : vector<2048x128xf32>
    %jit3A_108 = arith.constant 0.000000e+00 : f32
    %broadcast_in_dim3A_109 = vector.shape_cast %lt3A_13 : vector<2048x1xi1> to vector<2048x1xi1>
    %broadcast_in_dim3A_110 = vector.broadcast %broadcast_in_dim3A_109 : vector<2048x1xi1> to vector<2048x128xi1>
    %broadcast_in_dim3A_111 = vector.broadcast %jit3A_108 : f32 to vector<2048x128xf32>
    %select_n3A_112 = arith.select %broadcast_in_dim3A_110, %mul3A_107, %broadcast_in_dim3A_111 : vector<2048x128xi1>, vector<2048x128xf32>
    %swap3A_113 = arith.constant 1 : index
    %swap3A_114 = arith.constant 0 : index
    %swap3A_115 = arith.constant 0 : index
    %swap3A_116 = vector.load %arg13[%swap3A_113, %swap3A_114, %swap3A_115] : memref<4x2048x128xf32, #tpu.memory_space<vmem>>, vector<1x2048x128xf32>
    %swap3A_117 = vector.shape_cast %swap3A_116 : vector<1x2048x128xf32> to vector<2048x128xf32>
    %swap3A_118 = vector.shape_cast %select_n3A_112 : vector<2048x128xf32> to vector<1x2048x128xf32>
    tpu.vector_store %arg13[%swap3A_113, %swap3A_114, %swap3A_115], %swap3A_118 {strides = array<i32>} : memref<4x2048x128xf32, #tpu.memory_space<vmem>>, vector<1x2048x128xf32>,
    %slice3A_119 = vector.extract_strided_slice %dot_general3A_98 {offsets = [0, 1], sizes = [2048, 1], strides = [1, 1]} : vector<2048x3xf32> to vector<2048x1xf32>
    %mul3A_120 = vector.broadcast %slice3A_119 : vector<2048x1xf32> to vector<2048x128xf32>
    %mul3A_121 = arith.mulf %add3A_90, %mul3A_120 : vector<2048x128xf32>
    %jit3A_122 = arith.constant 0.000000e+00 : f32
    %broadcast_in_dim3A_123 = vector.shape_cast %lt3A_13 : vector<2048x1xi1> to vector<2048x1xi1>
    %broadcast_in_dim3A_124 = vector.broadcast %broadcast_in_dim3A_123 : vector<2048x1xi1> to vector<2048x128xi1>
    %broadcast_in_dim3A_125 = vector.broadcast %jit3A_122 : f32 to vector<2048x128xf32>
    %select_n3A_126 = arith.select %broadcast_in_dim3A_124, %mul3A_121, %broadcast_in_dim3A_125 : vector<2048x128xi1>, vector<2048x128xf32>
    %swap3A_127 = arith.constant 2 : index
    %swap3A_128 = arith.constant 0 : index
    %swap3A_129 = arith.constant 0 : index
    %swap3A_130 = vector.load %arg13[%swap3A_127, %swap3A_128, %swap3A_129] : memref<4x2048x128xf32, #tpu.memory_space<vmem>>, vector<1x2048x128xf32>
    %swap3A_131 = vector.shape_cast %swap3A_130 : vector<1x2048x128xf32> to vector<2048x128xf32>
    %swap3A_132 = vector.shape_cast %select_n3A_126 : vector<2048x128xf32> to vector<1x2048x128xf32>
    tpu.vector_store %arg13[%swap3A_127, %swap3A_128, %swap3A_129], %swap3A_132 {strides = array<i32>} : memref<4x2048x128xf32, #tpu.memory_space<vmem>>, vector<1x2048x128xf32>,
    %slice3A_133 = vector.extract_strided_slice %dot_general3A_98 {offsets = [0, 2], sizes = [2048, 1], strides = [1, 1]} : vector<2048x3xf32> to vector<2048x1xf32>
    %mul3A_134 = vector.broadcast %slice3A_133 : vector<2048x1xf32> to vector<2048x128xf32>
    %mul3A_135 = arith.mulf %add3A_90, %mul3A_134 : vector<2048x128xf32>
    %jit3A_136 = arith.constant 0.000000e+00 : f32
    %broadcast_in_dim3A_137 = vector.shape_cast %lt3A_13 : vector<2048x1xi1> to vector<2048x1xi1>
    %broadcast_in_dim3A_138 = vector.broadcast %broadcast_in_dim3A_137 : vector<2048x1xi1> to vector<2048x128xi1>
    %broadcast_in_dim3A_139 = vector.broadcast %jit3A_136 : f32 to vector<2048x128xf32>
    %select_n3A_140 = arith.select %broadcast_in_dim3A_138, %mul3A_135, %broadcast_in_dim3A_139 : vector<2048x128xi1>, vector<2048x128xf32>
    %swap3A_141 = arith.constant 3 : index
    %swap3A_142 = arith.constant 0 : index
    %swap3A_143 = arith.constant 0 : index
    %swap3A_144 = vector.load %arg13[%swap3A_141, %swap3A_142, %swap3A_143] : memref<4x2048x128xf32, #tpu.memory_space<vmem>>, vector<1x2048x128xf32>
    %swap3A_145 = vector.shape_cast %swap3A_144 : vector<1x2048x128xf32> to vector<2048x128xf32>
    %swap3A_146 = vector.shape_cast %select_n3A_140 : vector<2048x128xf32> to vector<1x2048x128xf32>
    tpu.vector_store %arg13[%swap3A_141, %swap3A_142, %swap3A_143], %swap3A_146 {strides = array<i32>} : memref<4x2048x128xf32, #tpu.memory_space<vmem>>, vector<1x2048x128xf32>,
    return
  }
  func.func @transform_0(%arg0: i32) -> (i32, i32) {
    %add3A = arith.constant 0 : i32
    %add3A_0 = arith.addi %arg0, %add3A : i32
    %c0_i32 = arith.constant 0 : i32
    %c0_i32_1 = arith.constant 0 : i32
    return %add3A_0, %c0_i32 : i32, i32
  }
  func.func @transform_1(%arg0: i32) -> (i32, i32) {
    %add3A = arith.constant 0 : i32
    %add3A_0 = arith.addi %arg0, %add3A : i32
    %c0_i32 = arith.constant 0 : i32
    %c0_i32_1 = arith.constant 0 : i32
    return %add3A_0, %c0_i32 : i32, i32
  }
  func.func @transform_2(%arg0: i32) -> (i32, i32) {
    %add3A = arith.constant 0 : i32
    %add3A_0 = arith.addi %arg0, %add3A : i32
    %min3A = arith.constant 78 : i32
    %min3A_1 = arith.minsi %add3A_0, %min3A : i32
    %c0_i32 = arith.constant 0 : i32
    %c0_i32_2 = arith.constant 0 : i32
    return %min3A_1, %c0_i32 : i32, i32
  }
  func.func @transform_3(%arg0: i32) -> (i32, i32) {
    %add3A = arith.constant 0 : i32
    %add3A_0 = arith.addi %arg0, %add3A : i32
    %min3A = arith.constant 78 : i32
    %min3A_1 = arith.minsi %add3A_0, %min3A : i32
    %c0_i32 = arith.constant 0 : i32
    %c0_i32_2 = arith.constant 0 : i32
    return %c0_i32, %min3A_1 : i32, i32
  }
  func.func @transform_4(%arg0: i32) -> (i32, i32) {
    %c0_i32 = arith.constant 0 : i32
    %c0_i32_0 = arith.constant 0 : i32
    %c0_i32_1 = arith.constant 0 : i32
    return %c0_i32, %c0_i32_0 : i32, i32
  }
  func.func @transform_5(%arg0: i32) -> (i32, i32) {
    %c0_i32 = arith.constant 0 : i32
    %c0_i32_0 = arith.constant 0 : i32
    %c0_i32_1 = arith.constant 0 : i32
    return %c0_i32, %c0_i32_0 : i32, i32
  }
  func.func @transform_6(%arg0: i32) -> (i32, i32) {
    %c0_i32 = arith.constant 0 : i32
    %c0_i32_0 = arith.constant 0 : i32
    %c0_i32_1 = arith.constant 0 : i32
    return %c0_i32, %c0_i32_0 : i32, i32
  }
  func.func @transform_7(%arg0: i32) -> (i32, i32) {
    %c0_i32 = arith.constant 0 : i32
    %c0_i32_0 = arith.constant 0 : i32
    %c0_i32_1 = arith.constant 0 : i32
    return %c0_i32, %c0_i32_0 : i32, i32
  }
  func.func @transform_8(%arg0: i32) -> (i32, i32) {
    %c0_i32 = arith.constant 0 : i32
    %c0_i32_0 = arith.constant 0 : i32
    %c0_i32_1 = arith.constant 0 : i32
    return %c0_i32, %c0_i32_0 : i32, i32
  }
  func.func @transform_9(%arg0: i32) -> (i32, i32) {
    %c0_i32 = arith.constant 0 : i32
    %c0_i32_0 = arith.constant 0 : i32
    %c0_i32_1 = arith.constant 0 : i32
    return %c0_i32, %c0_i32_0 : i32, i32
  }
  func.func @transform_10(%arg0: i32) -> (i32, i32) {
    %c0_i32 = arith.constant 0 : i32
    %c0_i32_0 = arith.constant 0 : i32
    %c0_i32_1 = arith.constant 0 : i32
    return %c0_i32, %c0_i32_0 : i32, i32
  }
  func.func @transform_11(%arg0: i32) -> (i32, i32) {
    %c0_i32 = arith.constant 0 : i32
    %c0_i32_0 = arith.constant 0 : i32
    %c0_i32_1 = arith.constant 0 : i32
    return %c0_i32, %c0_i32_0 : i32, i32
  }
  func.func @transform_12(%arg0: i32) -> (i32, i32, i32) {
    %c0_i32 = arith.constant 0 : i32
    %c0_i32_0 = arith.constant 0 : i32
    %c0_i32_1 = arith.constant 0 : i32
    return %c0_i32, %arg0, %c0_i32_0 : i32, i32, i32
  }
}

module attributes {stable_mosaic.version = 14 : i64} {
  func.func @_edges_body(%arg0: i32, %arg1: memref<2048x128xf32, #tpu.memory_space<vmem>>, %arg2: memref<2048x128xf32, #tpu.memory_space<vmem>>, %arg3: memref<2048x128xf32, #tpu.memory_space<vmem>>, %arg4: memref<3x2048xf32, #tpu.memory_space<vmem>>, %arg5: memref<384x128xf32, #tpu.memory_space<vmem>>, %arg6: memref<1x128xf32, #tpu.memory_space<vmem>>, %arg7: memref<128x128xf32, #tpu.memory_space<vmem>>, %arg8: memref<1x128xf32, #tpu.memory_space<vmem>>, %arg9: memref<384x128xf32, #tpu.memory_space<vmem>>, %arg10: memref<1x128xf32, #tpu.memory_space<vmem>>, %arg11: memref<128x128xf32, #tpu.memory_space<vmem>>, %arg12: memref<1x128xf32, #tpu.memory_space<vmem>>, %arg13: memref<4x2048x128xf32, #tpu.memory_space<vmem>>) attributes {dimension_semantics = [#tpu.dimension_semantics<arbitrary>], iteration_bounds = array<i64: 40>, scalar_prefetch = 0 : i64, scratch_operands = 0 : i64, tpu.core_type = #tpu.core_type<tc>, window_params = [{transform_indices = @transform_0, window_bounds = array<i64: 2048, 128>}, {transform_indices = @transform_1, window_bounds = array<i64: 2048, 128>}, {transform_indices = @transform_2, window_bounds = array<i64: 2048, 128>}, {transform_indices = @transform_3, window_bounds = array<i64: 3, 2048>}, {pipeline_mode = #tpu.pipeline_mode<synchronous>, transform_indices = @transform_4, window_bounds = array<i64: 384, 128>}, {pipeline_mode = #tpu.pipeline_mode<synchronous>, transform_indices = @transform_5, window_bounds = array<i64: 1, 128>}, {pipeline_mode = #tpu.pipeline_mode<synchronous>, transform_indices = @transform_6, window_bounds = array<i64: 128, 128>}, {pipeline_mode = #tpu.pipeline_mode<synchronous>, transform_indices = @transform_7, window_bounds = array<i64: 1, 128>}, {pipeline_mode = #tpu.pipeline_mode<synchronous>, transform_indices = @transform_8, window_bounds = array<i64: 384, 128>}, {pipeline_mode = #tpu.pipeline_mode<synchronous>, transform_indices = @transform_9, window_bounds = array<i64: 1, 128>}, {pipeline_mode = #tpu.pipeline_mode<synchronous>, transform_indices = @transform_10, window_bounds = array<i64: 128, 128>}, {pipeline_mode = #tpu.pipeline_mode<synchronous>, transform_indices = @transform_11, window_bounds = array<i64: 1, 128>}, {transform_indices = @transform_12, window_bounds = array<i64: 4, 2048, 128>}]} {
    %get3A = arith.constant 0 : index
    %get3A_0 = arith.constant 0 : index
    %get3A_1 = vector.load %arg1[%get3A, %get3A_0] : memref<2048x128xf32, #tpu.memory_space<vmem>>, vector<2048x128xf32>
    %get3A_2 = arith.constant 0 : index
    %get3A_3 = arith.constant 0 : index
    %get3A_4 = vector.load %arg2[%get3A_2, %get3A_3] : memref<2048x128xf32, #tpu.memory_space<vmem>>, vector<2048x128xf32>
    %get3A_5 = arith.constant 0 : index
    %get3A_6 = arith.constant 0 : index
    %get3A_7 = vector.load %arg3[%get3A_5, %get3A_6] : memref<2048x128xf32, #tpu.memory_space<vmem>>, vector<2048x128xf32>
    %add3A = arith.constant 40 : i32
    %add3A_8 = arith.addi %arg0, %add3A : i32
    %mul3A = arith.constant 2048 : i32
    %mul3A_9 = arith.muli %add3A_8, %mul3A : i32
    %iota3A = tpu.iota {dimensions = array<i32: 0>} : vector<2048x1xi32>
    %add3A_10 = vector.broadcast %mul3A_9 : i32 to vector<2048x1xi32>
    %add3A_11 = arith.addi %add3A_10, %iota3A : vector<2048x1xi32>
    %lt3A = arith.constant 160000 : i32
    %lt3A_12 = vector.broadcast %lt3A : i32 to vector<2048x1xi32>
    %lt3A_13 = arith.cmpi slt, %add3A_11, %lt3A_12 : vector<2048x1xi32>
    %get3A_14 = arith.constant 0 : index
    %get3A_15 = arith.constant 0 : index
    %get3A_16 = vector.load %arg5[%get3A_14, %get3A_15] : memref<384x128xf32, #tpu.memory_space<vmem>>, vector<128x128xf32>
    %dot_general3A = arith.constant dense<0.000000e+00> : vector<2048x128xf32>
    %dot_general3A_17 = tpu.matmul %get3A_1, %get3A_16, %dot_general3A {dimension_numbers = #tpu.dot_dimension_numbers<[1], [0], [0], [1], [0, 0, 1, 1], [], []>, transpose_lhs_hint = false} : vector<2048x128xf32>, vector<128x128xf32>, vector<2048x128xf32> -> vector<2048x128xf32>
    %get3A_18 = arith.constant 128 : index
    %get3A_19 = arith.constant 0 : index
    %get3A_20 = vector.load %arg5[%get3A_18, %get3A_19] : memref<384x128xf32, #tpu.memory_space<vmem>>, vector<128x128xf32>
    %dot_general3A_21 = arith.constant dense<0.000000e+00> : vector<2048x128xf32>
    %dot_general3A_22 = tpu.matmul %get3A_4, %get3A_20, %dot_general3A_21 {dimension_numbers = #tpu.dot_dimension_numbers<[1], [0], [0], [1], [0, 0, 1, 1], [], []>, transpose_lhs_hint = false} : vector<2048x128xf32>, vector<128x128xf32>, vector<2048x128xf32> -> vector<2048x128xf32>
    %add3A_23 = arith.addf %dot_general3A_17, %dot_general3A_22 : vector<2048x128xf32>
    %get3A_24 = arith.constant 256 : index
    %get3A_25 = arith.constant 0 : index
    %get3A_26 = vector.load %arg5[%get3A_24, %get3A_25] : memref<384x128xf32, #tpu.memory_space<vmem>>, vector<128x128xf32>
    %dot_general3A_27 = arith.constant dense<0.000000e+00> : vector<2048x128xf32>
    %dot_general3A_28 = tpu.matmul %get3A_7, %get3A_26, %dot_general3A_27 {dimension_numbers = #tpu.dot_dimension_numbers<[1], [0], [0], [1], [0, 0, 1, 1], [], []>, transpose_lhs_hint = false} : vector<2048x128xf32>, vector<128x128xf32>, vector<2048x128xf32> -> vector<2048x128xf32>
    %add3A_29 = arith.addf %add3A_23, %dot_general3A_28 : vector<2048x128xf32>
    %get3A_30 = arith.constant 0 : index
    %get3A_31 = arith.constant 0 : index
    %get3A_32 = vector.load %arg6[%get3A_30, %get3A_31] : memref<1x128xf32, #tpu.memory_space<vmem>>, vector<1x128xf32>
    %add3A_33 = vector.broadcast %get3A_32 : vector<1x128xf32> to vector<2048x128xf32>
    %add3A_34 = arith.addf %add3A_29, %add3A_33 : vector<2048x128xf32>
    %logistic3A = arith.negf %add3A_34 : vector<2048x128xf32>
    %logistic3A_35 = math.exp %logistic3A : vector<2048x128xf32>
    %logistic3A_36 = arith.constant 1.000000e+00 : f32
    %logistic3A_37 = vector.broadcast %logistic3A_36 : f32 to vector<2048x128xf32>
    %logistic3A_38 = arith.addf %logistic3A_37, %logistic3A_35 : vector<2048x128xf32>
    %logistic3A_39 = arith.divf %logistic3A_37, %logistic3A_38 : vector<2048x128xf32>
    %mul3A_40 = arith.mulf %add3A_34, %logistic3A_39 : vector<2048x128xf32>
    %get3A_41 = arith.constant 0 : index
    %get3A_42 = arith.constant 0 : index
    %get3A_43 = vector.load %arg7[%get3A_41, %get3A_42] : memref<128x128xf32, #tpu.memory_space<vmem>>, vector<128x128xf32>
    %dot_general3A_44 = arith.constant dense<0.000000e+00> : vector<2048x128xf32>
    %dot_general3A_45 = tpu.matmul %mul3A_40, %get3A_43, %dot_general3A_44 {dimension_numbers = #tpu.dot_dimension_numbers<[1], [0], [0], [1], [0, 0, 1, 1], [], []>, transpose_lhs_hint = false} : vector<2048x128xf32>, vector<128x128xf32>, vector<2048x128xf32> -> vector<2048x128xf32>
    %get3A_46 = arith.constant 0 : index
    %get3A_47 = arith.constant 0 : index
    %get3A_48 = vector.load %arg8[%get3A_46, %get3A_47] : memref<1x128xf32, #tpu.memory_space<vmem>>, vector<1x128xf32>
    %add3A_49 = vector.broadcast %get3A_48 : vector<1x128xf32> to vector<2048x128xf32>
    %add3A_50 = arith.addf %dot_general3A_45, %add3A_49 : vector<2048x128xf32>
    %mul3A_51 = arith.mulf %add3A_50, %get3A_1 : vector<2048x128xf32>
    %get3A_52 = arith.constant 0 : index
    %get3A_53 = arith.constant 0 : index
    %get3A_54 = vector.load %arg9[%get3A_52, %get3A_53] : memref<384x128xf32, #tpu.memory_space<vmem>>, vector<128x128xf32>
    %dot_general3A_55 = arith.constant dense<0.000000e+00> : vector<2048x128xf32>
    %dot_general3A_56 = tpu.matmul %get3A_1, %get3A_54, %dot_general3A_55 {dimension_numbers = #tpu.dot_dimension_numbers<[1], [0], [0], [1], [0, 0, 1, 1], [], []>, transpose_lhs_hint = false} : vector<2048x128xf32>, vector<128x128xf32>, vector<2048x128xf32> -> vector<2048x128xf32>
    %get3A_57 = arith.constant 128 : index
    %get3A_58 = arith.constant 0 : index
    %get3A_59 = vector.load %arg9[%get3A_57, %get3A_58] : memref<384x128xf32, #tpu.memory_space<vmem>>, vector<128x128xf32>
    %dot_general3A_60 = arith.constant dense<0.000000e+00> : vector<2048x128xf32>
    %dot_general3A_61 = tpu.matmul %get3A_4, %get3A_59, %dot_general3A_60 {dimension_numbers = #tpu.dot_dimension_numbers<[1], [0], [0], [1], [0, 0, 1, 1], [], []>, transpose_lhs_hint = false} : vector<2048x128xf32>, vector<128x128xf32>, vector<2048x128xf32> -> vector<2048x128xf32>
    %add3A_62 = arith.addf %dot_general3A_56, %dot_general3A_61 : vector<2048x128xf32>
    %get3A_63 = arith.constant 256 : index
    %get3A_64 = arith.constant 0 : index
    %get3A_65 = vector.load %arg9[%get3A_63, %get3A_64] : memref<384x128xf32, #tpu.memory_space<vmem>>, vector<128x128xf32>
    %dot_general3A_66 = arith.constant dense<0.000000e+00> : vector<2048x128xf32>
    %dot_general3A_67 = tpu.matmul %get3A_7, %get3A_65, %dot_general3A_66 {dimension_numbers = #tpu.dot_dimension_numbers<[1], [0], [0], [1], [0, 0, 1, 1], [], []>, transpose_lhs_hint = false} : vector<2048x128xf32>, vector<128x128xf32>, vector<2048x128xf32> -> vector<2048x128xf32>
    %add3A_68 = arith.addf %add3A_62, %dot_general3A_67 : vector<2048x128xf32>
    %get3A_69 = arith.constant 0 : index
    %get3A_70 = arith.constant 0 : index
    %get3A_71 = vector.load %arg10[%get3A_69, %get3A_70] : memref<1x128xf32, #tpu.memory_space<vmem>>, vector<1x128xf32>
    %add3A_72 = vector.broadcast %get3A_71 : vector<1x128xf32> to vector<2048x128xf32>
    %add3A_73 = arith.addf %add3A_68, %add3A_72 : vector<2048x128xf32>
    %logistic3A_74 = arith.negf %add3A_73 : vector<2048x128xf32>
    %logistic3A_75 = math.exp %logistic3A_74 : vector<2048x128xf32>
    %logistic3A_76 = arith.constant 1.000000e+00 : f32
    %logistic3A_77 = vector.broadcast %logistic3A_76 : f32 to vector<2048x128xf32>
    %logistic3A_78 = arith.addf %logistic3A_77, %logistic3A_75 : vector<2048x128xf32>
    %logistic3A_79 = arith.divf %logistic3A_77, %logistic3A_78 : vector<2048x128xf32>
    %mul3A_80 = arith.mulf %add3A_73, %logistic3A_79 : vector<2048x128xf32>
    %get3A_81 = arith.constant 0 : index
    %get3A_82 = arith.constant 0 : index
    %get3A_83 = vector.load %arg11[%get3A_81, %get3A_82] : memref<128x128xf32, #tpu.memory_space<vmem>>, vector<128x128xf32>
    %dot_general3A_84 = arith.constant dense<0.000000e+00> : vector<2048x128xf32>
    %dot_general3A_85 = tpu.matmul %mul3A_80, %get3A_83, %dot_general3A_84 {dimension_numbers = #tpu.dot_dimension_numbers<[1], [0], [0], [1], [0, 0, 1, 1], [], []>, transpose_lhs_hint = false} : vector<2048x128xf32>, vector<128x128xf32>, vector<2048x128xf32> -> vector<2048x128xf32>
    %get3A_86 = arith.constant 0 : index
    %get3A_87 = arith.constant 0 : index
    %get3A_88 = vector.load %arg12[%get3A_86, %get3A_87] : memref<1x128xf32, #tpu.memory_space<vmem>>, vector<1x128xf32>
    %add3A_89 = vector.broadcast %get3A_88 : vector<1x128xf32> to vector<2048x128xf32>
    %add3A_90 = arith.addf %dot_general3A_85, %add3A_89 : vector<2048x128xf32>
    %iota3A_91 = tpu.iota {dimensions = array<i32: 0>} : vector<3x3xi32>
    %iota3A_92 = tpu.iota {dimensions = array<i32: 1>} : vector<3x3xi32>
    %eq3A = arith.cmpi eq, %iota3A_91, %iota3A_92 : vector<3x3xi32>
    %convert_element_type3A = arith.extui %eq3A : vector<3x3xi1> to vector<3x3xi32>
    %convert_element_type3A_93 = arith.sitofp %convert_element_type3A : vector<3x3xi32> to vector<3x3xf32>
    %get3A_94 = arith.constant 0 : index
    %get3A_95 = arith.constant 0 : index
    %get3A_96 = vector.load %arg4[%get3A_94, %get3A_95] : memref<3x2048xf32, #tpu.memory_space<vmem>>, vector<3x2048xf32>
    %dot_general3A_97 = arith.constant dense<0.000000e+00> : vector<2048x3xf32>
    %dot_general3A_98 = tpu.matmul %get3A_96, %convert_element_type3A_93, %dot_general3A_97 {dimension_numbers = #tpu.dot_dimension_numbers<[0], [0], [1], [1], [0, 1, 1, 1], [], []>, transpose_lhs_hint = false} : vector<3x2048xf32>, vector<3x3xf32>, vector<2048x3xf32> -> vector<2048x3xf32>
    %jit3A = arith.constant 0.000000e+00 : f32
    %broadcast_in_dim3A = vector.shape_cast %lt3A_13 : vector<2048x1xi1> to vector<2048x1xi1>
    %broadcast_in_dim3A_99 = vector.broadcast %broadcast_in_dim3A : vector<2048x1xi1> to vector<2048x128xi1>
    %broadcast_in_dim3A_100 = vector.broadcast %jit3A : f32 to vector<2048x128xf32>
    %select_n3A = arith.select %broadcast_in_dim3A_99, %mul3A_51, %broadcast_in_dim3A_100 : vector<2048x128xi1>, vector<2048x128xf32>
    %swap3A = arith.constant 0 : index
    %swap3A_101 = arith.constant 0 : index
    %swap3A_102 = arith.constant 0 : index
    %swap3A_103 = vector.load %arg13[%swap3A, %swap3A_101, %swap3A_102] : memref<4x2048x128xf32, #tpu.memory_space<vmem>>, vector<1x2048x128xf32>
    %swap3A_104 = vector.shape_cast %swap3A_103 : vector<1x2048x128xf32> to vector<2048x128xf32>
    %swap3A_105 = vector.shape_cast %select_n3A : vector<2048x128xf32> to vector<1x2048x128xf32>
    tpu.vector_store %arg13[%swap3A, %swap3A_101, %swap3A_102], %swap3A_105 {strides = array<i32>} : memref<4x2048x128xf32, #tpu.memory_space<vmem>>, vector<1x2048x128xf32>,
    %slice3A = vector.extract_strided_slice %dot_general3A_98 {offsets = [0, 0], sizes = [2048, 1], strides = [1, 1]} : vector<2048x3xf32> to vector<2048x1xf32>
    %mul3A_106 = vector.broadcast %slice3A : vector<2048x1xf32> to vector<2048x128xf32>
    %mul3A_107 = arith.mulf %add3A_90, %mul3A_106 : vector<2048x128xf32>
    %jit3A_108 = arith.constant 0.000000e+00 : f32
    %broadcast_in_dim3A_109 = vector.shape_cast %lt3A_13 : vector<2048x1xi1> to vector<2048x1xi1>
    %broadcast_in_dim3A_110 = vector.broadcast %broadcast_in_dim3A_109 : vector<2048x1xi1> to vector<2048x128xi1>
    %broadcast_in_dim3A_111 = vector.broadcast %jit3A_108 : f32 to vector<2048x128xf32>
    %select_n3A_112 = arith.select %broadcast_in_dim3A_110, %mul3A_107, %broadcast_in_dim3A_111 : vector<2048x128xi1>, vector<2048x128xf32>
    %swap3A_113 = arith.constant 1 : index
    %swap3A_114 = arith.constant 0 : index
    %swap3A_115 = arith.constant 0 : index
    %swap3A_116 = vector.load %arg13[%swap3A_113, %swap3A_114, %swap3A_115] : memref<4x2048x128xf32, #tpu.memory_space<vmem>>, vector<1x2048x128xf32>
    %swap3A_117 = vector.shape_cast %swap3A_116 : vector<1x2048x128xf32> to vector<2048x128xf32>
    %swap3A_118 = vector.shape_cast %select_n3A_112 : vector<2048x128xf32> to vector<1x2048x128xf32>
    tpu.vector_store %arg13[%swap3A_113, %swap3A_114, %swap3A_115], %swap3A_118 {strides = array<i32>} : memref<4x2048x128xf32, #tpu.memory_space<vmem>>, vector<1x2048x128xf32>,
    %slice3A_119 = vector.extract_strided_slice %dot_general3A_98 {offsets = [0, 1], sizes = [2048, 1], strides = [1, 1]} : vector<2048x3xf32> to vector<2048x1xf32>
    %mul3A_120 = vector.broadcast %slice3A_119 : vector<2048x1xf32> to vector<2048x128xf32>
    %mul3A_121 = arith.mulf %add3A_90, %mul3A_120 : vector<2048x128xf32>
    %jit3A_122 = arith.constant 0.000000e+00 : f32
    %broadcast_in_dim3A_123 = vector.shape_cast %lt3A_13 : vector<2048x1xi1> to vector<2048x1xi1>
    %broadcast_in_dim3A_124 = vector.broadcast %broadcast_in_dim3A_123 : vector<2048x1xi1> to vector<2048x128xi1>
    %broadcast_in_dim3A_125 = vector.broadcast %jit3A_122 : f32 to vector<2048x128xf32>
    %select_n3A_126 = arith.select %broadcast_in_dim3A_124, %mul3A_121, %broadcast_in_dim3A_125 : vector<2048x128xi1>, vector<2048x128xf32>
    %swap3A_127 = arith.constant 2 : index
    %swap3A_128 = arith.constant 0 : index
    %swap3A_129 = arith.constant 0 : index
    %swap3A_130 = vector.load %arg13[%swap3A_127, %swap3A_128, %swap3A_129] : memref<4x2048x128xf32, #tpu.memory_space<vmem>>, vector<1x2048x128xf32>
    %swap3A_131 = vector.shape_cast %swap3A_130 : vector<1x2048x128xf32> to vector<2048x128xf32>
    %swap3A_132 = vector.shape_cast %select_n3A_126 : vector<2048x128xf32> to vector<1x2048x128xf32>
    tpu.vector_store %arg13[%swap3A_127, %swap3A_128, %swap3A_129], %swap3A_132 {strides = array<i32>} : memref<4x2048x128xf32, #tpu.memory_space<vmem>>, vector<1x2048x128xf32>,
    %slice3A_133 = vector.extract_strided_slice %dot_general3A_98 {offsets = [0, 2], sizes = [2048, 1], strides = [1, 1]} : vector<2048x3xf32> to vector<2048x1xf32>
    %mul3A_134 = vector.broadcast %slice3A_133 : vector<2048x1xf32> to vector<2048x128xf32>
    %mul3A_135 = arith.mulf %add3A_90, %mul3A_134 : vector<2048x128xf32>
    %jit3A_136 = arith.constant 0.000000e+00 : f32
    %broadcast_in_dim3A_137 = vector.shape_cast %lt3A_13 : vector<2048x1xi1> to vector<2048x1xi1>
    %broadcast_in_dim3A_138 = vector.broadcast %broadcast_in_dim3A_137 : vector<2048x1xi1> to vector<2048x128xi1>
    %broadcast_in_dim3A_139 = vector.broadcast %jit3A_136 : f32 to vector<2048x128xf32>
    %select_n3A_140 = arith.select %broadcast_in_dim3A_138, %mul3A_135, %broadcast_in_dim3A_139 : vector<2048x128xi1>, vector<2048x128xf32>
    %swap3A_141 = arith.constant 3 : index
    %swap3A_142 = arith.constant 0 : index
    %swap3A_143 = arith.constant 0 : index
    %swap3A_144 = vector.load %arg13[%swap3A_141, %swap3A_142, %swap3A_143] : memref<4x2048x128xf32, #tpu.memory_space<vmem>>, vector<1x2048x128xf32>
    %swap3A_145 = vector.shape_cast %swap3A_144 : vector<1x2048x128xf32> to vector<2048x128xf32>
    %swap3A_146 = vector.shape_cast %select_n3A_140 : vector<2048x128xf32> to vector<1x2048x128xf32>
    tpu.vector_store %arg13[%swap3A_141, %swap3A_142, %swap3A_143], %swap3A_146 {strides = array<i32>} : memref<4x2048x128xf32, #tpu.memory_space<vmem>>, vector<1x2048x128xf32>,
    return
  }
  func.func @transform_0(%arg0: i32) -> (i32, i32) {
    %add3A = arith.constant 40 : i32
    %add3A_0 = arith.addi %arg0, %add3A : i32
    %c0_i32 = arith.constant 0 : i32
    %c0_i32_1 = arith.constant 0 : i32
    return %add3A_0, %c0_i32 : i32, i32
  }
  func.func @transform_1(%arg0: i32) -> (i32, i32) {
    %add3A = arith.constant 40 : i32
    %add3A_0 = arith.addi %arg0, %add3A : i32
    %c0_i32 = arith.constant 0 : i32
    %c0_i32_1 = arith.constant 0 : i32
    return %add3A_0, %c0_i32 : i32, i32
  }
  func.func @transform_2(%arg0: i32) -> (i32, i32) {
    %add3A = arith.constant 40 : i32
    %add3A_0 = arith.addi %arg0, %add3A : i32
    %min3A = arith.constant 78 : i32
    %min3A_1 = arith.minsi %add3A_0, %min3A : i32
    %c0_i32 = arith.constant 0 : i32
    %c0_i32_2 = arith.constant 0 : i32
    return %min3A_1, %c0_i32 : i32, i32
  }
  func.func @transform_3(%arg0: i32) -> (i32, i32) {
    %add3A = arith.constant 40 : i32
    %add3A_0 = arith.addi %arg0, %add3A : i32
    %min3A = arith.constant 78 : i32
    %min3A_1 = arith.minsi %add3A_0, %min3A : i32
    %c0_i32 = arith.constant 0 : i32
    %c0_i32_2 = arith.constant 0 : i32
    return %c0_i32, %min3A_1 : i32, i32
  }
  func.func @transform_4(%arg0: i32) -> (i32, i32) {
    %c0_i32 = arith.constant 0 : i32
    %c0_i32_0 = arith.constant 0 : i32
    %c0_i32_1 = arith.constant 0 : i32
    return %c0_i32, %c0_i32_0 : i32, i32
  }
  func.func @transform_5(%arg0: i32) -> (i32, i32) {
    %c0_i32 = arith.constant 0 : i32
    %c0_i32_0 = arith.constant 0 : i32
    %c0_i32_1 = arith.constant 0 : i32
    return %c0_i32, %c0_i32_0 : i32, i32
  }
  func.func @transform_6(%arg0: i32) -> (i32, i32) {
    %c0_i32 = arith.constant 0 : i32
    %c0_i32_0 = arith.constant 0 : i32
    %c0_i32_1 = arith.constant 0 : i32
    return %c0_i32, %c0_i32_0 : i32, i32
  }
  func.func @transform_7(%arg0: i32) -> (i32, i32) {
    %c0_i32 = arith.constant 0 : i32
    %c0_i32_0 = arith.constant 0 : i32
    %c0_i32_1 = arith.constant 0 : i32
    return %c0_i32, %c0_i32_0 : i32, i32
  }
  func.func @transform_8(%arg0: i32) -> (i32, i32) {
    %c0_i32 = arith.constant 0 : i32
    %c0_i32_0 = arith.constant 0 : i32
    %c0_i32_1 = arith.constant 0 : i32
    return %c0_i32, %c0_i32_0 : i32, i32
  }
  func.func @transform_9(%arg0: i32) -> (i32, i32) {
    %c0_i32 = arith.constant 0 : i32
    %c0_i32_0 = arith.constant 0 : i32
    %c0_i32_1 = arith.constant 0 : i32
    return %c0_i32, %c0_i32_0 : i32, i32
  }
  func.func @transform_10(%arg0: i32) -> (i32, i32) {
    %c0_i32 = arith.constant 0 : i32
    %c0_i32_0 = arith.constant 0 : i32
    %c0_i32_1 = arith.constant 0 : i32
    return %c0_i32, %c0_i32_0 : i32, i32
  }
  func.func @transform_11(%arg0: i32) -> (i32, i32) {
    %c0_i32 = arith.constant 0 : i32
    %c0_i32_0 = arith.constant 0 : i32
    %c0_i32_1 = arith.constant 0 : i32
    return %c0_i32, %c0_i32_0 : i32, i32
  }
  func.func @transform_12(%arg0: i32) -> (i32, i32, i32) {
    %c0_i32 = arith.constant 0 : i32
    %c0_i32_0 = arith.constant 0 : i32
    %c0_i32_1 = arith.constant 0 : i32
    return %c0_i32, %arg0, %c0_i32_0 : i32, i32, i32
  }
}

module attributes {stable_mosaic.version = 14 : i64} {
  func.func @_h0_body(%arg0: i32, %arg1: memref<2000x128xf32, #tpu.memory_space<vmem>>, %arg2: memref<2000x128xf32, #tpu.memory_space<vmem>>, %arg3: memref<2000x128xf32, #tpu.memory_space<vmem>>, %arg4: memref<256x128xf32, #tpu.memory_space<vmem>>, %arg5: memref<1x128xf32, #tpu.memory_space<vmem>>, %arg6: memref<128x128xf32, #tpu.memory_space<vmem>>, %arg7: memref<1x128xf32, #tpu.memory_space<vmem>>, %arg8: memref<2000x128xf32, #tpu.memory_space<vmem>>) attributes {dimension_semantics = [#tpu.dimension_semantics<arbitrary>], iteration_bounds = array<i64: 5>, scalar_prefetch = 0 : i64, scratch_operands = 0 : i64, tpu.core_type = #tpu.core_type<tc>, window_params = [{transform_indices = @transform_0, window_bounds = array<i64: 2000, 128>}, {transform_indices = @transform_1, window_bounds = array<i64: 2000, 128>}, {transform_indices = @transform_2, window_bounds = array<i64: 2000, 128>}, {pipeline_mode = #tpu.pipeline_mode<synchronous>, transform_indices = @transform_3, window_bounds = array<i64: 256, 128>}, {pipeline_mode = #tpu.pipeline_mode<synchronous>, transform_indices = @transform_4, window_bounds = array<i64: 1, 128>}, {pipeline_mode = #tpu.pipeline_mode<synchronous>, transform_indices = @transform_5, window_bounds = array<i64: 128, 128>}, {pipeline_mode = #tpu.pipeline_mode<synchronous>, transform_indices = @transform_6, window_bounds = array<i64: 1, 128>}, {transform_indices = @transform_7, window_bounds = array<i64: 2000, 128>}]} {
    %get3A = arith.constant 0 : index
    %get3A_0 = arith.constant 0 : index
    %get3A_1 = vector.load %arg1[%get3A, %get3A_0] : memref<2000x128xf32, #tpu.memory_space<vmem>>, vector<2000x128xf32>
    %get3A_2 = arith.constant 0 : index
    %get3A_3 = arith.constant 0 : index
    %get3A_4 = vector.load %arg4[%get3A_2, %get3A_3] : memref<256x128xf32, #tpu.memory_space<vmem>>, vector<128x128xf32>
    %dot_general3A = arith.constant dense<0.000000e+00> : vector<2000x128xf32>
    %dot_general3A_5 = tpu.matmul %get3A_1, %get3A_4, %dot_general3A {dimension_numbers = #tpu.dot_dimension_numbers<[1], [0], [0], [1], [0, 0, 1, 1], [], []>, transpose_lhs_hint = false} : vector<2000x128xf32>, vector<128x128xf32>, vector<2000x128xf32> -> vector<2000x128xf32>
    %get3A_6 = arith.constant 0 : index
    %get3A_7 = arith.constant 0 : index
    %get3A_8 = vector.load %arg2[%get3A_6, %get3A_7] : memref<2000x128xf32, #tpu.memory_space<vmem>>, vector<2000x128xf32>
    %get3A_9 = arith.constant 128 : index
    %get3A_10 = arith.constant 0 : index
    %get3A_11 = vector.load %arg4[%get3A_9, %get3A_10] : memref<256x128xf32, #tpu.memory_space<vmem>>, vector<128x128xf32>
    %dot_general3A_12 = arith.constant dense<0.000000e+00> : vector<2000x128xf32>
    %dot_general3A_13 = tpu.matmul %get3A_8, %get3A_11, %dot_general3A_12 {dimension_numbers = #tpu.dot_dimension_numbers<[1], [0], [0], [1], [0, 0, 1, 1], [], []>, transpose_lhs_hint = false} : vector<2000x128xf32>, vector<128x128xf32>, vector<2000x128xf32> -> vector<2000x128xf32>
    %add3A = arith.addf %dot_general3A_5, %dot_general3A_13 : vector<2000x128xf32>
    %get3A_14 = arith.constant 0 : index
    %get3A_15 = arith.constant 0 : index
    %get3A_16 = vector.load %arg5[%get3A_14, %get3A_15] : memref<1x128xf32, #tpu.memory_space<vmem>>, vector<1x128xf32>
    %add3A_17 = vector.broadcast %get3A_16 : vector<1x128xf32> to vector<2000x128xf32>
    %add3A_18 = arith.addf %add3A, %add3A_17 : vector<2000x128xf32>
    %logistic3A = arith.negf %add3A_18 : vector<2000x128xf32>
    %logistic3A_19 = math.exp %logistic3A : vector<2000x128xf32>
    %logistic3A_20 = arith.constant 1.000000e+00 : f32
    %logistic3A_21 = vector.broadcast %logistic3A_20 : f32 to vector<2000x128xf32>
    %logistic3A_22 = arith.addf %logistic3A_21, %logistic3A_19 : vector<2000x128xf32>
    %logistic3A_23 = arith.divf %logistic3A_21, %logistic3A_22 : vector<2000x128xf32>
    %mul3A = arith.mulf %add3A_18, %logistic3A_23 : vector<2000x128xf32>
    %get3A_24 = arith.constant 0 : index
    %get3A_25 = arith.constant 0 : index
    %get3A_26 = vector.load %arg6[%get3A_24, %get3A_25] : memref<128x128xf32, #tpu.memory_space<vmem>>, vector<128x128xf32>
    %dot_general3A_27 = arith.constant dense<0.000000e+00> : vector<2000x128xf32>
    %dot_general3A_28 = tpu.matmul %mul3A, %get3A_26, %dot_general3A_27 {dimension_numbers = #tpu.dot_dimension_numbers<[1], [0], [0], [1], [0, 0, 1, 1], [], []>, transpose_lhs_hint = false} : vector<2000x128xf32>, vector<128x128xf32>, vector<2000x128xf32> -> vector<2000x128xf32>
    %get3A_29 = arith.constant 0 : index
    %get3A_30 = arith.constant 0 : index
    %get3A_31 = vector.load %arg7[%get3A_29, %get3A_30] : memref<1x128xf32, #tpu.memory_space<vmem>>, vector<1x128xf32>
    %add3A_32 = vector.broadcast %get3A_31 : vector<1x128xf32> to vector<2000x128xf32>
    %add3A_33 = arith.addf %dot_general3A_28, %add3A_32 : vector<2000x128xf32>
    %get3A_34 = arith.constant 0 : index
    %get3A_35 = arith.constant 0 : index
    %get3A_36 = vector.load %arg3[%get3A_34, %get3A_35] : memref<2000x128xf32, #tpu.memory_space<vmem>>, vector<2000x128xf32>
    %add3A_37 = arith.addf %add3A_33, %get3A_36 : vector<2000x128xf32>
    %swap3A = arith.constant 0 : index
    %swap3A_38 = arith.constant 0 : index
    %swap3A_39 = vector.load %arg8[%swap3A, %swap3A_38] : memref<2000x128xf32, #tpu.memory_space<vmem>>, vector<2000x128xf32>
    tpu.vector_store %arg8[%swap3A, %swap3A_38], %add3A_37 {strides = array<i32>} : memref<2000x128xf32, #tpu.memory_space<vmem>>, vector<2000x128xf32>,
    return
  }
  func.func @transform_0(%arg0: i32) -> (i32, i32) {
    %c0_i32 = arith.constant 0 : i32
    %c0_i32_0 = arith.constant 0 : i32
    return %arg0, %c0_i32 : i32, i32
  }
  func.func @transform_1(%arg0: i32) -> (i32, i32) {
    %c0_i32 = arith.constant 0 : i32
    %c0_i32_0 = arith.constant 0 : i32
    return %arg0, %c0_i32 : i32, i32
  }
  func.func @transform_2(%arg0: i32) -> (i32, i32) {
    %c0_i32 = arith.constant 0 : i32
    %c0_i32_0 = arith.constant 0 : i32
    return %arg0, %c0_i32 : i32, i32
  }
  func.func @transform_3(%arg0: i32) -> (i32, i32) {
    %c0_i32 = arith.constant 0 : i32
    %c0_i32_0 = arith.constant 0 : i32
    %c0_i32_1 = arith.constant 0 : i32
    return %c0_i32, %c0_i32_0 : i32, i32
  }
  func.func @transform_4(%arg0: i32) -> (i32, i32) {
    %c0_i32 = arith.constant 0 : i32
    %c0_i32_0 = arith.constant 0 : i32
    %c0_i32_1 = arith.constant 0 : i32
    return %c0_i32, %c0_i32_0 : i32, i32
  }
  func.func @transform_5(%arg0: i32) -> (i32, i32) {
    %c0_i32 = arith.constant 0 : i32
    %c0_i32_0 = arith.constant 0 : i32
    %c0_i32_1 = arith.constant 0 : i32
    return %c0_i32, %c0_i32_0 : i32, i32
  }
  func.func @transform_6(%arg0: i32) -> (i32, i32) {
    %c0_i32 = arith.constant 0 : i32
    %c0_i32_0 = arith.constant 0 : i32
    %c0_i32_1 = arith.constant 0 : i32
    return %c0_i32, %c0_i32_0 : i32, i32
  }
  func.func @transform_7(%arg0: i32) -> (i32, i32) {
    %c0_i32 = arith.constant 0 : i32
    %c0_i32_0 = arith.constant 0 : i32
    return %arg0, %c0_i32 : i32, i32
  }
}

</mosaic_0001>

<sc_bundles>
// kernel: kernel.10.cloned.1.call-start
scs
__scs_entry_jumppad:
0x0: {  	(pc) =	sbr.rel $0x88, $3  }
0x1: {  	(tag) =	ssettag $0x0;
	lr =	simm.s32 $0x1  }
0x2: {  	[smem:$0x3F85] =	sst lr;
	_ =	strace $0xD0000000  }
0x3: {  	_ = 	snop  }
0x4: {  	_ = 	snop  }
0x5: {  	_ = 	snop  }
0x6: {  	_ = 	snop  }
0x7: {  	_ = 	snop  }
__scs_overlays_trampoline_lowered:
0x8: {  	[smem:$0x3F94] =	sst s0  }
0x9: {  	[smem:$0x3F95] =	sst s1  }
0xa: {  	[smem:$0x3F96] =	sst s2  }
0xb: {  	[smem:$0x3F97] =	sst s3  }
0xc: {  	[smem:$0x3F98] =	sst s4  }
0xd: {  	[smem:$0x3F99] =	sst s5  }
0xe: {  	[smem:$0x3F9A] =	sst s6  }
0xf: {  	[smem:$0x3F9B] =	sst s7  }
0x10: {  	[smem:$0x3F9C] =	sst s8  }
0x11: {  	[smem:$0x3F9D] =	sst s9;
	s0 =	simm.s32 @!p0 $0x0  }
0x12: {  	s1 =	sld [smem:$0x3F83];
	s0 =	simm.s32 @p0 $0x1  }
0x13: {  	[smem:$0x3F9E] =	sst s0;
	s0 =	simm.s32 @!p1 $0x0  }
0x14: {  	s2 =	sld [smem:$0x3F82];
	s0 =	simm.s32 @p1 $0x1  }
0x15: {  	[smem:$0x3F9F] =	sst s0;
	s0 =	simm.s32 @!p2 $0x0  }
0x16: {  	s3 =	sld [smem:$0x3FDB];
	s0 =	simm.s32 @p2 $0x1  }
0x17: {  	s4 =	simm.s32 $0x1BF5;
	[smem:$0x3FA1] =	sst s0  }
0x18: {  	s0 =	sld [smem:$0x3F84];
	_ =	swait.ge [sflag:s4], $0x0  }
0x19: {  	s7 =	sld [smem:$0x3F85]  }
0x1a: {  	s8 =	sadd.s32 $0xFFFFE003, lr  }
0x1b: {  	s9 =	sadd.s32 $0xFFFFFEF7, lr;
	s5 =	simm.s32 $0xFFFFFFFF;
	p2 =	slt.u32 s8, $0xFFFFF086  }
0x1c: {  	p1 =	slt.u32 s9, $0xF7A;
	s5 =	simm.s32 @!p2 $0x0  }
0x1d: {  	s5 =	simm.s32 @p1 $0x1;
	p0 =	seq.s32 s7, s2  }
0x1e: {  	s7 =	smul.u32 @!p0 $0xF7A, s2;
	p2 =	seq.s32 @!p0 s5, $0x0  }
0x1f: {  	s9 =	smul.u32 $0xF7A, s1;
	s8 =	simm.s32 @!p0 $0x1BF5;
	p2 =	por !p2, p0  }
0x20: {  	[sflag:s8] =	ssyncset.s32 @!p0 $0xFFFFF086;
	s6 =	sadd.s32 @!p0 s3, s7;
	s7 =	simm.s32 @!p0 $0x108  }
0x21: {  	s3 =	sadd.s32 s3, s9;
	s6 =	sadd.s32 @!p0 $0x88, s6;
	s7 =	simm.s32 @p2 $0x1082  }
0x22: {  	[simem:s7], [sflag:s8] =	dma.local @!p0 [hbm:s6], $0xF7A  }
0x23: {  	s9 =	sor.u32 $0xD0000000, s2;
	s6 =	simm.s32 $0x108;
	_ =	swait.ge @!p0 [sflag:s8], $0x0  }
0x24: {  	s3 =	sadd.s32 $0x88, s3;
	s6 =	simm.s32 @!p1 $0x1082;
	[sflag:s4] =	ssyncset.s32 $0xFFFFF086  }
0x25: {  	[simem:s6], [sflag:s4] =	dma.local [hbm:s3], $0xF7A  }
0x26: {  	[smem:$0x3F85] =	sst s1;
	(tag) =	ssettag s2;
	_ =	strace s9  }
0x27: {  	s1 =	sld [smem:$0x3F95]  }
0x28: {  	s2 =	sld [smem:$0x3F96]  }
0x29: {  	s4 =	sld [smem:$0x3F98]  }
0x2a: {  	p0 =	seq.s32 s5, $0x0;
	s5 =	sld [smem:$0x3F99]  }
0x2b: {  	s6 =	sld [smem:$0x3F9A]  }
0x2c: {  	s7 =	sld [smem:$0x3F9B]  }
0x2d: {  	s3 =	simm.s32 $0x108;
	s8 =	sld [smem:$0x3F9C]  }
0x2e: {  	s3 =	simm.s32 @!p0 $0x1082;
	s9 =	sld [smem:$0x3F9D]  }
0x2f: {  	lr =	sadd.s32 s0, s3;
	s0 =	sld [smem:$0x3F94]  }
0x30: {  	s3 =	sld [smem:$0x3F97]  }
0x31: {  	[smem:$0x3FA0] =	sst s10  }
0x32: {  	s10 =	sld [smem:$0x3F9E];
	_ =	sdelay $0x3  }
0x33: {  	p0 =	seq.s32 s10, $0x1;
	s10 =	sld [smem:$0x3FA0];
	_ =	sdelay $0x3  }
0x34: {  	[smem:$0x3FA0] =	sst s10  }
0x35: {  	s10 =	sld [smem:$0x3F9F];
	_ =	sdelay $0x3  }
0x36: {  	p1 =	seq.s32 s10, $0x1;
	s10 =	sld [smem:$0x3FA0];
	_ =	sdelay $0x3  }
0x37: {  	[smem:$0x3FA0] =	sst s10  }
0x38: {  	s10 =	sld [smem:$0x3FA1]  }
0x39: {  	_ = 	snop;
	(pc) =	sbr.ind lr, $3  }
0x3a: {  	_ = 	snop  }
0x3b: {  	_ = 	snop  }
0x3c: {  	p2 =	seq.s32 s10, $0x1;
	s10 =	sld [smem:$0x3FA0]  }
0x3d: {  	_ =	shalt  }
0x3e: {  	_ =	shalt  }
0x3f: {  	_ =	shalt  }
0x40: {  	_ =	shalt  }
0x41: {  	_ =	shalt  }
0x42: {  	_ =	shalt  }
0x43: {  	_ =	shalt  }
0x44: {  	_ =	shalt  }
0x45: {  	_ =	shalt  }
0x46: {  	_ =	shalt  }
0x47: {  	_ =	shalt  }
0x48: {  	_ =	shalt  }
0x49: {  	_ =	shalt  }
0x4a: {  	_ =	shalt  }
0x4b: {  	_ =	shalt  }
0x4c: {  	_ =	shalt  }
0x4d: {  	_ =	shalt  }
0x4e: {  	_ =	shalt  }
0x4f: {  	_ =	shalt  }
0x50: {  	_ =	shalt  }
0x51: {  	_ =	shalt  }
0x52: {  	_ =	shalt  }
0x53: {  	_ =	shalt  }
0x54: {  	_ =	shalt  }
0x55: {  	_ =	shalt  }
0x56: {  	_ =	shalt  }
0x57: {  	_ =	shalt  }
0x58: {  	_ =	shalt  }
0x59: {  	_ =	shalt  }
0x5a: {  	_ =	shalt  }
0x5b: {  	_ =	shalt  }
0x5c: {  	_ =	shalt  }
0x5d: {  	_ =	shalt  }
0x5e: {  	_ =	shalt  }
0x5f: {  	_ =	shalt  }
0x60: {  	_ =	shalt  }
0x61: {  	_ =	shalt  }
0x62: {  	_ =	shalt  }
0x63: {  	_ =	shalt  }
0x64: {  	_ =	shalt  }
0x65: {  	_ =	shalt  }
0x66: {  	_ =	shalt  }
0x67: {  	_ =	shalt  }
0x68: {  	_ =	shalt  }
0x69: {  	_ =	shalt  }
0x6a: {  	_ =	shalt  }
0x6b: {  	_ =	shalt  }
0x6c: {  	_ =	shalt  }
0x6d: {  	_ =	shalt  }
0x6e: {  	_ =	shalt  }
0x6f: {  	_ =	shalt  }
0x70: {  	_ =	shalt  }
0x71: {  	_ =	shalt  }
0x72: {  	_ =	shalt  }
0x73: {  	_ =	shalt  }
0x74: {  	_ =	shalt  }
0x75: {  	_ =	shalt  }
0x76: {  	_ =	shalt  }
0x77: {  	_ =	shalt  }
0x78: {  	_ =	shalt  }
0x79: {  	_ =	shalt  }
0x7a: {  	_ =	shalt  }
0x7b: {  	_ =	shalt  }
0x7c: {  	_ =	shalt  }
0x7d: {  	_ =	shalt  }
0x7e: {  	_ =	shalt  }
0x7f: {  	_ =	shalt  }
0x80: {  	_ =	shalt  }
0x81: {  	_ =	shalt  }
0x82: {  	_ =	shalt  }
0x83: {  	_ =	shalt  }
0x84: {  	_ =	shalt  }
0x85: {  	_ =	shalt  }
0x86: {  	_ =	shalt  }
0x87: {  	_ =	shalt  }
.Lfunc_end0:
.L_simem_size_0:
called_computation_lowered:
.L_overlay_start_0:
0x88: {  	s2 =	sld [smem:$0x3FD9]  }
0x89: {  	s3 =	sld [smem:$0x3FFE];
	_ =	sdelay $0x1  }
0x8a: {  	s1 =	srdreg.scid  }
0x8b: {  	s0 =	sand.u32 $0x1, s1  }
0x8c: {  	s14 =	sshll.u32 s0, $0xA;
	s2 =	sadd.s32 s3, s2  }
0x8d: {  	s2 =	sadd.s32 s2, s14  }
0x8e: {  	[smem:$0x3FAC] =	sst s2  }
0x8f: {  	_ = 	snop  }
0x90: {  	s2 =	sld [smem:$0x3FD0];
	_ =	sdelay $0x2  }
0x91: {  	s15 =	simm.s32 $0xA;
	s4 =	simm.s32 $0x10  }
0x92: {  	[smem:s4], [sflag:s15] =	dma.local [hbm:s2], $0x1  }
0x93: {  	_ =	swait.eq [sflag:s15], $0x1  }
0x94: {  	[sflag:s15] =	ssyncset.done $0x0  }
0x95: {  	s16 =	sld [smem:$0x10];
	[sflag:s15] =	ssyncadd.s32 $0xFFFFFFFF  }
0x96: {  	s17 =	sld [smem:$0x11];
	(tm) =	ssettm $0x1  }
0x97: {  	s18 =	sld [smem:$0x3FFB];
	_ =	sdelay $0x3  }
0x98: {  	_ =	strace s18  }
0x99: {  	s4 =	sld [smem:$0x3FFC];
	_ =	sdelay $0x3  }
0x9a: {  	_ =	strace s4  }
0x9b: {  	s4 =	sld [smem:$0x3FFD];
	_ =	sdelay $0x3  }
0x9c: {  	_ =	strace s4  }
0x9d: {  	_ =	strace $0x8FFFFFFF  }
0x9e: {  	s19 =	sld [smem:$0x3FDB];
	_ =	sdelay $0x1  }
0x9f: {  	s5 =	simm.s32 $_scs_section_size  }
0xa0: {  	s6 =	simm.s32 $_size__tile_overlayer_lowered;
	s7 =	simm.s32 $_tile_overlayer_lowered  }
0xa1: {  	s22 =	simm.s32 $0x1BFF;
	s21 =	sshll.u32 s7, $0x1;
	s4 =	sadd.s32 s5, s19  }
0xa2: {  	s8 =	simm.s32 $0x0;
	s20 =	sshll.u32 s6, $0x1;
	s6 =	sadd.s32 s21, s4  }
0xa3: {  	[timem:s8], [sflag:s22] =	dma.local [hbm:s6], s20  }
0xa4: {  	_ =	swait.ge [sflag:s22], s20  }
0xa5: {  	s5 =	ssub.s32 $0x0, s20;
	[sflag:s22] =	ssyncset.done $0x0  }
0xa6: {  	[sflag:s22] =	ssyncadd.s32 s5;
	_ =	sdelay $0x1  }
0xa7: {  	s23 =	simm.s32 $0x1B8B  }
0xa8: {  	_ =	swait.ge [sflag:s23], $0x1  }
0xa9: {  	[sflag:s23] =	ssyncset.done $0x0  }
0xaa: {  	s25 =	simm.s32 $0x1B8E;
	s24 =	sld [smem:$0x3FFE];
	[sflag:s23] =	ssyncadd.s32 $0xFFFFFFFF  }
0xab: {  	s26 =	simm.s32 $execute0_lowered;
	[smem:$0x3FD2] =	sst s25  }
0xac: {  	s6 =	sshll.u32 s26, $0x1;
	_ =	strace $0x80000046;
	[dreg:$0x1] =	wrdreg $0xFFFFFFFF  }
0xad: {  	s28 =	simm.s32 $_size_execute0_lowered;
	s4 =	sadd.s32 s4, s6;
	[dreg:$0x0] =	wrdreg $0x0  }
0xae: {  	s6 =	sshll.u32 s28, $0x1;
	[dreg:$0x2] =	wrdreg s4  }
0xaf: {  	[dreg:$0x3] =	wrdreg s6  }
0xb0: {  	[dreg:$0x4] =	wrdreg $0xC0  }
0xb1: {  	_ =	task [dreg:s8], $0x5FFFF  }
0xb2: {  	[dreg:$0x1] =	wrdreg $0xFFFFFFFF  }
0xb3: {  	[dreg:$0x0] =	wrdreg $0x60  }
0xb4: {  	[dreg:$0x2] =	wrdreg s17  }
0xb5: {  	[dreg:$0x3] =	wrdreg s24  }
0xb6: {  	[dreg:$0x4] =	wrdreg s16  }
0xb7: {  	[dreg:$0x5] =	wrdreg $0x0  }
0xb8: {  	[dreg:$0x6] =	wrdreg $0x9  }
0xb9: {  	_ =	task.clear_ibuf [dreg:s8], $0x7FFFF;
	_ =	strace $0x90000046  }
0xba: {  	s29 =	simm.s32 $0x9;
	_ =	strace $0x80000048  }
0xbb: {  	_ =	swait.ge [sflag:s29], $0x1  }
0xbc: {  	[sflag:s29] =	ssyncadd.s32 $0xFFFFFFFF  }
0xbd: {  	_ =	strace $0x90000048  }
0xbe: {  	_ =	sfence  }
0xbf: {  	s30 =	sld [smem:$0x0];
	_ =	sdelay $0x2  }
0xc0: {  	s31 =	sshll.u32 s1, $0xD;
	s1 =	sshrl.u32 s1, $0x2  }
0xc1: {  	s3 =	sand.u32 $0x4000, s31;
	s1 =	sadd.s32 s1, s30  }
0xc2: {  	s0 =	sor.u32 s3, s0;
	s1 =	sshll.u32 s1, $0x11  }
0xc3: {  	s0 =	sor.u32 s1, s0  }
0xc4: {  	s0 =	sadd.s32 $0x8F2B, s0  }
0xc5: {  	[sflag:s0] =	ssyncadd.remote.s32 $0x1  }
0xc6: {  	_ =	sfence.sel $0xFFFF  }
0xc7: {  	[dreg:$0x0] =	wrdreg $0xFFFFFFFF;
	(pc) =	sbr.abs _section_cstart, $3  }
0xc8: {  	[dreg:$0x1] =	wrdreg $0xFFFFFFFF  }
0xc9: {  	_ =	task.clear_ibuf [dreg:s8], $0x2FFFF;
	_ =	strace $0x9FFFFFFF  }
0xca: {  	(tm) =	ssettm $0x7FFFFFFF  }
0xcb: {  	_ =	shalt  }
tec
execute0_lowered:
.L_overlay_start_1:
0x0: {  	(tag) =	ssettag $0x1  }
0x1: {  	s4 =	rddreg [dreg:$0x0]  }
0x2: {  	s5 =	rddreg [dreg:$0x1]  }
0x3: {  	s7 =	rddreg [dreg:$0x2];
	s1 =	srdreg.scid  }
0x4: {  	s0 =	stileid.u32;
	s2 =	rddreg [dreg:$0x3]  }
0x5: {  	s3 =	simm.s32 $0x0;
	s17 =	simm.s32 $0x80;
	s18 =	simm.s32 $0x16800  }
0x6: {  	s19 =	simm.s32 $0x1A800;
	s20 =	simm.s32 $0x1;
	s21 =	simm.s32 $0x2  }
0x7: {  	s22 =	simm.s32 $0x0;
	s9 =	sand.u32 $0x1, s1;
	s1 =	rddreg [dreg:$0x4]  }
0x8: {  	s6 =	sshll.u32 s0, $0x1;
	[smem:$0x7FF] =	sst s3;
	s10 =	smul.u32 $0x50000, s0  }
0x9: {  	s12 =	sadd.s32 $0x32600, s5;
	s15 =	smul.u32 $0x2800, s0;
	s16 =	sadd.s32 $0x2B2600, s5  }
0xa: {  	s25 =	sshll.u32 s0, $0x6;
	s28 =	smul.u32 $0x28000, s0;
	s6 =	sor.u32 s9, s6  }
0xb: {  	_ =	strace $0x80000047;
	s13 =	ssub.s32 $0x2, s9;
	s29 =	smul.u32 $0x14000, s9  }
0xc: {  	s8 =	smul.u32 $0x280, s6;
	s14 =	sshrl.u32 s13, $0x1;
	s10 =	sshrl.u32 s10, $0x2  }
0xd: {  	s4 =	sadd.s32 s4, s15;
	s26 =	smul.u32 $0x14000, s6;
	s30 =	sadd.s32 s28, s16  }
0xe: {  	s15 =	simm.s32 $0x14000;
	s13 =	ssub.s32 s13, s14;
	s24 =	sadd.s32 s10, s2  }
0xf: {  	s31 =	sadd.s32 s29, s30;
	s14 =	simm.s32 $0x3;
	s11 =	sadd.s32 s8, s5  }
0x10: {  	s5 =	sor.u32 $0x1C03, s25;
	s7 =	sadd.s32 s7, s8;
	s8 =	smax.u32 s13, $0x1  }
0x11: {  	s9 =	sadd.s32 s12, s26;
	s6 =	sadd.s32 $0x5600, s11;
	s11 =	sadd.s32 s28, s12  }
0x12: {  	s10 =	sadd.s32 s16, s26;
	s16 =	simm.s32 $0x15400;
	s13 =	sadd.s32 s29, s11  }
0x13: {  	s11 =	sadd.s32 $0x800, s31;
	s12 =	sadd.s32 $0x800, s13;
	s13 =	sshrl.u32 s24, $0x3  }
.LBB2_1:
0x14: {  	[spmem:s13], [sflag:s5] =	dma.local [hbm:s4], $0x2800  }
0x15: {  	_ =	swait.ge [sflag:s14], $0x2800  }
0x16: {  	[sflag:s14] =	ssyncset.done $0x0  }
0x17: {  	[sflag:s14] =	ssyncadd.s32 $0xFFFFD800  }
0x18: {  	[tilespmem:s15], [sflag:$0x3] =	stream.linear.gather [hbm4b:s6+s3], $0x1400, $0x38;
	[tilespmem:$0x1E800] =	vst v63  }
0x19: {  	_ =	swait.ge [sflag:s14], $0x1400  }
0x1a: {  	[sflag:s14] =	ssyncset.done $0x0  }
0x1b: {  	[sflag:s14] =	ssyncadd.s32 $0xFFFFEC00  }
0x1c: {  	[tilespmem:s16], [sflag:$0x3] =	stream.linear.gather [hbm4b:s7+s3], $0x1400, $0x38;
	[tilespmem:$0x1E800] =	vst v63  }
0x1d: {  	_ =	swait.ge [sflag:s14], $0x1400  }
0x1e: {  	[sflag:s14] =	ssyncset.done $0x0  }
0x1f: {  	[sflag:s14] =	ssyncadd.s32 $0xFFFFEC00  }
0x20: {  	[bflag:$0x0] =	sbarrier.arrive $0xFFFF  }
0x21: {  	[tilespmem:s18], [sflag:$0x1] =	stream.indirect.gather [spmem:s2], $0x80, s15, s17, $0xb8;
	[tilespmem:$0x1E800] =	vst v63  }
0x22: {  	_ = 	snop  }
0x23: {  	[tilespmem:s19], [sflag:$0x1] =	stream.indirect.gather [spmem:s2], $0x80, s16, s17, $0xb8;
	[tilespmem:$0x1E800] =	vst v63  }
0x24: {  	_ =	swait.ge [sflag:s20], $0x4000  }
0x25: {  	[sflag:s20] =	ssyncset.done $0x0  }
0x26: {  	[sflag:s20] =	ssyncadd.s32 $0xFFFFC000  }
0x27: {  	[hbm4b:s9+s3] =	stream.linear.scatter [tilespmem:s18], [sflag:$0x2], $0x4000, $0x38;
	[tilespmem:$0x1E800] =	vst v63  }
0x28: {  	_ =	swait.ge [sflag:s20], $0x4000  }
0x29: {  	[sflag:s20] =	ssyncset.done $0x0  }
0x2a: {  	[sflag:s20] =	ssyncadd.s32 $0xFFFFC000  }
0x2b: {  	[hbm4b:s10+s3] =	stream.linear.scatter [tilespmem:s19], [sflag:$0x2], $0x4000, $0x38;
	[tilespmem:$0x1E800] =	vst v63  }
0x2c: {  	_ =	swait.ge [sflag:s21], $0x4000  }
0x2d: {  	[sflag:s21] =	ssyncset.done $0x0  }
0x2e: {  	[sflag:s21] =	ssyncadd.s32 $0xFFFFC000  }
0x2f: {  	_ =	swait.ge [sflag:s21], $0x4000  }
0x30: {  	[sflag:s21] =	ssyncset.done $0x0  }
0x31: {  	s23 =	simm.s32 $0x14080;
	[sflag:s21] =	ssyncadd.s32 $0xFFFFC000  }
0x32: {  	[tilespmem:s18], [sflag:$0x1] =	stream.indirect.gather [spmem:s2], $0x80, s23, s17, $0xb8;
	[tilespmem:$0x1E800] =	vst v63  }
0x33: {  	s31 =	simm.s32 $0x15480  }
0x34: {  	[tilespmem:s19], [sflag:$0x1] =	stream.indirect.gather [spmem:s2], $0x80, s31, s17, $0xb8;
	[tilespmem:$0x1E800] =	vst v63  }
0x35: {  	_ =	swait.ge [sflag:s20], $0x4000  }
0x36: {  	[sflag:s20] =	ssyncset.done $0x0  }
0x37: {  	[sflag:s20] =	ssyncadd.s32 $0xFFFFC000  }
0x38: {  	[hbm4b:s12+s3] =	stream.linear.scatter [tilespmem:s18], [sflag:$0x2], $0x4000, $0x38;
	[tilespmem:$0x1E800] =	vst v63  }
0x39: {  	_ =	swait.ge [sflag:s20], $0x4000  }
0x3a: {  	s24 =	sadd.s32 $0x800, s11;
	s25 =	sadd.s32 $0x800, s12;
	[sflag:s20] =	ssyncset.done $0x0  }
0x3b: {  	s26 =	smov.u32 s11;
	s23 =	simm.s32 $0x400;
	[sflag:s20] =	ssyncadd.s32 $0xFFFFC000  }
.LBB2_2:
0x3c: {  	[hbm4b:s26+s3] =	stream.linear.scatter [tilespmem:s19], [sflag:$0x2], $0x4000, $0x38;
	[tilespmem:$0x1E800] =	vst v63  }
0x3d: {  	s28 =	smov.u32 s23;
	s26 =	smov.u32 s24  }
0x3e: {  	p0 =	sne.s32 s23, $0x4E00;
	s23 =	sadd.s32 $0x200, s23;
	_ =	swait.ge [sflag:s21], $0x4000  }
0x3f: {  	[sflag:s21] =	ssyncset.done $0x0  }
0x40: {  	[sflag:s21] =	ssyncadd.s32 $0xFFFFC000  }
0x41: {  	_ =	swait.ge [sflag:s21], $0x4000  }
0x42: {  	s28 =	sshra.s32 s28, $0x2;
	[sflag:s21] =	ssyncset.done $0x0  }
0x43: {  	s29 =	sadd.s32 $0x14000, s28;
	[sflag:s21] =	ssyncadd.s32 $0xFFFFC000  }
0x44: {  	[tilespmem:s18], [sflag:$0x1] =	stream.indirect.gather [spmem:s2], $0x80, s29, s17, $0xb8;
	[tilespmem:$0x1E800] =	vst v63  }
0x45: {  	s28 =	sadd.s32 $0x15400, s28  }
0x46: {  	[tilespmem:s19], [sflag:$0x1] =	stream.indirect.gather [spmem:s2], $0x80, s28, s17, $0xb8;
	[tilespmem:$0x1E800] =	vst v63  }
0x47: {  	_ =	swait.ge [sflag:s20], $0x4000  }
0x48: {  	[sflag:s20] =	ssyncset.done $0x0  }
.Ltmp0:
0x49: {  	[sflag:s20] =	ssyncadd.s32 $0xFFFFC000;
	(pc) =	sbr.rel @p0 .LBB2_2-.Ltmp0, $4  }
0x4a: {  	[hbm4b:s25+s3] =	stream.linear.scatter [tilespmem:s18], [sflag:$0x2], $0x4000, $0x38;
	[tilespmem:$0x1E800] =	vst v63  }
0x4b: {  	_ =	swait.ge [sflag:s20], $0x4000  }
0x4c: {  	[sflag:s20] =	ssyncset.done $0x0  }
0x4d: {  	s24 =	sadd.s32 $0x800, s24;
	s25 =	sadd.s32 $0x800, s25;
	[sflag:s20] =	ssyncadd.s32 $0xFFFFC000  }
0x4e: {  	[hbm4b:s26+s3] =	stream.linear.scatter [tilespmem:s19], [sflag:$0x2], $0x4000, $0x38;
	[tilespmem:$0x1E800] =	vst v63  }
0x4f: {  	s22 =	sadd.s32 $0x1, s22  }
0x50: {  	_ =	swait.ge [sflag:s21], $0x4000;
	p0 =	sne.s32 s22, s8  }
.Ltmp1:
0x51: {  	[sflag:s21] =	ssyncset.done $0x0;
	(pc) =	sbr.rel @p0 .LBB2_1-.Ltmp1, $4  }
0x52: {  	[sflag:s21] =	ssyncadd.s32 $0xFFFFC000  }
0x53: {  	_ =	swait.ge [sflag:s21], $0x4000  }
0x54: {  	[sflag:s21] =	ssyncset.done $0x0  }
0x55: {  	[sflag:s21] =	ssyncadd.s32 $0xFFFFC000  }
0x56: {  	_ =	sfence.sel $0x180000  }
0x57: {  	[bflag:$0x0] =	sbarrier.arrive $0xFFFF  }
0x58: {  	p0 =	sne.s32 s0, $0x0;
	_ =	strace $0x90000047  }
0x59: {  	s0 =	sadd.s32 @!p0 $0x100000, s1;
	[bflag:$0x2] =	sbarrier.arrive $0xFFFF  }
0x5a: {  	[sflag:s0] =	ssyncadd.tile.s32 @!p0 $0x1;
	_ =	shalt  }
.Lfunc_end2:
_tile_overlayer_lowered:
.L_overlay_start_2:
0x5b: {  	(tag) =	ssettag $0x2  }
0x5c: {  	s0 =	rddreg [dreg:$0x0];
	s2 =	stileid.u32  }
0x5d: {  	s1 =	rddreg [dreg:$0x1];
	p0 =	sne.s32 s2, $0x0  }
0x5e: {  	s3 =	rddreg [dreg:$0x2];
	[bflag:$0x3] =	sbarrier.arrive $0xFFFF;
	s2 =	simm.s32 @!p0 $0x1C03  }
0x5f: {  	[timem:s3], [sflag:s2] =	dma.local @!p0 [hbm:s0], s1  }
0x60: {  	s0 =	simm.s32 @!p0 $0x3  }
0x61: {  	_ =	swait.ge @!p0 [sflag:s0], s1  }
0x62: {  	s1 =	ssub.s32 @!p0 $0x0, s1;
	[sflag:s0] =	ssyncset.done @!p0 $0x0  }
0x63: {  	[sflag:s0] =	ssyncadd.s32 @!p0 s1  }
0x64: {  	[bflag:$0x3] =	sbarrier.arrive $0xFFFF  }
0x65: {  	_ =	shalt  }

// kernel: kernel.13.cloned.1.call-start
scs
__scs_entry_jumppad:
0x0: {  	(pc) =	sbr.rel $0x88, $3  }
0x1: {  	(tag) =	ssettag $0x0;
	lr =	simm.s32 $0x1  }
0x2: {  	[smem:$0x3F85] =	sst lr;
	_ =	strace $0xD0000000  }
0x3: {  	_ = 	snop  }
0x4: {  	_ = 	snop  }
0x5: {  	_ = 	snop  }
0x6: {  	_ = 	snop  }
0x7: {  	_ = 	snop  }
__scs_overlays_trampoline_lowered:
0x8: {  	[smem:$0x3F94] =	sst s0  }
0x9: {  	[smem:$0x3F95] =	sst s1  }
0xa: {  	[smem:$0x3F96] =	sst s2  }
0xb: {  	[smem:$0x3F97] =	sst s3  }
0xc: {  	[smem:$0x3F98] =	sst s4  }
0xd: {  	[smem:$0x3F99] =	sst s5  }
0xe: {  	[smem:$0x3F9A] =	sst s6  }
0xf: {  	[smem:$0x3F9B] =	sst s7  }
0x10: {  	[smem:$0x3F9C] =	sst s8  }
0x11: {  	[smem:$0x3F9D] =	sst s9;
	s0 =	simm.s32 @!p0 $0x0  }
0x12: {  	s1 =	sld [smem:$0x3F83];
	s0 =	simm.s32 @p0 $0x1  }
0x13: {  	[smem:$0x3F9E] =	sst s0;
	s0 =	simm.s32 @!p1 $0x0  }
0x14: {  	s2 =	sld [smem:$0x3F82];
	s0 =	simm.s32 @p1 $0x1  }
0x15: {  	[smem:$0x3F9F] =	sst s0;
	s0 =	simm.s32 @!p2 $0x0  }
0x16: {  	s3 =	sld [smem:$0x3FDB];
	s0 =	simm.s32 @p2 $0x1  }
0x17: {  	s4 =	simm.s32 $0x1BF5;
	[smem:$0x3FA1] =	sst s0  }
0x18: {  	s0 =	sld [smem:$0x3F84];
	_ =	swait.ge [sflag:s4], $0x0  }
0x19: {  	s7 =	sld [smem:$0x3F85]  }
0x1a: {  	s8 =	sadd.s32 $0xFFFFE003, lr  }
0x1b: {  	s9 =	sadd.s32 $0xFFFFFEF7, lr;
	s5 =	simm.s32 $0xFFFFFFFF;
	p2 =	slt.u32 s8, $0xFFFFF086  }
0x1c: {  	p1 =	slt.u32 s9, $0xF7A;
	s5 =	simm.s32 @!p2 $0x0  }
0x1d: {  	s5 =	simm.s32 @p1 $0x1;
	p0 =	seq.s32 s7, s2  }
0x1e: {  	s7 =	smul.u32 @!p0 $0xF7A, s2;
	p2 =	seq.s32 @!p0 s5, $0x0  }
0x1f: {  	s9 =	smul.u32 $0xF7A, s1;
	s8 =	simm.s32 @!p0 $0x1BF5;
	p2 =	por !p2, p0  }
0x20: {  	[sflag:s8] =	ssyncset.s32 @!p0 $0xFFFFF086;
	s6 =	sadd.s32 @!p0 s3, s7;
	s7 =	simm.s32 @!p0 $0x108  }
0x21: {  	s3 =	sadd.s32 s3, s9;
	s6 =	sadd.s32 @!p0 $0x88, s6;
	s7 =	simm.s32 @p2 $0x1082  }
0x22: {  	[simem:s7], [sflag:s8] =	dma.local @!p0 [hbm:s6], $0xF7A  }
0x23: {  	s9 =	sor.u32 $0xD0000000, s2;
	s6 =	simm.s32 $0x108;
	_ =	swait.ge @!p0 [sflag:s8], $0x0  }
0x24: {  	s3 =	sadd.s32 $0x88, s3;
	s6 =	simm.s32 @!p1 $0x1082;
	[sflag:s4] =	ssyncset.s32 $0xFFFFF086  }
0x25: {  	[simem:s6], [sflag:s4] =	dma.local [hbm:s3], $0xF7A  }
0x26: {  	[smem:$0x3F85] =	sst s1;
	(tag) =	ssettag s2;
	_ =	strace s9  }
0x27: {  	s1 =	sld [smem:$0x3F95]  }
0x28: {  	s2 =	sld [smem:$0x3F96]  }
0x29: {  	s4 =	sld [smem:$0x3F98]  }
0x2a: {  	p0 =	seq.s32 s5, $0x0;
	s5 =	sld [smem:$0x3F99]  }
0x2b: {  	s6 =	sld [smem:$0x3F9A]  }
0x2c: {  	s7 =	sld [smem:$0x3F9B]  }
0x2d: {  	s3 =	simm.s32 $0x108;
	s8 =	sld [smem:$0x3F9C]  }
0x2e: {  	s3 =	simm.s32 @!p0 $0x1082;
	s9 =	sld [smem:$0x3F9D]  }
0x2f: {  	lr =	sadd.s32 s0, s3;
	s0 =	sld [smem:$0x3F94]  }
0x30: {  	s3 =	sld [smem:$0x3F97]  }
0x31: {  	[smem:$0x3FA0] =	sst s10  }
0x32: {  	s10 =	sld [smem:$0x3F9E];
	_ =	sdelay $0x3  }
0x33: {  	p0 =	seq.s32 s10, $0x1;
	s10 =	sld [smem:$0x3FA0];
	_ =	sdelay $0x3  }
0x34: {  	[smem:$0x3FA0] =	sst s10  }
0x35: {  	s10 =	sld [smem:$0x3F9F];
	_ =	sdelay $0x3  }
0x36: {  	p1 =	seq.s32 s10, $0x1;
	s10 =	sld [smem:$0x3FA0];
	_ =	sdelay $0x3  }
0x37: {  	[smem:$0x3FA0] =	sst s10  }
0x38: {  	s10 =	sld [smem:$0x3FA1]  }
0x39: {  	_ = 	snop;
	(pc) =	sbr.ind lr, $3  }
0x3a: {  	_ = 	snop  }
0x3b: {  	_ = 	snop  }
0x3c: {  	p2 =	seq.s32 s10, $0x1;
	s10 =	sld [smem:$0x3FA0]  }
0x3d: {  	_ =	shalt  }
0x3e: {  	_ =	shalt  }
0x3f: {  	_ =	shalt  }
0x40: {  	_ =	shalt  }
0x41: {  	_ =	shalt  }
0x42: {  	_ =	shalt  }
0x43: {  	_ =	shalt  }
0x44: {  	_ =	shalt  }
0x45: {  	_ =	shalt  }
0x46: {  	_ =	shalt  }
0x47: {  	_ =	shalt  }
0x48: {  	_ =	shalt  }
0x49: {  	_ =	shalt  }
0x4a: {  	_ =	shalt  }
0x4b: {  	_ =	shalt  }
0x4c: {  	_ =	shalt  }
0x4d: {  	_ =	shalt  }
0x4e: {  	_ =	shalt  }
0x4f: {  	_ =	shalt  }
0x50: {  	_ =	shalt  }
0x51: {  	_ =	shalt  }
0x52: {  	_ =	shalt  }
0x53: {  	_ =	shalt  }
0x54: {  	_ =	shalt  }
0x55: {  	_ =	shalt  }
0x56: {  	_ =	shalt  }
0x57: {  	_ =	shalt  }
0x58: {  	_ =	shalt  }
0x59: {  	_ =	shalt  }
0x5a: {  	_ =	shalt  }
0x5b: {  	_ =	shalt  }
0x5c: {  	_ =	shalt  }
0x5d: {  	_ =	shalt  }
0x5e: {  	_ =	shalt  }
0x5f: {  	_ =	shalt  }
0x60: {  	_ =	shalt  }
0x61: {  	_ =	shalt  }
0x62: {  	_ =	shalt  }
0x63: {  	_ =	shalt  }
0x64: {  	_ =	shalt  }
0x65: {  	_ =	shalt  }
0x66: {  	_ =	shalt  }
0x67: {  	_ =	shalt  }
0x68: {  	_ =	shalt  }
0x69: {  	_ =	shalt  }
0x6a: {  	_ =	shalt  }
0x6b: {  	_ =	shalt  }
0x6c: {  	_ =	shalt  }
0x6d: {  	_ =	shalt  }
0x6e: {  	_ =	shalt  }
0x6f: {  	_ =	shalt  }
0x70: {  	_ =	shalt  }
0x71: {  	_ =	shalt  }
0x72: {  	_ =	shalt  }
0x73: {  	_ =	shalt  }
0x74: {  	_ =	shalt  }
0x75: {  	_ =	shalt  }
0x76: {  	_ =	shalt  }
0x77: {  	_ =	shalt  }
0x78: {  	_ =	shalt  }
0x79: {  	_ =	shalt  }
0x7a: {  	_ =	shalt  }
0x7b: {  	_ =	shalt  }
0x7c: {  	_ =	shalt  }
0x7d: {  	_ =	shalt  }
0x7e: {  	_ =	shalt  }
0x7f: {  	_ =	shalt  }
0x80: {  	_ =	shalt  }
0x81: {  	_ =	shalt  }
0x82: {  	_ =	shalt  }
0x83: {  	_ =	shalt  }
0x84: {  	_ =	shalt  }
0x85: {  	_ =	shalt  }
0x86: {  	_ =	shalt  }
0x87: {  	_ =	shalt  }
.Lfunc_end0:
.L_simem_size_0:
called_computation.1_lowered:
.L_overlay_start_0:
0x88: {  	s2 =	sld [smem:$0x3FD9]  }
0x89: {  	s3 =	sld [smem:$0x3FFE];
	_ =	sdelay $0x1  }
0x8a: {  	s1 =	srdreg.scid  }
0x8b: {  	s0 =	sand.u32 $0x1, s1  }
0x8c: {  	s14 =	sshll.u32 s0, $0xA;
	s2 =	sadd.s32 s3, s2  }
0x8d: {  	s2 =	sadd.s32 s2, s14  }
0x8e: {  	[smem:$0x3FAC] =	sst s2  }
0x8f: {  	_ = 	snop  }
0x90: {  	s2 =	sld [smem:$0x3FD0];
	_ =	sdelay $0x2  }
0x91: {  	s15 =	simm.s32 $0xA;
	s4 =	simm.s32 $0x10  }
0x92: {  	[smem:s4], [sflag:s15] =	dma.local [hbm:s2], $0x1  }
0x93: {  	_ =	swait.eq [sflag:s15], $0x1  }
0x94: {  	[sflag:s15] =	ssyncset.done $0x0  }
0x95: {  	[sflag:s15] =	ssyncadd.s32 $0xFFFFFFFF  }
0x96: {  	s16 =	sld [smem:$0x10];
	(tm) =	ssettm $0x1  }
0x97: {  	s17 =	sld [smem:$0x3FFB];
	_ =	sdelay $0x3  }
0x98: {  	_ =	strace s17  }
0x99: {  	s3 =	sld [smem:$0x3FFC];
	_ =	sdelay $0x3  }
0x9a: {  	_ =	strace s3  }
0x9b: {  	s3 =	sld [smem:$0x3FFD];
	_ =	sdelay $0x3  }
0x9c: {  	_ =	strace s3  }
0x9d: {  	_ =	strace $0x8FFFFFFF  }
0x9e: {  	s18 =	sld [smem:$0x3FDB];
	_ =	sdelay $0x1  }
0x9f: {  	s19 =	simm.s32 $_scs_section_size  }
0xa0: {  	s5 =	simm.s32 $_size__tile_overlayer_lowered;
	s6 =	simm.s32 $_tile_overlayer_lowered  }
0xa1: {  	s22 =	simm.s32 $0x1BFF;
	s21 =	sshll.u32 s6, $0x1;
	s3 =	sadd.s32 s19, s18  }
0xa2: {  	s7 =	simm.s32 $0x0;
	s20 =	sshll.u32 s5, $0x1;
	s5 =	sadd.s32 s21, s3  }
0xa3: {  	[timem:s7], [sflag:s22] =	dma.local [hbm:s5], s20  }
0xa4: {  	_ =	swait.ge [sflag:s22], s20  }
0xa5: {  	s4 =	ssub.s32 $0x0, s20;
	[sflag:s22] =	ssyncset.done $0x0  }
0xa6: {  	[sflag:s22] =	ssyncadd.s32 s4;
	_ =	sdelay $0x1  }
0xa7: {  	s23 =	simm.s32 $0x1B8B  }
0xa8: {  	_ =	swait.ge [sflag:s23], $0x1  }
0xa9: {  	[sflag:s23] =	ssyncset.done $0x0  }
0xaa: {  	s25 =	simm.s32 $0x1B8E;
	s24 =	sld [smem:$0x3FFE];
	[sflag:s23] =	ssyncadd.s32 $0xFFFFFFFF  }
0xab: {  	s26 =	simm.s32 $execute0_lowered;
	[smem:$0x3FD2] =	sst s25  }
0xac: {  	s5 =	sshll.u32 s26, $0x1;
	_ =	strace $0x80000049;
	[dreg:$0x1] =	wrdreg $0xFFFFFFFF  }
0xad: {  	s28 =	simm.s32 $_size_execute0_lowered;
	s3 =	sadd.s32 s3, s5;
	[dreg:$0x0] =	wrdreg $0x0  }
0xae: {  	s5 =	sshll.u32 s28, $0x1;
	[dreg:$0x2] =	wrdreg s3  }
0xaf: {  	[dreg:$0x3] =	wrdreg s5  }
0xb0: {  	[dreg:$0x4] =	wrdreg $0xC0  }
0xb1: {  	_ =	task [dreg:s7], $0x5FFFF  }
0xb2: {  	[dreg:$0x1] =	wrdreg $0xFFFFFFFF  }
0xb3: {  	[dreg:$0x0] =	wrdreg $0x60  }
0xb4: {  	[dreg:$0x2] =	wrdreg s24  }
0xb5: {  	[dreg:$0x3] =	wrdreg s16  }
0xb6: {  	[dreg:$0x4] =	wrdreg $0x94000  }
0xb7: {  	[dreg:$0x5] =	wrdreg $0x9  }
0xb8: {  	_ =	task.clear_ibuf [dreg:s7], $0x6FFFF;
	_ =	strace $0x90000049  }
0xb9: {  	s29 =	simm.s32 $0x9;
	_ =	strace $0x8000004B  }
0xba: {  	_ =	swait.ge [sflag:s29], $0x1  }
0xbb: {  	[sflag:s29] =	ssyncadd.s32 $0xFFFFFFFF  }
0xbc: {  	_ =	strace $0x9000004B  }
0xbd: {  	_ =	sfence  }
0xbe: {  	s30 =	sld [smem:$0x0];
	_ =	sdelay $0x2  }
0xbf: {  	s31 =	sshll.u32 s1, $0xD;
	s1 =	sshrl.u32 s1, $0x2  }
0xc0: {  	s3 =	sand.u32 $0x4000, s31;
	s1 =	sadd.s32 s1, s30  }
0xc1: {  	s0 =	sor.u32 s3, s0;
	s1 =	sshll.u32 s1, $0x11  }
0xc2: {  	s0 =	sor.u32 s1, s0  }
0xc3: {  	s0 =	sadd.s32 $0x8F2B, s0  }
0xc4: {  	[sflag:s0] =	ssyncadd.remote.s32 $0x1  }
0xc5: {  	_ =	sfence.sel $0xFFFF  }
0xc6: {  	[dreg:$0x0] =	wrdreg $0xFFFFFFFF;
	(pc) =	sbr.abs _section_cstart, $3  }
0xc7: {  	[dreg:$0x1] =	wrdreg $0xFFFFFFFF  }
0xc8: {  	_ =	task.clear_ibuf [dreg:s7], $0x2FFFF;
	_ =	strace $0x9FFFFFFF  }
0xc9: {  	(tm) =	ssettm $0x7FFFFFFF  }
tec
execute0_lowered:
.L_overlay_start_1:
0x0: {  	(tag) =	ssettag $0x1  }
0x1: {  	s0 =	rddreg [dreg:$0x0]  }
0x2: {  	s2 =	rddreg [dreg:$0x1]  }
0x3: {  	s1 =	rddreg [dreg:$0x2];
	s3 =	simm.s32 $0x0;
	s11 =	stileid.u32  }
0x4: {  	s4 =	srdreg.scid;
	s28 =	simm.s32 $0x1300;
	s18 =	smul.u32 $0x50000, s11  }
0x5: {  	s29 =	simm.s32 $0x1380;
	s30 =	simm.s32 $0x0;
	s7 =	smul.u32 $0x280, s11  }
0x6: {  	[smem:$0x7FF] =	sst s3;
	s5 =	sadd.s32 $0x532600, s0;
	s15 =	smul.u32 $0xA0000, s11  }
0x7: {  	s8 =	sand.u32 $0x1, s4;
	s0 =	sadd.s32 $0xA32600, s0;
	s19 =	smul.u32 $0x14000, s11  }
0x8: {  	_ =	strace $0x8000004A;
	s6 =	ssub.s32 $0x2, s8;
	s10 =	smul.u32 $0x1400000, s8  }
0x9: {  	s20 =	smul.u32 $0x280000, s8;
	s12 =	sshllo.u32 s8, $0x1;
	s9 =	sshrl.u32 s6, $0x1  }
0xa: {  	s4 =	sshrl.u32 s18, $0x2;
	s2 =	sadd.s32 s2, s7;
	s16 =	smul.u32 $0xA00000, s12  }
0xb: {  	s12 =	smul.u32 $0x140000, s12;
	s22 =	sadd.s32 $0x9C000, s15;
	s14 =	ssub.s32 s6, s9  }
0xc: {  	s4 =	sadd.s32 s4, s1;
	[dreg:$0x4] =	wrdreg s2;
	s18 =	sadd.s32 s15, s10  }
0xd: {  	s11 =	sadd.s32 s19, s20;
	s23 =	sadd.s32 s10, s22;
	s6 =	sadd.s32 $0x4000, s4  }
0xe: {  	s7 =	sadd.s32 $0x8000, s4;
	s8 =	sadd.s32 $0xC000, s4;
	s9 =	sadd.s32 $0x10000, s4  }
0xf: {  	s13 =	sshrl.u32 s18, $0x3;
	s21 =	sadd.s32 s15, s16;
	s11 =	sshrl.u32 s11, $0x3  }
0x10: {  	s2 =	sadd.s32 s19, s12;
	s14 =	smax.u32 s14, $0x1;
	s24 =	sor.u32 $0x4000, s18  }
0x11: {  	s25 =	sor.u32 $0x8000, s18;
	s26 =	sadd.s32 $0xA04000, s18;
	s31 =	sadd.s32 $0xA08000, s18  }
0x12: {  	s13 =	sadd.s32 s5, s13;
	s11 =	sadd.s32 s0, s11;
	s2 =	sshrl.u32 s2, $0x3  }
0x13: {  	s10 =	sshrl.u32 s24, $0x3;
	s24 =	simm.s32 $0x5400;
	[dreg:$0x5] =	wrdreg s13  }
0x14: {  	s13 =	sshrl.u32 s21, $0x3;
	[dreg:$0x6] =	wrdreg s11;
	s17 =	sadd.s32 s10, s5  }
0x15: {  	s10 =	sshrl.u32 s31, $0x3;
	s21 =	simm.s32 $0x3;
	s12 =	sadd.s32 s5, s13  }
0x16: {  	s13 =	sadd.s32 s0, s2;
	s0 =	sadd.s32 s16, s22;
	s2 =	sshrl.u32 s23, $0x3  }
0x17: {  	s20 =	sadd.s32 s10, s5;
	s22 =	simm.s32 $0x1400;
	s23 =	simm.s32 $0x1  }
0x18: {  	s0 =	sshrl.u32 s0, $0x3;
	s15 =	sadd.s32 s5, s2;
	s2 =	sshrl.u32 s26, $0x3  }
0x19: {  	s26 =	simm.s32 $0x2;
	s16 =	sadd.s32 s5, s0;
	s0 =	sshrl.u32 s25, $0x3  }
0x1a: {  	v0 =	vimm.f32 $0.0e+00;
	s19 =	sadd.s32 s2, s5;
	s25 =	simm.s32 $0x80;
	s18 =	sadd.s32 s0, s5  }
.LBB2_1:
0x1b: {  	s0 =	rddreg [dreg:$0x4]  }
0x1c: {  	[tilespmem:s3], [sflag:$0x3] =	stream.linear.gather [hbm4b:s0+s3], $0x1400, $0x38;
	[tilespmem:$0x1D400] =	vst v63  }
0x1d: {  	s31 =	sand.u32 $0xFE00, s3;
	s2 =	sand.u32 $0x70, s3;
	_ =	swait.ge [sflag:s21], $0x1400  }
0x1e: {  	s5 =	sshrl.u32 s31, $0x2;
	s0 =	simm.s32 $0x40;
	[sflag:s21] =	ssyncset.done $0x0  }
0x1f: {  	s5 =	sor.u32 s2, s5;
	s2 =	simm.s32 $0x0;
	[sflag:s21] =	ssyncadd.s32 $0xFFFFEC00  }
.LBB2_2:
0x20: {  	p0 =	sne.s32 s0, $0xFFC0  }
0x21: {  	[tilespmem:s5+$0x1400] =	vst v0;
	s2 =	sadd.s32 $0x10, s2;
	s5 =	smov.u32 s0;
	s0 =	sadd.s32 $0x40, s0  }
.Ltmp0:
0x22: {  	(pc) =	sbr.rel @p0 .LBB2_2-.Ltmp0, $4  }
0x23: {  	_ = 	snop  }
0x24: {  	s5 =	sand.u32 $0xFE00, s5  }
0x25: {  	s10 =	sand.u32 $0x70, s2;
	s5 =	sshrl.u32 s5, $0x2  }
0x26: {  	s5 =	sor.u32 s10, s5  }
0x27: {  	[tilespmem:s5+$0x1400] =	vst v0  }
0x28: {  	[spmem:s4] =	stream.linear.scatter [tilespmem:s22], [sflag:$0x3], $0x4000, $0x38;
	[tilespmem:$0x1D400] =	vst v63  }
0x29: {  	_ =	swait.ge [sflag:s21], $0x4000  }
0x2a: {  	[sflag:s21] =	ssyncset.done $0x0  }
0x2b: {  	[sflag:s21] =	ssyncadd.s32 $0xFFFFC000  }
0x2c: {  	[spmem:s6] =	stream.linear.scatter [tilespmem:s22], [sflag:$0x3], $0x4000, $0x38;
	[tilespmem:$0x1D400] =	vst v63  }
0x2d: {  	_ =	swait.ge [sflag:s21], $0x4000  }
0x2e: {  	[sflag:s21] =	ssyncset.done $0x0  }
0x2f: {  	[sflag:s21] =	ssyncadd.s32 $0xFFFFC000  }
0x30: {  	[spmem:s7] =	stream.linear.scatter [tilespmem:s22], [sflag:$0x3], $0x4000, $0x38;
	[tilespmem:$0x1D400] =	vst v63  }
0x31: {  	_ =	swait.ge [sflag:s21], $0x4000  }
0x32: {  	[sflag:s21] =	ssyncset.done $0x0  }
0x33: {  	[sflag:s21] =	ssyncadd.s32 $0xFFFFC000  }
0x34: {  	[spmem:s8] =	stream.linear.scatter [tilespmem:s22], [sflag:$0x3], $0x4000, $0x38;
	[tilespmem:$0x1D400] =	vst v63  }
0x35: {  	_ =	swait.ge [sflag:s21], $0x4000  }
0x36: {  	[sflag:s21] =	ssyncset.done $0x0  }
0x37: {  	[sflag:s21] =	ssyncadd.s32 $0xFFFFC000  }
0x38: {  	[spmem:s9] =	stream.linear.scatter [tilespmem:s22], [sflag:$0x3], $0x4000, $0x38;
	[tilespmem:$0x1D400] =	vst v63  }
0x39: {  	_ =	swait.ge [sflag:s21], $0x4000  }
0x3a: {  	[sflag:s21] =	ssyncset.done $0x0  }
0x3b: {  	[sflag:s21] =	ssyncadd.s32 $0xFFFFC000  }
0x3c: {  	[bflag:$0x0] =	sbarrier.arrive $0xFFFF  }
0x3d: {  	s0 =	simm.s32 $0x0;
	s2 =	rddreg [dreg:$0x5]  }
0x3e: {  	[tilespmem:s22], [sflag:$0x1] =	stream.linear.gather [hbm4b:s2+s0], $0x4000, $0x38;
	[tilespmem:$0x1D400] =	vst v63  }
0x3f: {  	_ =	swait.ge [sflag:s23], $0x4000  }
0x40: {  	[sflag:s23] =	ssyncset.done $0x0  }
0x41: {  	s10 =	sadd.s32 $0x0, s17;
	[sflag:s23] =	ssyncadd.s32 $0xFFFFC000  }
0x42: {  	[tilespmem:s24], [sflag:$0x2] =	stream.linear.gather [hbm4b:s10+s3], $0x4000, $0x38;
	[tilespmem:$0x1D400] =	vst v63  }
0x43: {  	_ = 	snop  }
0x44: {  	[spmem:s1] =	stream.indirect.scatter.add.f32 [tilespmem:s22], [sflag:$0x3], $0x80, s0, s25, $0xb8;
	[tilespmem:$0x1D400] =	vst v63  }
0x45: {  	_ =	swait.ge [sflag:s21], $0x4000  }
0x46: {  	[sflag:s21] =	ssyncset.done $0x0  }
0x47: {  	[sflag:s21] =	ssyncadd.s32 $0xFFFFC000  }
0x48: {  	_ =	swait.ge [sflag:s26], $0x4000  }
0x49: {  	[sflag:s26] =	ssyncset.done $0x0  }
0x4a: {  	s11 =	sadd.s32 $0x0, s18;
	[sflag:s26] =	ssyncadd.s32 $0xFFFFC000  }
0x4b: {  	[tilespmem:s22], [sflag:$0x1] =	stream.linear.gather [hbm4b:s11+s3], $0x4000, $0x38;
	[tilespmem:$0x1D400] =	vst v63  }
0x4c: {  	s31 =	simm.s32 $0x80  }
0x4d: {  	[spmem:s1] =	stream.indirect.scatter.add.f32 [tilespmem:s24], [sflag:$0x3], $0x80, s31, s25, $0xb8;
	[tilespmem:$0x1D400] =	vst v63  }
0x4e: {  	_ =	swait.ge [sflag:s21], $0x4000  }
0x4f: {  	s2 =	simm.s32 $0x1000;
	[sflag:s21] =	ssyncset.done $0x0  }
.LBB2_4:
0x50: {  	p0 =	sne.s32 s2, $0x12000;
	[sflag:s21] =	ssyncadd.s32 $0xFFFFC000;
	s0 =	sadd.s32 $0x100, s0  }
0x51: {  	s5 =	smov.u32 s2;
	s2 =	sadd.s32 $0x1000, s2  }
0x52: {  	_ =	swait.ge [sflag:s23], $0x4000  }
0x53: {  	[sflag:s23] =	ssyncset.done $0x0  }
0x54: {  	s10 =	sadd.s32 s5, s17;
	[sflag:s23] =	ssyncadd.s32 $0xFFFFC000  }
0x55: {  	[tilespmem:s24], [sflag:$0x2] =	stream.linear.gather [hbm4b:s10+s3], $0x4000, $0x38;
	[tilespmem:$0x1D400] =	vst v63  }
0x56: {  	_ = 	snop  }
0x57: {  	[spmem:s1] =	stream.indirect.scatter.add.f32 [tilespmem:s22], [sflag:$0x3], $0x80, s0, s25, $0xb8;
	[tilespmem:$0x1D400] =	vst v63  }
0x58: {  	_ =	swait.ge [sflag:s21], $0x4000  }
0x59: {  	[sflag:s21] =	ssyncset.done $0x0  }
0x5a: {  	[sflag:s21] =	ssyncadd.s32 $0xFFFFC000  }
0x5b: {  	_ =	swait.ge [sflag:s26], $0x4000  }
0x5c: {  	[sflag:s26] =	ssyncset.done $0x0  }
0x5d: {  	s5 =	sadd.s32 s5, s18;
	[sflag:s26] =	ssyncadd.s32 $0xFFFFC000  }
0x5e: {  	[tilespmem:s22], [sflag:$0x1] =	stream.linear.gather [hbm4b:s5+s3], $0x4000, $0x38;
	[tilespmem:$0x1D400] =	vst v63  }
.Ltmp1:
0x5f: {  	_ = 	snop;
	(pc) =	sbr.rel @p0 .LBB2_4-.Ltmp1, $4  }
0x60: {  	s5 =	sadd.s32 $0x80, s0  }
0x61: {  	[spmem:s1] =	stream.indirect.scatter.add.f32 [tilespmem:s24], [sflag:$0x3], $0x80, s5, s25, $0xb8;
	[tilespmem:$0x1D400] =	vst v63  }
0x62: {  	_ =	swait.ge [sflag:s21], $0x4000  }
0x63: {  	[sflag:s21] =	ssyncset.done $0x0  }
0x64: {  	[sflag:s21] =	ssyncadd.s32 $0xFFFFC000  }
0x65: {  	_ =	swait.ge [sflag:s23], $0x4000  }
0x66: {  	[sflag:s23] =	ssyncset.done $0x0  }
0x67: {  	s2 =	simm.s32 $0x0;
	[sflag:s23] =	ssyncadd.s32 $0xFFFFC000  }
0x68: {  	[tilespmem:s24], [sflag:$0x2] =	stream.linear.gather [hbm4b:s15+s2], $0x4000, $0x38;
	[tilespmem:$0x1D400] =	vst v63  }
0x69: {  	_ = 	snop  }
0x6a: {  	[spmem:s1] =	stream.indirect.scatter.add.f32 [tilespmem:s22], [sflag:$0x3], $0x80, s28, s25, $0xb8;
	[tilespmem:$0x1D400] =	vst v63  }
0x6b: {  	_ =	swait.ge [sflag:s21], $0x4000  }
0x6c: {  	[sflag:s21] =	ssyncset.done $0x0  }
0x6d: {  	[sflag:s21] =	ssyncadd.s32 $0xFFFFC000  }
0x6e: {  	_ =	swait.ge [sflag:s26], $0x4000  }
0x6f: {  	[sflag:s26] =	ssyncset.done $0x0  }
0x70: {  	[sflag:s26] =	ssyncadd.s32 $0xFFFFC000  }
0x71: {  	[spmem:s1] =	stream.indirect.scatter.add.f32 [tilespmem:s24], [sflag:$0x3], $0x80, s29, s25, $0xb8;
	[tilespmem:$0x1D400] =	vst v63  }
0x72: {  	_ =	swait.ge [sflag:s21], $0x4000  }
0x73: {  	[sflag:s21] =	ssyncset.done $0x0  }
0x74: {  	s0 =	stileid.u32;
	[sflag:s21] =	ssyncadd.s32 $0xFFFFC000  }
0x75: {  	s0 =	sshll.u32 s0, $0x6;
	[bflag:$0x0] =	sbarrier.arrive $0xFFFF  }
0x76: {  	s31 =	sor.u32 $0x1C03, s0;
	s0 =	sshrl.u32 s4, $0x3;
	s5 =	rddreg [dreg:$0x6]  }
0x77: {  	[hbm:s5], [sflag:s31] =	dma.local [spmem:s0], $0x2800  }
0x78: {  	_ =	swait.ge [sflag:s21], $0x2800  }
0x79: {  	s11 =	sand.u32 $0xFE00, s2;
	[sflag:s21] =	ssyncset.done $0x0  }
0x7a: {  	s10 =	sand.u32 $0x70, s2;
	s11 =	sshrl.u32 s11, $0x2;
	[sflag:s21] =	ssyncadd.s32 $0xFFFFD800  }
0x7b: {  	s10 =	sor.u32 s10, s11;
	s5 =	simm.s32 $0x40;
	[bflag:$0x0] =	sbarrier.arrive $0xFFFF  }
.LBB2_6:
0x7c: {  	p0 =	sne.s32 s5, $0xFFC0  }
0x7d: {  	[tilespmem:s10+$0x1400] =	vst v0;
	s2 =	sadd.s32 $0x10, s2;
	s10 =	smov.u32 s5;
	s5 =	sadd.s32 $0x40, s5  }
.Ltmp2:
0x7e: {  	(pc) =	sbr.rel @p0 .LBB2_6-.Ltmp2, $4  }
0x7f: {  	_ = 	snop  }
0x80: {  	s10 =	sand.u32 $0xFE00, s10  }
0x81: {  	s11 =	sand.u32 $0x70, s2;
	s10 =	sshrl.u32 s10, $0x2  }
0x82: {  	s10 =	sor.u32 s11, s10  }
0x83: {  	[tilespmem:s10+$0x1400] =	vst v0  }
0x84: {  	[spmem:s4] =	stream.linear.scatter [tilespmem:s22], [sflag:$0x3], $0x4000, $0x38;
	[tilespmem:$0x1D400] =	vst v63  }
0x85: {  	_ =	swait.ge [sflag:s21], $0x4000  }
0x86: {  	[sflag:s21] =	ssyncset.done $0x0  }
0x87: {  	[sflag:s21] =	ssyncadd.s32 $0xFFFFC000  }
0x88: {  	[spmem:s6] =	stream.linear.scatter [tilespmem:s22], [sflag:$0x3], $0x4000, $0x38;
	[tilespmem:$0x1D400] =	vst v63  }
0x89: {  	_ =	swait.ge [sflag:s21], $0x4000  }
0x8a: {  	[sflag:s21] =	ssyncset.done $0x0  }
0x8b: {  	[sflag:s21] =	ssyncadd.s32 $0xFFFFC000  }
0x8c: {  	[spmem:s7] =	stream.linear.scatter [tilespmem:s22], [sflag:$0x3], $0x4000, $0x38;
	[tilespmem:$0x1D400] =	vst v63  }
0x8d: {  	_ =	swait.ge [sflag:s21], $0x4000  }
0x8e: {  	[sflag:s21] =	ssyncset.done $0x0  }
0x8f: {  	[sflag:s21] =	ssyncadd.s32 $0xFFFFC000  }
0x90: {  	[spmem:s8] =	stream.linear.scatter [tilespmem:s22], [sflag:$0x3], $0x4000, $0x38;
	[tilespmem:$0x1D400] =	vst v63  }
0x91: {  	_ =	swait.ge [sflag:s21], $0x4000  }
0x92: {  	[sflag:s21] =	ssyncset.done $0x0  }
0x93: {  	[sflag:s21] =	ssyncadd.s32 $0xFFFFC000  }
0x94: {  	[spmem:s9] =	stream.linear.scatter [tilespmem:s22], [sflag:$0x3], $0x4000, $0x38;
	[tilespmem:$0x1D400] =	vst v63  }
0x95: {  	_ =	swait.ge [sflag:s21], $0x4000  }
0x96: {  	[sflag:s21] =	ssyncset.done $0x0  }
0x97: {  	[sflag:s21] =	ssyncadd.s32 $0xFFFFC000  }
0x98: {  	s2 =	simm.s32 $0x0;
	[bflag:$0x0] =	sbarrier.arrive $0xFFFF  }
0x99: {  	[tilespmem:s22], [sflag:$0x1] =	stream.linear.gather [hbm4b:s12+s2], $0x4000, $0x38;
	[tilespmem:$0x1D400] =	vst v63  }
0x9a: {  	_ =	swait.ge [sflag:s23], $0x4000  }
0x9b: {  	[sflag:s23] =	ssyncset.done $0x0  }
0x9c: {  	s5 =	sadd.s32 $0x0, s19;
	[sflag:s23] =	ssyncadd.s32 $0xFFFFC000  }
0x9d: {  	[tilespmem:s24], [sflag:$0x2] =	stream.linear.gather [hbm4b:s5+s3], $0x4000, $0x38;
	[tilespmem:$0x1D400] =	vst v63  }
0x9e: {  	_ = 	snop  }
0x9f: {  	[spmem:s1] =	stream.indirect.scatter.add.f32 [tilespmem:s22], [sflag:$0x3], $0x80, s2, s25, $0xb8;
	[tilespmem:$0x1D400] =	vst v63  }
0xa0: {  	_ =	swait.ge [sflag:s21], $0x4000  }
0xa1: {  	[sflag:s21] =	ssyncset.done $0x0  }
0xa2: {  	[sflag:s21] =	ssyncadd.s32 $0xFFFFC000  }
0xa3: {  	_ =	swait.ge [sflag:s26], $0x4000  }
0xa4: {  	[sflag:s26] =	ssyncset.done $0x0  }
0xa5: {  	s10 =	sadd.s32 $0x0, s20;
	[sflag:s26] =	ssyncadd.s32 $0xFFFFC000  }
0xa6: {  	[tilespmem:s22], [sflag:$0x1] =	stream.linear.gather [hbm4b:s10+s3], $0x4000, $0x38;
	[tilespmem:$0x1D400] =	vst v63  }
0xa7: {  	s11 =	simm.s32 $0x80  }
0xa8: {  	[spmem:s1] =	stream.indirect.scatter.add.f32 [tilespmem:s24], [sflag:$0x3], $0x80, s11, s25, $0xb8;
	[tilespmem:$0x1D400] =	vst v63  }
0xa9: {  	_ =	swait.ge [sflag:s21], $0x4000  }
0xaa: {  	s5 =	simm.s32 $0x1000;
	[sflag:s21] =	ssyncset.done $0x0  }
.LBB2_8:
0xab: {  	p0 =	sne.s32 s5, $0x12000;
	[sflag:s21] =	ssyncadd.s32 $0xFFFFC000;
	s2 =	sadd.s32 $0x100, s2  }
0xac: {  	s10 =	smov.u32 s5;
	s5 =	sadd.s32 $0x1000, s5  }
0xad: {  	_ =	swait.ge [sflag:s23], $0x4000  }
0xae: {  	[sflag:s23] =	ssyncset.done $0x0  }
0xaf: {  	s11 =	sadd.s32 s10, s19;
	[sflag:s23] =	ssyncadd.s32 $0xFFFFC000  }
0xb0: {  	[tilespmem:s24], [sflag:$0x2] =	stream.linear.gather [hbm4b:s11+s3], $0x4000, $0x38;
	[tilespmem:$0x1D400] =	vst v63  }
0xb1: {  	_ = 	snop  }
0xb2: {  	[spmem:s1] =	stream.indirect.scatter.add.f32 [tilespmem:s22], [sflag:$0x3], $0x80, s2, s25, $0xb8;
	[tilespmem:$0x1D400] =	vst v63  }
0xb3: {  	_ =	swait.ge [sflag:s21], $0x4000  }
0xb4: {  	[sflag:s21] =	ssyncset.done $0x0  }
0xb5: {  	[sflag:s21] =	ssyncadd.s32 $0xFFFFC000  }
0xb6: {  	_ =	swait.ge [sflag:s26], $0x4000  }
0xb7: {  	[sflag:s26] =	ssyncset.done $0x0  }
0xb8: {  	s10 =	sadd.s32 s10, s20;
	[sflag:s26] =	ssyncadd.s32 $0xFFFFC000  }
0xb9: {  	[tilespmem:s22], [sflag:$0x1] =	stream.linear.gather [hbm4b:s10+s3], $0x4000, $0x38;
	[tilespmem:$0x1D400] =	vst v63  }
.Ltmp3:
0xba: {  	_ = 	snop;
	(pc) =	sbr.rel @p0 .LBB2_8-.Ltmp3, $4  }
0xbb: {  	s10 =	sadd.s32 $0x80, s2  }
0xbc: {  	[spmem:s1] =	stream.indirect.scatter.add.f32 [tilespmem:s24], [sflag:$0x3], $0x80, s10, s25, $0xb8;
	[tilespmem:$0x1D400] =	vst v63  }
0xbd: {  	_ =	swait.ge [sflag:s21], $0x4000  }
0xbe: {  	[sflag:s21] =	ssyncset.done $0x0  }
0xbf: {  	[sflag:s21] =	ssyncadd.s32 $0xFFFFC000  }
0xc0: {  	_ =	swait.ge [sflag:s23], $0x4000  }
0xc1: {  	[sflag:s23] =	ssyncset.done $0x0  }
0xc2: {  	[sflag:s23] =	ssyncadd.s32 $0xFFFFC000  }
0xc3: {  	[tilespmem:s24], [sflag:$0x2] =	stream.linear.gather [hbm4b:s16+s3], $0x4000, $0x38;
	[tilespmem:$0x1D400] =	vst v63  }
0xc4: {  	_ = 	snop  }
0xc5: {  	[spmem:s1] =	stream.indirect.scatter.add.f32 [tilespmem:s22], [sflag:$0x3], $0x80, s28, s25, $0xb8;
	[tilespmem:$0x1D400] =	vst v63  }
0xc6: {  	_ =	swait.ge [sflag:s21], $0x4000  }
0xc7: {  	[sflag:s21] =	ssyncset.done $0x0  }
0xc8: {  	[sflag:s21] =	ssyncadd.s32 $0xFFFFC000  }
0xc9: {  	_ =	swait.ge [sflag:s26], $0x4000  }
0xca: {  	[sflag:s26] =	ssyncset.done $0x0  }
0xcb: {  	[sflag:s26] =	ssyncadd.s32 $0xFFFFC000  }
0xcc: {  	[spmem:s1] =	stream.indirect.scatter.add.f32 [tilespmem:s24], [sflag:$0x3], $0x80, s29, s25, $0xb8;
	[tilespmem:$0x1D400] =	vst v63  }
0xcd: {  	_ =	swait.ge [sflag:s21], $0x4000  }
0xce: {  	[sflag:s21] =	ssyncset.done $0x0  }
0xcf: {  	s30 =	sadd.s32 $0x1, s30;
	[sflag:s21] =	ssyncadd.s32 $0xFFFFC000  }
0xd0: {  	p0 =	sne.s32 s30, s14;
	[bflag:$0x0] =	sbarrier.arrive $0xFFFF  }
0xd1: {  	[hbm:s13], [sflag:s31] =	dma.local [spmem:s0], $0x2800  }
.Ltmp4:
0xd2: {  	_ =	swait.ge [sflag:s21], $0x2800;
	(pc) =	sbr.rel @p0 .LBB2_1-.Ltmp4, $3  }
0xd3: {  	[sflag:s21] =	ssyncset.done $0x0  }
0xd4: {  	[sflag:s21] =	ssyncadd.s32 $0xFFFFD800  }
0xd5: {  	[bflag:$0x0] =	sbarrier.arrive $0xFFFF;
	_ =	sdelay $0x1  }
0xd6: {  	_ =	sfence.sel $0x180000  }
0xd7: {  	[bflag:$0x0] =	sbarrier.arrive $0xFFFF  }
0xd8: {  	_ =	strace $0x9000004A  }
0xd9: {  	s0 =	stileid.u32;
	[bflag:$0x2] =	sbarrier.arrive $0xFFFF  }
0xda: {  	p0 =	sne.s32 s0, $0x0;
	s0 =	rddreg [dreg:$0x3]  }
0xdb: {  	s0 =	sadd.s32 @!p0 $0x100000, s0  }
0xdc: {  	[sflag:s0] =	ssyncadd.tile.s32 @!p0 $0x1;
	_ =	shalt  }
.Lfunc_end2:
_tile_overlayer_lowered:
.L_overlay_start_2:
0xdd: {  	(tag) =	ssettag $0x2  }
0xde: {  	s0 =	rddreg [dreg:$0x0];
	s2 =	stileid.u32  }
0xdf: {  	s1 =	rddreg [dreg:$0x1];
	p0 =	sne.s32 s2, $0x0  }
0xe0: {  	s3 =	rddreg [dreg:$0x2];
	[bflag:$0x3] =	sbarrier.arrive $0xFFFF;
	s2 =	simm.s32 @!p0 $0x1C03  }
0xe1: {  	[timem:s3], [sflag:s2] =	dma.local @!p0 [hbm:s0], s1  }
0xe2: {  	s0 =	simm.s32 @!p0 $0x3  }
0xe3: {  	_ =	swait.ge @!p0 [sflag:s0], s1  }
0xe4: {  	s1 =	ssub.s32 @!p0 $0x0, s1;
	[sflag:s0] =	ssyncset.done @!p0 $0x0  }
0xe5: {  	[sflag:s0] =	ssyncadd.s32 @!p0 s1  }
0xe6: {  	[bflag:$0x3] =	sbarrier.arrive $0xFFFF  }
0xe7: {  	_ =	shalt  }

// kernel: kernel.16.cloned.1.call-start
scs
__scs_entry_jumppad:
0x0: {  	(pc) =	sbr.rel $0x88, $3  }
0x1: {  	(tag) =	ssettag $0x0;
	lr =	simm.s32 $0x1  }
0x2: {  	[smem:$0x3F85] =	sst lr;
	_ =	strace $0xD0000000  }
0x3: {  	_ = 	snop  }
0x4: {  	_ = 	snop  }
0x5: {  	_ = 	snop  }
0x6: {  	_ = 	snop  }
0x7: {  	_ = 	snop  }
__scs_overlays_trampoline_lowered:
0x8: {  	[smem:$0x3F94] =	sst s0  }
0x9: {  	[smem:$0x3F95] =	sst s1  }
0xa: {  	[smem:$0x3F96] =	sst s2  }
0xb: {  	[smem:$0x3F97] =	sst s3  }
0xc: {  	[smem:$0x3F98] =	sst s4  }
0xd: {  	[smem:$0x3F99] =	sst s5  }
0xe: {  	[smem:$0x3F9A] =	sst s6  }
0xf: {  	[smem:$0x3F9B] =	sst s7  }
0x10: {  	[smem:$0x3F9C] =	sst s8  }
0x11: {  	[smem:$0x3F9D] =	sst s9;
	s0 =	simm.s32 @!p0 $0x0  }
0x12: {  	s1 =	sld [smem:$0x3F83];
	s0 =	simm.s32 @p0 $0x1  }
0x13: {  	[smem:$0x3F9E] =	sst s0;
	s0 =	simm.s32 @!p1 $0x0  }
0x14: {  	s2 =	sld [smem:$0x3F82];
	s0 =	simm.s32 @p1 $0x1  }
0x15: {  	[smem:$0x3F9F] =	sst s0;
	s0 =	simm.s32 @!p2 $0x0  }
0x16: {  	s3 =	sld [smem:$0x3FDB];
	s0 =	simm.s32 @p2 $0x1  }
0x17: {  	s4 =	simm.s32 $0x1BF5;
	[smem:$0x3FA1] =	sst s0  }
0x18: {  	s0 =	sld [smem:$0x3F84];
	_ =	swait.ge [sflag:s4], $0x0  }
0x19: {  	s7 =	sld [smem:$0x3F85]  }
0x1a: {  	s8 =	sadd.s32 $0xFFFFE003, lr  }
0x1b: {  	s9 =	sadd.s32 $0xFFFFFEF7, lr;
	s5 =	simm.s32 $0xFFFFFFFF;
	p2 =	slt.u32 s8, $0xFFFFF086  }
0x1c: {  	p1 =	slt.u32 s9, $0xF7A;
	s5 =	simm.s32 @!p2 $0x0  }
0x1d: {  	s5 =	simm.s32 @p1 $0x1;
	p0 =	seq.s32 s7, s2  }
0x1e: {  	s7 =	smul.u32 @!p0 $0xF7A, s2;
	p2 =	seq.s32 @!p0 s5, $0x0  }
0x1f: {  	s9 =	smul.u32 $0xF7A, s1;
	s8 =	simm.s32 @!p0 $0x1BF5;
	p2 =	por !p2, p0  }
0x20: {  	[sflag:s8] =	ssyncset.s32 @!p0 $0xFFFFF086;
	s6 =	sadd.s32 @!p0 s3, s7;
	s7 =	simm.s32 @!p0 $0x108  }
0x21: {  	s3 =	sadd.s32 s3, s9;
	s6 =	sadd.s32 @!p0 $0x88, s6;
	s7 =	simm.s32 @p2 $0x1082  }
0x22: {  	[simem:s7], [sflag:s8] =	dma.local @!p0 [hbm:s6], $0xF7A  }
0x23: {  	s9 =	sor.u32 $0xD0000000, s2;
	s6 =	simm.s32 $0x108;
	_ =	swait.ge @!p0 [sflag:s8], $0x0  }
0x24: {  	s3 =	sadd.s32 $0x88, s3;
	s6 =	simm.s32 @!p1 $0x1082;
	[sflag:s4] =	ssyncset.s32 $0xFFFFF086  }
0x25: {  	[simem:s6], [sflag:s4] =	dma.local [hbm:s3], $0xF7A  }
0x26: {  	[smem:$0x3F85] =	sst s1;
	(tag) =	ssettag s2;
	_ =	strace s9  }
0x27: {  	s1 =	sld [smem:$0x3F95]  }
0x28: {  	s2 =	sld [smem:$0x3F96]  }
0x29: {  	s4 =	sld [smem:$0x3F98]  }
0x2a: {  	p0 =	seq.s32 s5, $0x0;
	s5 =	sld [smem:$0x3F99]  }
0x2b: {  	s6 =	sld [smem:$0x3F9A]  }
0x2c: {  	s7 =	sld [smem:$0x3F9B]  }
0x2d: {  	s3 =	simm.s32 $0x108;
	s8 =	sld [smem:$0x3F9C]  }
0x2e: {  	s3 =	simm.s32 @!p0 $0x1082;
	s9 =	sld [smem:$0x3F9D]  }
0x2f: {  	lr =	sadd.s32 s0, s3;
	s0 =	sld [smem:$0x3F94]  }
0x30: {  	s3 =	sld [smem:$0x3F97]  }
0x31: {  	[smem:$0x3FA0] =	sst s10  }
0x32: {  	s10 =	sld [smem:$0x3F9E];
	_ =	sdelay $0x3  }
0x33: {  	p0 =	seq.s32 s10, $0x1;
	s10 =	sld [smem:$0x3FA0];
	_ =	sdelay $0x3  }
0x34: {  	[smem:$0x3FA0] =	sst s10  }
0x35: {  	s10 =	sld [smem:$0x3F9F];
	_ =	sdelay $0x3  }
0x36: {  	p1 =	seq.s32 s10, $0x1;
	s10 =	sld [smem:$0x3FA0];
	_ =	sdelay $0x3  }
0x37: {  	[smem:$0x3FA0] =	sst s10  }
0x38: {  	s10 =	sld [smem:$0x3FA1]  }
0x39: {  	_ = 	snop;
	(pc) =	sbr.ind lr, $3  }
0x3a: {  	_ = 	snop  }
0x3b: {  	_ = 	snop  }
0x3c: {  	p2 =	seq.s32 s10, $0x1;
	s10 =	sld [smem:$0x3FA0]  }
0x3d: {  	_ =	shalt  }
0x3e: {  	_ =	shalt  }
0x3f: {  	_ =	shalt  }
0x40: {  	_ =	shalt  }
0x41: {  	_ =	shalt  }
0x42: {  	_ =	shalt  }
0x43: {  	_ =	shalt  }
0x44: {  	_ =	shalt  }
0x45: {  	_ =	shalt  }
0x46: {  	_ =	shalt  }
0x47: {  	_ =	shalt  }
0x48: {  	_ =	shalt  }
0x49: {  	_ =	shalt  }
0x4a: {  	_ =	shalt  }
0x4b: {  	_ =	shalt  }
0x4c: {  	_ =	shalt  }
0x4d: {  	_ =	shalt  }
0x4e: {  	_ =	shalt  }
0x4f: {  	_ =	shalt  }
0x50: {  	_ =	shalt  }
0x51: {  	_ =	shalt  }
0x52: {  	_ =	shalt  }
0x53: {  	_ =	shalt  }
0x54: {  	_ =	shalt  }
0x55: {  	_ =	shalt  }
0x56: {  	_ =	shalt  }
0x57: {  	_ =	shalt  }
0x58: {  	_ =	shalt  }
0x59: {  	_ =	shalt  }
0x5a: {  	_ =	shalt  }
0x5b: {  	_ =	shalt  }
0x5c: {  	_ =	shalt  }
0x5d: {  	_ =	shalt  }
0x5e: {  	_ =	shalt  }
0x5f: {  	_ =	shalt  }
0x60: {  	_ =	shalt  }
0x61: {  	_ =	shalt  }
0x62: {  	_ =	shalt  }
0x63: {  	_ =	shalt  }
0x64: {  	_ =	shalt  }
0x65: {  	_ =	shalt  }
0x66: {  	_ =	shalt  }
0x67: {  	_ =	shalt  }
0x68: {  	_ =	shalt  }
0x69: {  	_ =	shalt  }
0x6a: {  	_ =	shalt  }
0x6b: {  	_ =	shalt  }
0x6c: {  	_ =	shalt  }
0x6d: {  	_ =	shalt  }
0x6e: {  	_ =	shalt  }
0x6f: {  	_ =	shalt  }
0x70: {  	_ =	shalt  }
0x71: {  	_ =	shalt  }
0x72: {  	_ =	shalt  }
0x73: {  	_ =	shalt  }
0x74: {  	_ =	shalt  }
0x75: {  	_ =	shalt  }
0x76: {  	_ =	shalt  }
0x77: {  	_ =	shalt  }
0x78: {  	_ =	shalt  }
0x79: {  	_ =	shalt  }
0x7a: {  	_ =	shalt  }
0x7b: {  	_ =	shalt  }
0x7c: {  	_ =	shalt  }
0x7d: {  	_ =	shalt  }
0x7e: {  	_ =	shalt  }
0x7f: {  	_ =	shalt  }
0x80: {  	_ =	shalt  }
0x81: {  	_ =	shalt  }
0x82: {  	_ =	shalt  }
0x83: {  	_ =	shalt  }
0x84: {  	_ =	shalt  }
0x85: {  	_ =	shalt  }
0x86: {  	_ =	shalt  }
0x87: {  	_ =	shalt  }
.Lfunc_end0:
.L_simem_size_0:
called_computation.2_lowered:
.L_overlay_start_0:
0x88: {  	s2 =	sld [smem:$0x3FD9]  }
0x89: {  	s3 =	sld [smem:$0x3FFE];
	_ =	sdelay $0x1  }
0x8a: {  	s1 =	srdreg.scid  }
0x8b: {  	s0 =	sand.u32 $0x1, s1  }
0x8c: {  	s14 =	sshll.u32 s0, $0xA;
	s2 =	sadd.s32 s3, s2  }
0x8d: {  	s2 =	sadd.s32 s2, s14  }
0x8e: {  	[smem:$0x3FAC] =	sst s2  }
0x8f: {  	_ = 	snop  }
0x90: {  	s2 =	sld [smem:$0x3FD0];
	_ =	sdelay $0x2  }
0x91: {  	s15 =	simm.s32 $0xA;
	s4 =	simm.s32 $0x10  }
0x92: {  	[smem:s4], [sflag:s15] =	dma.local [hbm:s2], $0x1  }
0x93: {  	_ =	swait.eq [sflag:s15], $0x1  }
0x94: {  	[sflag:s15] =	ssyncset.done $0x0  }
0x95: {  	[sflag:s15] =	ssyncadd.s32 $0xFFFFFFFF  }
0x96: {  	s16 =	sld [smem:$0x10];
	(tm) =	ssettm $0x1  }
0x97: {  	s17 =	sld [smem:$0x3FFB];
	_ =	sdelay $0x3  }
0x98: {  	_ =	strace s17  }
0x99: {  	s3 =	sld [smem:$0x3FFC];
	_ =	sdelay $0x3  }
0x9a: {  	_ =	strace s3  }
0x9b: {  	s3 =	sld [smem:$0x3FFD];
	_ =	sdelay $0x3  }
0x9c: {  	_ =	strace s3  }
0x9d: {  	_ =	strace $0x8FFFFFFF  }
0x9e: {  	s18 =	sld [smem:$0x3FDB];
	_ =	sdelay $0x1  }
0x9f: {  	s19 =	simm.s32 $_scs_section_size  }
0xa0: {  	s5 =	simm.s32 $_size__tile_overlayer_lowered;
	s6 =	simm.s32 $_tile_overlayer_lowered  }
0xa1: {  	s22 =	simm.s32 $0x1BFF;
	s21 =	sshll.u32 s6, $0x1;
	s3 =	sadd.s32 s19, s18  }
0xa2: {  	s7 =	simm.s32 $0x0;
	s20 =	sshll.u32 s5, $0x1;
	s5 =	sadd.s32 s21, s3  }
0xa3: {  	[timem:s7], [sflag:s22] =	dma.local [hbm:s5], s20  }
0xa4: {  	_ =	swait.ge [sflag:s22], s20  }
0xa5: {  	s4 =	ssub.s32 $0x0, s20;
	[sflag:s22] =	ssyncset.done $0x0  }
0xa6: {  	[sflag:s22] =	ssyncadd.s32 s4;
	_ =	sdelay $0x1  }
0xa7: {  	s23 =	simm.s32 $0x1B8B  }
0xa8: {  	_ =	swait.ge [sflag:s23], $0x1  }
0xa9: {  	[sflag:s23] =	ssyncset.done $0x0  }
0xaa: {  	s25 =	simm.s32 $0x1B8E;
	s24 =	sld [smem:$0x3FFE];
	[sflag:s23] =	ssyncadd.s32 $0xFFFFFFFF  }
0xab: {  	s26 =	simm.s32 $execute0_lowered;
	[smem:$0x3FD2] =	sst s25  }
0xac: {  	s5 =	sshll.u32 s26, $0x1;
	_ =	strace $0x8000004C;
	[dreg:$0x1] =	wrdreg $0xFFFFFFFF  }
0xad: {  	s28 =	simm.s32 $_size_execute0_lowered;
	s3 =	sadd.s32 s3, s5;
	[dreg:$0x0] =	wrdreg $0x0  }
0xae: {  	s5 =	sshll.u32 s28, $0x1;
	[dreg:$0x2] =	wrdreg s3  }
0xaf: {  	[dreg:$0x3] =	wrdreg s5  }
0xb0: {  	[dreg:$0x4] =	wrdreg $0xC0  }
0xb1: {  	_ =	task [dreg:s7], $0x5FFFF  }
0xb2: {  	[dreg:$0x1] =	wrdreg $0xFFFFFFFF  }
0xb3: {  	[dreg:$0x0] =	wrdreg $0x60  }
0xb4: {  	[dreg:$0x2] =	wrdreg s24  }
0xb5: {  	[dreg:$0x3] =	wrdreg s16  }
0xb6: {  	[dreg:$0x4] =	wrdreg $0x94000  }
0xb7: {  	[dreg:$0x5] =	wrdreg $0x9  }
0xb8: {  	_ =	task.clear_ibuf [dreg:s7], $0x6FFFF;
	_ =	strace $0x9000004C  }
0xb9: {  	s29 =	simm.s32 $0x9;
	_ =	strace $0x8000004E  }
0xba: {  	_ =	swait.ge [sflag:s29], $0x1  }
0xbb: {  	[sflag:s29] =	ssyncadd.s32 $0xFFFFFFFF  }
0xbc: {  	_ =	strace $0x9000004E  }
0xbd: {  	_ =	sfence  }
0xbe: {  	s30 =	sld [smem:$0x0];
	_ =	sdelay $0x2  }
0xbf: {  	s31 =	sshll.u32 s1, $0xD;
	s1 =	sshrl.u32 s1, $0x2  }
0xc0: {  	s3 =	sand.u32 $0x4000, s31;
	s1 =	sadd.s32 s1, s30  }
0xc1: {  	s0 =	sor.u32 s3, s0;
	s1 =	sshll.u32 s1, $0x11  }
0xc2: {  	s0 =	sor.u32 s1, s0  }
0xc3: {  	s0 =	sadd.s32 $0x8F2B, s0  }
0xc4: {  	[sflag:s0] =	ssyncadd.remote.s32 $0x1  }
0xc5: {  	_ =	sfence.sel $0xFFFF  }
0xc6: {  	[dreg:$0x0] =	wrdreg $0xFFFFFFFF;
	(pc) =	sbr.abs _section_cstart, $3  }
0xc7: {  	[dreg:$0x1] =	wrdreg $0xFFFFFFFF  }
0xc8: {  	_ =	task.clear_ibuf [dreg:s7], $0x2FFFF;
	_ =	strace $0x9FFFFFFF  }
0xc9: {  	(tm) =	ssettm $0x7FFFFFFF  }
tec
execute0_lowered:
.L_overlay_start_1:
0x0: {  	(tag) =	ssettag $0x1  }
0x1: {  	s0 =	rddreg [dreg:$0x0]  }
0x2: {  	s4 =	rddreg [dreg:$0x1]  }
0x3: {  	s2 =	rddreg [dreg:$0x2];
	s1 =	stileid.u32  }
0x4: {  	s3 =	simm.s32 $0x0;
	s5 =	srdreg.scid;
	s6 =	smul.u32 $0x1400, s1  }
0x5: {  	s28 =	simm.s32 $0x0;
	[smem:$0x7FF] =	sst s3;
	s7 =	smul.u32 $0x50000, s1  }
0x6: {  	s18 =	sadd.s32 $0xAD2600, s0;
	s5 =	sand.u32 $0x1, s5;
	s10 =	smul.u32 $0x14000, s1  }
0x7: {  	s9 =	sadd.s32 $0xA32600, s0;
	s0 =	sadd.s32 $0x32600, s0;
	s15 =	smul.u32 $0xA0000, s1  }
0x8: {  	_ =	strace $0x8000004D;
	s8 =	ssub.s32 $0x2, s5;
	s12 =	smul.u32 $0x280000, s5  }
0x9: {  	s14 =	smul.u32 $0x1400000, s5;
	s5 =	sshllo.u32 s5, $0x1;
	s11 =	sshrl.u32 s8, $0x1  }
0xa: {  	s6 =	sshrl.u32 s6, $0x3;
	s19 =	smul.u32 $0x140000, s5;
	s7 =	sshrl.u32 s7, $0x2  }
0xb: {  	s24 =	sadd.s32 $0x9C000, s15;
	s13 =	ssub.s32 s8, s11;
	s4 =	sadd.s32 s4, s6  }
0xc: {  	s17 =	sadd.s32 s10, s12;
	s25 =	sadd.s32 s14, s24;
	s16 =	sadd.s32 $0x2800, s4  }
0xd: {  	s20 =	sshrl.u32 s17, $0x3;
	s17 =	sadd.s32 s15, s14;
	s8 =	sadd.s32 s10, s19  }
0xe: {  	s12 =	smax.u32 s13, $0x1;
	s13 =	sshrl.u32 s25, $0x3;
	s25 =	simm.s32 $0x1300  }
0xf: {  	[dreg:$0x4] =	wrdreg s16;
	s16 =	smul.u32 $0xA00000, s5;
	s5 =	sadd.s32 s7, s2  }
0x10: {  	s6 =	sadd.s32 s9, s20;
	s21 =	sshrl.u32 s17, $0x3;
	s23 =	sshrl.u32 s8, $0x3  }
0x11: {  	s8 =	sadd.s32 s0, s20;
	s26 =	sor.u32 $0x4000, s17;
	s13 =	sadd.s32 s18, s13  }
0x12: {  	s30 =	sor.u32 $0x8000, s17;
	s31 =	sadd.s32 $0xA04000, s17;
	s17 =	sadd.s32 $0xA08000, s17  }
0x13: {  	s7 =	sadd.s32 s18, s21;
	s9 =	sadd.s32 s9, s23;
	s11 =	sadd.s32 s0, s23  }
0x14: {  	s29 =	sshrl.u32 s26, $0x3;
	s19 =	sshrl.u32 s31, $0x3;
	s20 =	sshrl.u32 s17, $0x3  }
0x15: {  	s21 =	simm.s32 $0x1;
	s23 =	simm.s32 $0x80;
	s26 =	simm.s32 $0x1380  }
0x16: {  	s22 =	sadd.s32 s15, s16;
	s0 =	sadd.s32 s16, s24;
	s15 =	sadd.s32 s29, s18  }
0x17: {  	s17 =	sadd.s32 s19, s18;
	s19 =	simm.s32 $0x3;
	s24 =	simm.s32 $0x2  }
0x18: {  	s10 =	sshrl.u32 s22, $0x3;
	s0 =	sshrl.u32 s0, $0x3;
	s22 =	simm.s32 $0x5400  }
0x19: {  	s10 =	sadd.s32 s18, s10;
	s14 =	sadd.s32 s18, s0;
	s0 =	sshrl.u32 s30, $0x3  }
0x1a: {  	s16 =	sadd.s32 s0, s18;
	s18 =	sadd.s32 s20, s18;
	s20 =	simm.s32 $0x1400  }
.LBB2_1:
0x1b: {  	s0 =	rddreg [dreg:$0x4]  }
0x1c: {  	[tilespmem:s3], [sflag:$0x3] =	stream.linear.gather [hbm4b:s0+s3], $0x1400, $0x38;
	[tilespmem:$0x1D400] =	vst v63  }
0x1d: {  	s1 =	stileid.u32;
	_ =	swait.ge [sflag:s19], $0x1400  }
0x1e: {  	s0 =	sshll.u32 s1, $0x6;
	[sflag:s19] =	ssyncset.done $0x0  }
0x1f: {  	s30 =	sshrl.u32 s5, $0x3;
	s29 =	sor.u32 $0x1C03, s0;
	[sflag:s19] =	ssyncadd.s32 $0xFFFFEC00  }
0x20: {  	[spmem:s30], [sflag:s29] =	dma.local [hbm:s6], $0x2800  }
0x21: {  	_ =	swait.ge [sflag:s19], $0x2800  }
0x22: {  	[sflag:s19] =	ssyncset.done $0x0  }
0x23: {  	[sflag:s19] =	ssyncadd.s32 $0xFFFFD800  }
0x24: {  	[bflag:$0x0] =	sbarrier.arrive $0xFFFF  }
0x25: {  	[tilespmem:s20], [sflag:$0x1] =	stream.linear.gather [hbm4b:s7+s3], $0x4000, $0x38;
	[tilespmem:$0x1D400] =	vst v63  }
0x26: {  	_ =	swait.ge [sflag:s21], $0x4000  }
0x27: {  	[sflag:s21] =	ssyncset.done $0x0  }
0x28: {  	s4 =	sadd.s32 $0x0, s15;
	[sflag:s21] =	ssyncadd.s32 $0xFFFFC000  }
0x29: {  	[tilespmem:s22], [sflag:$0x2] =	stream.linear.gather [hbm4b:s4+s3], $0x4000, $0x38;
	[tilespmem:$0x1D400] =	vst v63  }
0x2a: {  	_ = 	snop  }
0x2b: {  	[spmem:s2] =	stream.indirect.scatter.add.f32 [tilespmem:s20], [sflag:$0x3], $0x80, s3, s23, $0xb8;
	[tilespmem:$0x1D400] =	vst v63  }
0x2c: {  	_ =	swait.ge [sflag:s19], $0x4000  }
0x2d: {  	[sflag:s19] =	ssyncset.done $0x0  }
0x2e: {  	[sflag:s19] =	ssyncadd.s32 $0xFFFFC000  }
0x2f: {  	_ =	swait.ge [sflag:s24], $0x4000  }
0x30: {  	[sflag:s24] =	ssyncset.done $0x0  }
0x31: {  	s1 =	sadd.s32 $0x0, s16;
	[sflag:s24] =	ssyncadd.s32 $0xFFFFC000  }
0x32: {  	[tilespmem:s20], [sflag:$0x1] =	stream.linear.gather [hbm4b:s1+s3], $0x4000, $0x38;
	[tilespmem:$0x1D400] =	vst v63  }
0x33: {  	s4 =	simm.s32 $0x80  }
0x34: {  	[spmem:s2] =	stream.indirect.scatter.add.f32 [tilespmem:s22], [sflag:$0x3], $0x80, s4, s23, $0xb8;
	[tilespmem:$0x1D400] =	vst v63  }
0x35: {  	_ =	swait.ge [sflag:s19], $0x4000  }
0x36: {  	s31 =	simm.s32 $0x1000;
	s0 =	simm.s32 $0x0;
	[sflag:s19] =	ssyncset.done $0x0  }
.LBB2_2:
0x37: {  	p0 =	sne.s32 s31, $0x12000;
	[sflag:s19] =	ssyncadd.s32 $0xFFFFC000;
	s0 =	sadd.s32 $0x100, s0  }
0x38: {  	s1 =	smov.u32 s31;
	s31 =	sadd.s32 $0x1000, s31  }
0x39: {  	_ =	swait.ge [sflag:s21], $0x4000  }
0x3a: {  	[sflag:s21] =	ssyncset.done $0x0  }
0x3b: {  	s4 =	sadd.s32 s1, s15;
	[sflag:s21] =	ssyncadd.s32 $0xFFFFC000  }
0x3c: {  	[tilespmem:s22], [sflag:$0x2] =	stream.linear.gather [hbm4b:s4+s3], $0x4000, $0x38;
	[tilespmem:$0x1D400] =	vst v63  }
0x3d: {  	_ = 	snop  }
0x3e: {  	[spmem:s2] =	stream.indirect.scatter.add.f32 [tilespmem:s20], [sflag:$0x3], $0x80, s0, s23, $0xb8;
	[tilespmem:$0x1D400] =	vst v63  }
0x3f: {  	_ =	swait.ge [sflag:s19], $0x4000  }
0x40: {  	[sflag:s19] =	ssyncset.done $0x0  }
0x41: {  	[sflag:s19] =	ssyncadd.s32 $0xFFFFC000  }
0x42: {  	_ =	swait.ge [sflag:s24], $0x4000  }
0x43: {  	[sflag:s24] =	ssyncset.done $0x0  }
0x44: {  	s1 =	sadd.s32 s1, s16;
	[sflag:s24] =	ssyncadd.s32 $0xFFFFC000  }
0x45: {  	[tilespmem:s20], [sflag:$0x1] =	stream.linear.gather [hbm4b:s1+s3], $0x4000, $0x38;
	[tilespmem:$0x1D400] =	vst v63  }
.Ltmp0:
0x46: {  	_ = 	snop;
	(pc) =	sbr.rel @p0 .LBB2_2-.Ltmp0, $4  }
0x47: {  	s1 =	sadd.s32 $0x80, s0  }
0x48: {  	[spmem:s2] =	stream.indirect.scatter.add.f32 [tilespmem:s22], [sflag:$0x3], $0x80, s1, s23, $0xb8;
	[tilespmem:$0x1D400] =	vst v63  }
0x49: {  	_ =	swait.ge [sflag:s19], $0x4000  }
0x4a: {  	[sflag:s19] =	ssyncset.done $0x0  }
0x4b: {  	[sflag:s19] =	ssyncadd.s32 $0xFFFFC000  }
0x4c: {  	_ =	swait.ge [sflag:s21], $0x4000  }
0x4d: {  	[sflag:s21] =	ssyncset.done $0x0  }
0x4e: {  	s31 =	simm.s32 $0x0;
	[sflag:s21] =	ssyncadd.s32 $0xFFFFC000  }
0x4f: {  	[tilespmem:s22], [sflag:$0x2] =	stream.linear.gather [hbm4b:s13+s31], $0x4000, $0x38;
	[tilespmem:$0x1D400] =	vst v63  }
0x50: {  	_ = 	snop  }
0x51: {  	[spmem:s2] =	stream.indirect.scatter.add.f32 [tilespmem:s20], [sflag:$0x3], $0x80, s25, s23, $0xb8;
	[tilespmem:$0x1D400] =	vst v63  }
0x52: {  	_ =	swait.ge [sflag:s19], $0x4000  }
0x53: {  	[sflag:s19] =	ssyncset.done $0x0  }
0x54: {  	[sflag:s19] =	ssyncadd.s32 $0xFFFFC000  }
0x55: {  	_ =	swait.ge [sflag:s24], $0x4000  }
0x56: {  	[sflag:s24] =	ssyncset.done $0x0  }
0x57: {  	[sflag:s24] =	ssyncadd.s32 $0xFFFFC000  }
0x58: {  	[spmem:s2] =	stream.indirect.scatter.add.f32 [tilespmem:s22], [sflag:$0x3], $0x80, s26, s23, $0xb8;
	[tilespmem:$0x1D400] =	vst v63  }
0x59: {  	_ =	swait.ge [sflag:s19], $0x4000  }
0x5a: {  	[sflag:s19] =	ssyncset.done $0x0  }
0x5b: {  	[sflag:s19] =	ssyncadd.s32 $0xFFFFC000  }
0x5c: {  	[bflag:$0x0] =	sbarrier.arrive $0xFFFF  }
0x5d: {  	[hbm:s8], [sflag:s29] =	dma.local [spmem:s30], $0x2800  }
0x5e: {  	_ =	swait.ge [sflag:s19], $0x2800  }
0x5f: {  	[sflag:s19] =	ssyncset.done $0x0  }
0x60: {  	[sflag:s19] =	ssyncadd.s32 $0xFFFFD800  }
0x61: {  	[bflag:$0x0] =	sbarrier.arrive $0xFFFF  }
0x62: {  	[spmem:s30], [sflag:s29] =	dma.local [hbm:s9], $0x2800  }
0x63: {  	_ =	swait.ge [sflag:s19], $0x2800  }
0x64: {  	[sflag:s19] =	ssyncset.done $0x0  }
0x65: {  	[sflag:s19] =	ssyncadd.s32 $0xFFFFD800  }
0x66: {  	[bflag:$0x0] =	sbarrier.arrive $0xFFFF  }
0x67: {  	[tilespmem:s20], [sflag:$0x1] =	stream.linear.gather [hbm4b:s10+s31], $0x4000, $0x38;
	[tilespmem:$0x1D400] =	vst v63  }
0x68: {  	_ =	swait.ge [sflag:s21], $0x4000  }
0x69: {  	[sflag:s21] =	ssyncset.done $0x0  }
0x6a: {  	s0 =	sadd.s32 $0x0, s17;
	[sflag:s21] =	ssyncadd.s32 $0xFFFFC000  }
0x6b: {  	[tilespmem:s22], [sflag:$0x2] =	stream.linear.gather [hbm4b:s0+s3], $0x4000, $0x38;
	[tilespmem:$0x1D400] =	vst v63  }
0x6c: {  	_ = 	snop  }
0x6d: {  	[spmem:s2] =	stream.indirect.scatter.add.f32 [tilespmem:s20], [sflag:$0x3], $0x80, s31, s23, $0xb8;
	[tilespmem:$0x1D400] =	vst v63  }
0x6e: {  	_ =	swait.ge [sflag:s19], $0x4000  }
0x6f: {  	[sflag:s19] =	ssyncset.done $0x0  }
0x70: {  	[sflag:s19] =	ssyncadd.s32 $0xFFFFC000  }
0x71: {  	_ =	swait.ge [sflag:s24], $0x4000  }
0x72: {  	[sflag:s24] =	ssyncset.done $0x0  }
0x73: {  	s1 =	sadd.s32 $0x0, s18;
	[sflag:s24] =	ssyncadd.s32 $0xFFFFC000  }
0x74: {  	[tilespmem:s20], [sflag:$0x1] =	stream.linear.gather [hbm4b:s1+s3], $0x4000, $0x38;
	[tilespmem:$0x1D400] =	vst v63  }
0x75: {  	s4 =	simm.s32 $0x80  }
0x76: {  	[spmem:s2] =	stream.indirect.scatter.add.f32 [tilespmem:s22], [sflag:$0x3], $0x80, s4, s23, $0xb8;
	[tilespmem:$0x1D400] =	vst v63  }
0x77: {  	_ =	swait.ge [sflag:s19], $0x4000  }
0x78: {  	s0 =	simm.s32 $0x1000;
	[sflag:s19] =	ssyncset.done $0x0  }
.LBB2_4:
0x79: {  	p0 =	sne.s32 s0, $0x12000;
	[sflag:s19] =	ssyncadd.s32 $0xFFFFC000;
	s31 =	sadd.s32 $0x100, s31  }
0x7a: {  	s1 =	smov.u32 s0;
	s0 =	sadd.s32 $0x1000, s0  }
0x7b: {  	_ =	swait.ge [sflag:s21], $0x4000  }
0x7c: {  	[sflag:s21] =	ssyncset.done $0x0  }
0x7d: {  	s4 =	sadd.s32 s1, s17;
	[sflag:s21] =	ssyncadd.s32 $0xFFFFC000  }
0x7e: {  	[tilespmem:s22], [sflag:$0x2] =	stream.linear.gather [hbm4b:s4+s3], $0x4000, $0x38;
	[tilespmem:$0x1D400] =	vst v63  }
0x7f: {  	_ = 	snop  }
0x80: {  	[spmem:s2] =	stream.indirect.scatter.add.f32 [tilespmem:s20], [sflag:$0x3], $0x80, s31, s23, $0xb8;
	[tilespmem:$0x1D400] =	vst v63  }
0x81: {  	_ =	swait.ge [sflag:s19], $0x4000  }
0x82: {  	[sflag:s19] =	ssyncset.done $0x0  }
0x83: {  	[sflag:s19] =	ssyncadd.s32 $0xFFFFC000  }
0x84: {  	_ =	swait.ge [sflag:s24], $0x4000  }
0x85: {  	[sflag:s24] =	ssyncset.done $0x0  }
0x86: {  	s1 =	sadd.s32 s1, s18;
	[sflag:s24] =	ssyncadd.s32 $0xFFFFC000  }
0x87: {  	[tilespmem:s20], [sflag:$0x1] =	stream.linear.gather [hbm4b:s1+s3], $0x4000, $0x38;
	[tilespmem:$0x1D400] =	vst v63  }
.Ltmp1:
0x88: {  	_ = 	snop;
	(pc) =	sbr.rel @p0 .LBB2_4-.Ltmp1, $4  }
0x89: {  	s1 =	sadd.s32 $0x80, s31  }
0x8a: {  	[spmem:s2] =	stream.indirect.scatter.add.f32 [tilespmem:s22], [sflag:$0x3], $0x80, s1, s23, $0xb8;
	[tilespmem:$0x1D400] =	vst v63  }
0x8b: {  	_ =	swait.ge [sflag:s19], $0x4000  }
0x8c: {  	[sflag:s19] =	ssyncset.done $0x0  }
0x8d: {  	[sflag:s19] =	ssyncadd.s32 $0xFFFFC000  }
0x8e: {  	_ =	swait.ge [sflag:s21], $0x4000  }
0x8f: {  	[sflag:s21] =	ssyncset.done $0x0  }
0x90: {  	[sflag:s21] =	ssyncadd.s32 $0xFFFFC000  }
0x91: {  	[tilespmem:s22], [sflag:$0x2] =	stream.linear.gather [hbm4b:s14+s3], $0x4000, $0x38;
	[tilespmem:$0x1D400] =	vst v63  }
0x92: {  	_ = 	snop  }
0x93: {  	[spmem:s2] =	stream.indirect.scatter.add.f32 [tilespmem:s20], [sflag:$0x3], $0x80, s25, s23, $0xb8;
	[tilespmem:$0x1D400] =	vst v63  }
0x94: {  	_ =	swait.ge [sflag:s19], $0x4000  }
0x95: {  	[sflag:s19] =	ssyncset.done $0x0  }
0x96: {  	[sflag:s19] =	ssyncadd.s32 $0xFFFFC000  }
0x97: {  	_ =	swait.ge [sflag:s24], $0x4000  }
0x98: {  	[sflag:s24] =	ssyncset.done $0x0  }
0x99: {  	[sflag:s24] =	ssyncadd.s32 $0xFFFFC000  }
0x9a: {  	[spmem:s2] =	stream.indirect.scatter.add.f32 [tilespmem:s22], [sflag:$0x3], $0x80, s26, s23, $0xb8;
	[tilespmem:$0x1D400] =	vst v63  }
0x9b: {  	_ =	swait.ge [sflag:s19], $0x4000  }
0x9c: {  	[sflag:s19] =	ssyncset.done $0x0  }
0x9d: {  	s28 =	sadd.s32 $0x1, s28;
	[sflag:s19] =	ssyncadd.s32 $0xFFFFC000  }
0x9e: {  	p0 =	sne.s32 s28, s12;
	[bflag:$0x0] =	sbarrier.arrive $0xFFFF  }
0x9f: {  	[hbm:s11], [sflag:s29] =	dma.local [spmem:s30], $0x2800  }
.Ltmp2:
0xa0: {  	_ =	swait.ge [sflag:s19], $0x2800;
	(pc) =	sbr.rel @p0 .LBB2_1-.Ltmp2, $3  }
0xa1: {  	[sflag:s19] =	ssyncset.done $0x0  }
0xa2: {  	[sflag:s19] =	ssyncadd.s32 $0xFFFFD800  }
0xa3: {  	[bflag:$0x0] =	sbarrier.arrive $0xFFFF;
	_ =	sdelay $0x1  }
0xa4: {  	_ =	sfence.sel $0x180000  }
0xa5: {  	[bflag:$0x0] =	sbarrier.arrive $0xFFFF  }
0xa6: {  	_ =	strace $0x9000004D  }
0xa7: {  	s0 =	stileid.u32;
	[bflag:$0x2] =	sbarrier.arrive $0xFFFF  }
0xa8: {  	p0 =	sne.s32 s0, $0x0;
	s0 =	rddreg [dreg:$0x3]  }
0xa9: {  	s0 =	sadd.s32 @!p0 $0x100000, s0  }
0xaa: {  	[sflag:s0] =	ssyncadd.tile.s32 @!p0 $0x1;
	_ =	shalt  }
.Lfunc_end2:
_tile_overlayer_lowered:
.L_overlay_start_2:
0xab: {  	(tag) =	ssettag $0x2  }
0xac: {  	s0 =	rddreg [dreg:$0x0];
	s2 =	stileid.u32  }
0xad: {  	s1 =	rddreg [dreg:$0x1];
	p0 =	sne.s32 s2, $0x0  }
0xae: {  	s3 =	rddreg [dreg:$0x2];
	[bflag:$0x3] =	sbarrier.arrive $0xFFFF;
	s2 =	simm.s32 @!p0 $0x1C03  }
0xaf: {  	[timem:s3], [sflag:s2] =	dma.local @!p0 [hbm:s0], s1  }
0xb0: {  	s0 =	simm.s32 @!p0 $0x3  }
0xb1: {  	_ =	swait.ge @!p0 [sflag:s0], s1  }
0xb2: {  	s1 =	ssub.s32 @!p0 $0x0, s1;
	[sflag:s0] =	ssyncset.done @!p0 $0x0  }
0xb3: {  	[sflag:s0] =	ssyncadd.s32 @!p0 s1  }
0xb4: {  	[bflag:$0x3] =	sbarrier.arrive $0xFFFF  }
0xb5: {  	_ =	shalt  }

</sc_bundles>
